<compile_context>
chip_gen: v7x
topology: tpu7x:2x2x1
jax: 0.10.2.dev20260603
libtpu: 0.0.44.dev20260713+nightly
codegen_flags: <defaults>
</compile_context>

<pallas_src>
import jax
import jax.numpy as jnp
from jax import lax
from jax.experimental import pallas as pl
from jax.experimental.pallas import tpu as pltpu
from jax.experimental.pallas import tpu_sc as plsc

_N = 10000
_E = 320000
_FIN = 128
_FOUT = 64
_G = 64
_NC = 2
_NS = 16
_NW = _NC * _NS
_EW = _E // _NW
_CH = 100
_FX = 144
_NCHUNK = _EW // _CH
_GC = 20
_NG = _NCHUNK // _GC
_NP = 10240
_RT = _NP // _NS
_BLK = 1000
_NBLK = _N // _BLK


def _sc_body(x_hbm, src_hbm, dst_hbm, hpart_hbm,
             src_v, dst_v, rows0_v, rows1_v, zrow_v, h_sh, sem0, sem1):
    c = lax.axis_index("c")
    s = lax.axis_index("s")
    base = s * _RT

    def _zrow(i, _):
        for j in range(_FX // 16):
            zrow_v[i, pl.ds(j * 16, 16)] = jnp.zeros((16,), jnp.float32)
        return 0
    lax.fori_loop(0, 32, _zrow, 0)

    for k in range(_RT // 32):
        pltpu.sync_copy(zrow_v, h_sh.at[pl.ds(base + k * 32, 32)])
    plsc.subcore_barrier()

    def _group(g, _):
        pltpu.sync_copy(src_hbm.at[c, s, g], src_v)
        pltpu.sync_copy(dst_hbm.at[c, s, g], dst_v)

        pltpu.async_copy(x_hbm.at[src_v.at[0]], rows0_v, sem0)

        def _pair(j, _):
            i0 = 2 * j
            pltpu.async_copy(x_hbm.at[src_v.at[i0 + 1]], rows1_v, sem1)
            pltpu.make_async_copy(x_hbm.at[pl.ds(0, _CH)], rows0_v, sem0).wait()
            pltpu.sync_copy(rows0_v, h_sh.at[dst_v.at[i0]], add=True)

            @pl.when(j < _GC // 2 - 1)
            def _():
                pltpu.async_copy(x_hbm.at[src_v.at[i0 + 2]], rows0_v, sem0)

            pltpu.make_async_copy(x_hbm.at[pl.ds(0, _CH)], rows1_v, sem1).wait()
            pltpu.sync_copy(rows1_v, h_sh.at[dst_v.at[i0 + 1]], add=True)
            return 0
        lax.fori_loop(0, _GC // 2, _pair, 0)
        return 0
    lax.fori_loop(0, _NG, _group, 0)
    plsc.subcore_barrier()

    for k in range(_RT // 32):
        pltpu.sync_copy(h_sh.at[pl.ds(base + k * 32, 32)], zrow_v)
        pltpu.sync_copy(zrow_v, hpart_hbm.at[c, pl.ds(base + k * 32, 32)])


def _make_sc_scatter():
    return pl.kernel(
        _sc_body,
        out_type=jax.ShapeDtypeStruct((_NC, _NP, _FX), jnp.float32),
        mesh=plsc.VectorSubcoreMesh(core_axis_name="c", subcore_axis_name="s",
                                    num_cores=_NC, num_subcores=_NS),
        scratch_types=[
            pltpu.VMEM((_GC, _CH), jnp.int32),
            pltpu.VMEM((_GC, _CH), jnp.int32),
            pltpu.VMEM((_CH, _FX), jnp.float32),
            pltpu.VMEM((_CH, _FX), jnp.float32),
            pltpu.VMEM((32, _FX), jnp.float32),
            pltpu.VMEM_SHARED((_NP, _FX), jnp.float32),
            pltpu.SemaphoreType.DMA,
            pltpu.SemaphoreType.DMA,
        ],
        compiler_params=pltpu.CompilerParams(use_tc_tiling_on_sc=False),
    )


def _tc_body(x_ref, h_ref, b_ref, wl_ref, wr_ref, out_ref):
    i = pl.program_id(0)
    xb = x_ref[...]
    h0 = h_ref[0]
    h1 = h_ref[1]
    hb = h0[:, :_FIN] + h1[:, :_FIN]
    cnt = h0[:, _FIN:_FIN + 1] + h1[:, _FIN:_FIN + 1]
    deg = jnp.minimum(cnt, 4.0)
    acc = jnp.zeros((_BLK, _FOUT), jnp.float32)
    for d in range(5):
        m = (deg == float(d)).astype(jnp.float32)
        acc = acc + jnp.dot(hb * m, wl_ref[d], preferred_element_type=jnp.float32)
        acc = acc + jnp.dot(xb * m, wr_ref[d], preferred_element_type=jnp.float32)
    acc = jnp.maximum(acc, 0.0)
    acc = acc - jnp.max(acc, axis=1, keepdims=True)
    e = jnp.exp(acc)
    p = e / jnp.sum(e, axis=1, keepdims=True)
    bb = b_ref[0, 0, :]
    oh = (bb[:, None] == lax.broadcasted_iota(jnp.int32, (_BLK, _G), 1))
    contrib = lax.dot_general(oh.astype(jnp.float32), p,
                              (((0,), (0,)), ((), ())),
                              preferred_element_type=jnp.float32)

    @pl.when(i == 0)
    def _():
        out_ref[...] = jnp.zeros_like(out_ref)

    out_ref[...] += contrib


def kernel(x, edge_index, batch, Wl, Wr):
    src = edge_index[0].reshape(_NC, _NS, _NG, _GC, _CH)
    dst = edge_index[1].reshape(_NC, _NS, _NG, _GC, _CH)
    xext = jnp.concatenate(
        [x, jnp.ones((_N, 1), jnp.float32), jnp.zeros((_N, _FX - _FIN - 1), jnp.float32)],
        axis=1)
    hpart = _make_sc_scatter()(xext, src, dst)
    batch3 = batch.reshape(_NBLK, 1, _BLK)
    pooled = pl.pallas_call(
        _tc_body,
        grid=(_NBLK,),
        in_specs=[
            pl.BlockSpec((_BLK, _FIN), lambda b: (b, 0)),
            pl.BlockSpec((_NC, _BLK, _FX), lambda b: (0, b, 0)),
            pl.BlockSpec((1, 1, _BLK), lambda b: (b, 0, 0)),
            pl.BlockSpec((5, _FIN, _FOUT), lambda b: (0, 0, 0)),
            pl.BlockSpec((5, _FIN, _FOUT), lambda b: (0, 0, 0)),
        ],
        out_specs=pl.BlockSpec((_G, _FOUT), lambda b: (0, 0)),
        out_shape=jax.ShapeDtypeStruct((_G, _FOUT), jnp.float32),
    )(x, hpart, batch3, Wl, Wr)
    return pooled

# --- scband reference (transcript-rebuilt; emitter-appended) ---
"""Pipeline reference for scband-fpnn-v3-84061099917748 (READ-ONLY COPY).

The authoritative reference and input builder live on the scoring server;
editing this copy changes nothing except your own understanding.
"""

import jax, jax.numpy as jnp
import numpy as np

MAX_DEGREE = 4
NUM_GRAPHS = 64
N_NODES = 10000
N_EDGES = 320000
F_IN = 128
F_OUT = 64


def setup_inputs(seed: int = 0) -> dict:
    key = jax.random.key(seed)
    k1, k2, k3, k4, k5 = jax.random.split(key, 5)
    x = jax.random.normal(k1, (N_NODES, F_IN), dtype=jnp.float32)
    edge_index = jax.random.randint(k2, (2, N_EDGES), 0, N_NODES, dtype=jnp.int32)
    batch = jnp.sort(jax.random.randint(k3, (N_NODES,), 0, NUM_GRAPHS, dtype=jnp.int32))
    # MFConv weights: per-degree linear layers (degrees 0..MAX_DEGREE), bias=False.
    # Wl applies to the aggregated neighbor sum, Wr to the root/self features.
    scale = 1.0 / np.sqrt(F_IN)
    Wl = jax.random.uniform(k4, (MAX_DEGREE + 1, F_IN, F_OUT), dtype=jnp.float32, minval=-scale, maxval=scale)
    Wr = jax.random.uniform(k5, (MAX_DEGREE + 1, F_IN, F_OUT), dtype=jnp.float32, minval=-scale, maxval=scale)
    return {"x": x, "edge_index": edge_index, "batch": batch, "Wl": Wl, "Wr": Wr}


def reference(x, edge_index, batch, Wl, Wr):
    N = x.shape[0]
    src = edge_index[0]
    dst = edge_index[1]
    # in-degree of target nodes, clamped to max_degree (as in PyG MFConv)
    deg = jnp.clip(jnp.bincount(dst, length=N), 0, MAX_DEGREE)
    # sum-aggregate neighbor features: scatter-add x[src] into dst slots
    h = jnp.zeros_like(x).at[dst].add(x[src])
    # per-degree linear transform: out[v] = Wl[deg(v)]^T h[v] + Wr[deg(v)]^T x[v]
    out = jnp.zeros((N, F_OUT), dtype=x.dtype)
    for i in range(MAX_DEGREE + 1):
        mask = (deg == i).astype(x.dtype)[:, None]
        out = out + mask * (h @ Wl[i] + x @ Wr[i])
    out = jax.nn.relu(out)
    out = jax.nn.softmax(out, axis=1)
    # global_add_pool: segment-sum node features per graph id
    pooled = jax.ops.segment_sum(out, batch, num_segments=NUM_GRAPHS)
    return pooled

if __name__ == "__main__":
    import jax
    _d = setup_inputs()
    print(jax.jit(kernel)(*tuple(_d.values())))

</pallas_src>

<mosaic_0001>
#map = affine_map<(d0, d1) -> (0, 0)>
#map1 = affine_map<(d0, d1) -> (0, 0, 0, 0, 0)>
#map2 = affine_map<(d0, d1) -> (0, 0, 0)>
module attributes {stable_mosaic.version = 14 : i64} {
  func.func @_sc_body(%arg0: i32, %arg1: i32, %arg2: memref<10000x144xf32, #tpu.memory_space<hbm>>, %arg3: memref<2x16x5x20x100xi32, #tpu.memory_space<hbm>>, %arg4: memref<2x16x5x20x100xi32, #tpu.memory_space<hbm>>, %arg5: memref<2x10240x144xf32, #tpu.memory_space<hbm>>, %arg6: memref<20x100xi32, #tpu.memory_space<vmem>>, %arg7: memref<20x100xi32, #tpu.memory_space<vmem>>, %arg8: memref<100x144xf32, #tpu.memory_space<vmem>>, %arg9: memref<100x144xf32, #tpu.memory_space<vmem>>, %arg10: memref<32x144xf32, #tpu.memory_space<vmem>>, %arg11: memref<10240x144xf32, #tpu.memory_space<vmem_shared>>, %arg12: memref<!tpu.dma_semaphore, #tpu.memory_space<semaphore_mem>>, %arg13: memref<!tpu.dma_semaphore, #tpu.memory_space<semaphore_mem>>) attributes {dimension_semantics = [#tpu.dimension_semantics<core_parallel>, #tpu.dimension_semantics<subcore_parallel>], iteration_bounds = array<i64: 2, 16>, scalar_prefetch = 0 : i64, scratch_operands = 8 : i64, tpu.core_type = #tpu.core_type<sc_vector_subcore>, window_params = [{transform_indices = #map}, {transform_indices = #map1}, {transform_indices = #map1}, {transform_indices = #map2}]} {
    %mul3A = arith.constant 640 : i32
    %mul3A_0 = arith.muli %arg1, %mul3A : i32
    %scan3A = arith.constant 0 : i32
    %scan3A_1 = arith.constant 0 : i32
    %scan3A_2 = arith.constant 32 : i32
    %scan3A_3 = arith.addi %scan3A_1, %scan3A_2 : i32
    %scan3A_4 = arith.constant 1 : i32
    %scan3A_5 = scf.for %scan3A_134 = %scan3A_1 to %scan3A_3 step %scan3A_4 iter_args(%scan3A_135 = %scan3A) -> (i32)  : i32 {
      %broadcast_in_dim3A = arith.constant 0.000000e+00 : f32
      %broadcast_in_dim3A_136 = vector.broadcast %broadcast_in_dim3A : f32 to vector<16xf32>
      %swap3A = arith.index_cast %scan3A_134 : i32 to index
      %swap3A_137 = arith.constant 0 : index
      %swap3A_138 = tpu.vector_load %arg10[%swap3A, %swap3A_137] {strides = array<i32>} : memref<32x144xf32, #tpu.memory_space<vmem>>, vector<1x16xf32>,
      %swap3A_139 = vector.shape_cast %swap3A_138 : vector<1x16xf32> to vector<16xf32>
      %swap3A_140 = vector.shape_cast %broadcast_in_dim3A_136 : vector<16xf32> to vector<1x16xf32>
      tpu.vector_store %arg10[%swap3A, %swap3A_137], %swap3A_140 {strides = array<i32>} : memref<32x144xf32, #tpu.memory_space<vmem>>, vector<1x16xf32>,
      %broadcast_in_dim3A_141 = arith.constant 0.000000e+00 : f32
      %broadcast_in_dim3A_142 = vector.broadcast %broadcast_in_dim3A_141 : f32 to vector<16xf32>
      %swap3A_143 = arith.index_cast %scan3A_134 : i32 to index
      %swap3A_144 = arith.constant 16 : index
      %swap3A_145 = tpu.vector_load %arg10[%swap3A_143, %swap3A_144] {strides = array<i32>} : memref<32x144xf32, #tpu.memory_space<vmem>>, vector<1x16xf32>,
      %swap3A_146 = vector.shape_cast %swap3A_145 : vector<1x16xf32> to vector<16xf32>
      %swap3A_147 = vector.shape_cast %broadcast_in_dim3A_142 : vector<16xf32> to vector<1x16xf32>
      tpu.vector_store %arg10[%swap3A_143, %swap3A_144], %swap3A_147 {strides = array<i32>} : memref<32x144xf32, #tpu.memory_space<vmem>>, vector<1x16xf32>,
      %broadcast_in_dim3A_148 = arith.constant 0.000000e+00 : f32
      %broadcast_in_dim3A_149 = vector.broadcast %broadcast_in_dim3A_148 : f32 to vector<16xf32>
      %swap3A_150 = arith.index_cast %scan3A_134 : i32 to index
      %swap3A_151 = arith.constant 32 : index
      %swap3A_152 = tpu.vector_load %arg10[%swap3A_150, %swap3A_151] {strides = array<i32>} : memref<32x144xf32, #tpu.memory_space<vmem>>, vector<1x16xf32>,
      %swap3A_153 = vector.shape_cast %swap3A_152 : vector<1x16xf32> to vector<16xf32>
      %swap3A_154 = vector.shape_cast %broadcast_in_dim3A_149 : vector<16xf32> to vector<1x16xf32>
      tpu.vector_store %arg10[%swap3A_150, %swap3A_151], %swap3A_154 {strides = array<i32>} : memref<32x144xf32, #tpu.memory_space<vmem>>, vector<1x16xf32>,
      %broadcast_in_dim3A_155 = arith.constant 0.000000e+00 : f32
      %broadcast_in_dim3A_156 = vector.broadcast %broadcast_in_dim3A_155 : f32 to vector<16xf32>
      %swap3A_157 = arith.index_cast %scan3A_134 : i32 to index
      %swap3A_158 = arith.constant 48 : index
      %swap3A_159 = tpu.vector_load %arg10[%swap3A_157, %swap3A_158] {strides = array<i32>} : memref<32x144xf32, #tpu.memory_space<vmem>>, vector<1x16xf32>,
      %swap3A_160 = vector.shape_cast %swap3A_159 : vector<1x16xf32> to vector<16xf32>
      %swap3A_161 = vector.shape_cast %broadcast_in_dim3A_156 : vector<16xf32> to vector<1x16xf32>
      tpu.vector_store %arg10[%swap3A_157, %swap3A_158], %swap3A_161 {strides = array<i32>} : memref<32x144xf32, #tpu.memory_space<vmem>>, vector<1x16xf32>,
      %broadcast_in_dim3A_162 = arith.constant 0.000000e+00 : f32
      %broadcast_in_dim3A_163 = vector.broadcast %broadcast_in_dim3A_162 : f32 to vector<16xf32>
      %swap3A_164 = arith.index_cast %scan3A_134 : i32 to index
      %swap3A_165 = arith.constant 64 : index
      %swap3A_166 = tpu.vector_load %arg10[%swap3A_164, %swap3A_165] {strides = array<i32>} : memref<32x144xf32, #tpu.memory_space<vmem>>, vector<1x16xf32>,
      %swap3A_167 = vector.shape_cast %swap3A_166 : vector<1x16xf32> to vector<16xf32>
      %swap3A_168 = vector.shape_cast %broadcast_in_dim3A_163 : vector<16xf32> to vector<1x16xf32>
      tpu.vector_store %arg10[%swap3A_164, %swap3A_165], %swap3A_168 {strides = array<i32>} : memref<32x144xf32, #tpu.memory_space<vmem>>, vector<1x16xf32>,
      %broadcast_in_dim3A_169 = arith.constant 0.000000e+00 : f32
      %broadcast_in_dim3A_170 = vector.broadcast %broadcast_in_dim3A_169 : f32 to vector<16xf32>
      %swap3A_171 = arith.index_cast %scan3A_134 : i32 to index
      %swap3A_172 = arith.constant 80 : index
      %swap3A_173 = tpu.vector_load %arg10[%swap3A_171, %swap3A_172] {strides = array<i32>} : memref<32x144xf32, #tpu.memory_space<vmem>>, vector<1x16xf32>,
      %swap3A_174 = vector.shape_cast %swap3A_173 : vector<1x16xf32> to vector<16xf32>
      %swap3A_175 = vector.shape_cast %broadcast_in_dim3A_170 : vector<16xf32> to vector<1x16xf32>
      tpu.vector_store %arg10[%swap3A_171, %swap3A_172], %swap3A_175 {strides = array<i32>} : memref<32x144xf32, #tpu.memory_space<vmem>>, vector<1x16xf32>,
      %broadcast_in_dim3A_176 = arith.constant 0.000000e+00 : f32
      %broadcast_in_dim3A_177 = vector.broadcast %broadcast_in_dim3A_176 : f32 to vector<16xf32>
      %swap3A_178 = arith.index_cast %scan3A_134 : i32 to index
      %swap3A_179 = arith.constant 96 : index
      %swap3A_180 = tpu.vector_load %arg10[%swap3A_178, %swap3A_179] {strides = array<i32>} : memref<32x144xf32, #tpu.memory_space<vmem>>, vector<1x16xf32>,
      %swap3A_181 = vector.shape_cast %swap3A_180 : vector<1x16xf32> to vector<16xf32>
      %swap3A_182 = vector.shape_cast %broadcast_in_dim3A_177 : vector<16xf32> to vector<1x16xf32>
      tpu.vector_store %arg10[%swap3A_178, %swap3A_179], %swap3A_182 {strides = array<i32>} : memref<32x144xf32, #tpu.memory_space<vmem>>, vector<1x16xf32>,
      %broadcast_in_dim3A_183 = arith.constant 0.000000e+00 : f32
      %broadcast_in_dim3A_184 = vector.broadcast %broadcast_in_dim3A_183 : f32 to vector<16xf32>
      %swap3A_185 = arith.index_cast %scan3A_134 : i32 to index
      %swap3A_186 = arith.constant 112 : index
      %swap3A_187 = tpu.vector_load %arg10[%swap3A_185, %swap3A_186] {strides = array<i32>} : memref<32x144xf32, #tpu.memory_space<vmem>>, vector<1x16xf32>,
      %swap3A_188 = vector.shape_cast %swap3A_187 : vector<1x16xf32> to vector<16xf32>
      %swap3A_189 = vector.shape_cast %broadcast_in_dim3A_184 : vector<16xf32> to vector<1x16xf32>
      tpu.vector_store %arg10[%swap3A_185, %swap3A_186], %swap3A_189 {strides = array<i32>} : memref<32x144xf32, #tpu.memory_space<vmem>>, vector<1x16xf32>,
      %broadcast_in_dim3A_190 = arith.constant 0.000000e+00 : f32
      %broadcast_in_dim3A_191 = vector.broadcast %broadcast_in_dim3A_190 : f32 to vector<16xf32>
      %swap3A_192 = arith.index_cast %scan3A_134 : i32 to index
      %swap3A_193 = arith.constant 128 : index
      %swap3A_194 = tpu.vector_load %arg10[%swap3A_192, %swap3A_193] {strides = array<i32>} : memref<32x144xf32, #tpu.memory_space<vmem>>, vector<1x16xf32>,
      %swap3A_195 = vector.shape_cast %swap3A_194 : vector<1x16xf32> to vector<16xf32>
      %swap3A_196 = vector.shape_cast %broadcast_in_dim3A_191 : vector<16xf32> to vector<1x16xf32>
      tpu.vector_store %arg10[%swap3A_192, %swap3A_193], %swap3A_196 {strides = array<i32>} : memref<32x144xf32, #tpu.memory_space<vmem>>, vector<1x16xf32>,
      %scan3A_197 = arith.constant 0 : i32
      scf.yield %scan3A_197 : i32
    }
    %scan3A_6 = arith.constant 32 : i32
    %add3A = arith.constant 0 : i32
    %add3A_7 = arith.addi %mul3A_0, %add3A : i32
    "tpu.region"() ({
      %run_scoped3A = tpu.sem_alloc : memref<!tpu.dma_semaphore, #tpu.memory_space<semaphore_mem>>
      %dma_start3A = arith.constant 0 : i32
      %dma_start3A_134 = tpu.memref_slice %arg11[%add3A_7, %dma_start3A] : memref<10240x144xf32, #tpu.memory_space<vmem_shared>> -> memref<32x144xf32, #tpu.memory_space<vmem_shared>>
      %dma_start3A_135 = arith.constant 0 : i32
      %dma_start3A_136 = tpu.memref_slice %arg11[%add3A_7, %dma_start3A_135] : memref<10240x144xf32, #tpu.memory_space<vmem_shared>> -> memref<32x144xf32, #tpu.memory_space<vmem_shared>>
      tpu.enqueue_dma source(%arg10 : memref<32x144xf32, #tpu.memory_space<vmem>>) target(%dma_start3A_136 : memref<32x144xf32, #tpu.memory_space<vmem_shared>>) target_semaphore(%run_scoped3A : memref<!tpu.dma_semaphore, #tpu.memory_space<semaphore_mem>>)
      %dma_wait3A = arith.constant 0 : i32
      %dma_wait3A_137 = tpu.memref_slice %arg11[%add3A_7, %dma_wait3A] : memref<10240x144xf32, #tpu.memory_space<vmem_shared>> -> memref<32x144xf32, #tpu.memory_space<vmem_shared>>
      %dma_wait3A_138 = arith.constant 0 : i32
      %dma_wait3A_139 = tpu.memref_slice %arg11[%add3A_7, %dma_wait3A_138] : memref<10240x144xf32, #tpu.memory_space<vmem_shared>> -> memref<32x144xf32, #tpu.memory_space<vmem_shared>>
      tpu.wait_dma2 semaphore(%run_scoped3A : memref<!tpu.dma_semaphore, #tpu.memory_space<semaphore_mem>>) src(%arg10 : memref<32x144xf32, #tpu.memory_space<vmem>>) dst(%dma_wait3A_139 : memref<32x144xf32, #tpu.memory_space<vmem_shared>>)
      tpu.yield
    }) : () -> ()
    %add3A_8 = arith.constant 32 : i32
    %add3A_9 = arith.addi %mul3A_0, %add3A_8 : i32
    "tpu.region"() ({
      %run_scoped3A = tpu.sem_alloc : memref<!tpu.dma_semaphore, #tpu.memory_space<semaphore_mem>>
      %dma_start3A = arith.constant 0 : i32
      %dma_start3A_134 = tpu.memref_slice %arg11[%add3A_9, %dma_start3A] : memref<10240x144xf32, #tpu.memory_space<vmem_shared>> -> memref<32x144xf32, #tpu.memory_space<vmem_shared>>
      %dma_start3A_135 = arith.constant 0 : i32
      %dma_start3A_136 = tpu.memref_slice %arg11[%add3A_9, %dma_start3A_135] : memref<10240x144xf32, #tpu.memory_space<vmem_shared>> -> memref<32x144xf32, #tpu.memory_space<vmem_shared>>
      tpu.enqueue_dma source(%arg10 : memref<32x144xf32, #tpu.memory_space<vmem>>) target(%dma_start3A_136 : memref<32x144xf32, #tpu.memory_space<vmem_shared>>) target_semaphore(%run_scoped3A : memref<!tpu.dma_semaphore, #tpu.memory_space<semaphore_mem>>)
      %dma_wait3A = arith.constant 0 : i32
      %dma_wait3A_137 = tpu.memref_slice %arg11[%add3A_9, %dma_wait3A] : memref<10240x144xf32, #tpu.memory_space<vmem_shared>> -> memref<32x144xf32, #tpu.memory_space<vmem_shared>>
      %dma_wait3A_138 = arith.constant 0 : i32
      %dma_wait3A_139 = tpu.memref_slice %arg11[%add3A_9, %dma_wait3A_138] : memref<10240x144xf32, #tpu.memory_space<vmem_shared>> -> memref<32x144xf32, #tpu.memory_space<vmem_shared>>
      tpu.wait_dma2 semaphore(%run_scoped3A : memref<!tpu.dma_semaphore, #tpu.memory_space<semaphore_mem>>) src(%arg10 : memref<32x144xf32, #tpu.memory_space<vmem>>) dst(%dma_wait3A_139 : memref<32x144xf32, #tpu.memory_space<vmem_shared>>)
      tpu.yield
    }) : () -> ()
    %add3A_10 = arith.constant 64 : i32
    %add3A_11 = arith.addi %mul3A_0, %add3A_10 : i32
    "tpu.region"() ({
      %run_scoped3A = tpu.sem_alloc : memref<!tpu.dma_semaphore, #tpu.memory_space<semaphore_mem>>
      %dma_start3A = arith.constant 0 : i32
      %dma_start3A_134 = tpu.memref_slice %arg11[%add3A_11, %dma_start3A] : memref<10240x144xf32, #tpu.memory_space<vmem_shared>> -> memref<32x144xf32, #tpu.memory_space<vmem_shared>>
      %dma_start3A_135 = arith.constant 0 : i32
      %dma_start3A_136 = tpu.memref_slice %arg11[%add3A_11, %dma_start3A_135] : memref<10240x144xf32, #tpu.memory_space<vmem_shared>> -> memref<32x144xf32, #tpu.memory_space<vmem_shared>>
      tpu.enqueue_dma source(%arg10 : memref<32x144xf32, #tpu.memory_space<vmem>>) target(%dma_start3A_136 : memref<32x144xf32, #tpu.memory_space<vmem_shared>>) target_semaphore(%run_scoped3A : memref<!tpu.dma_semaphore, #tpu.memory_space<semaphore_mem>>)
      %dma_wait3A = arith.constant 0 : i32
      %dma_wait3A_137 = tpu.memref_slice %arg11[%add3A_11, %dma_wait3A] : memref<10240x144xf32, #tpu.memory_space<vmem_shared>> -> memref<32x144xf32, #tpu.memory_space<vmem_shared>>
      %dma_wait3A_138 = arith.constant 0 : i32
      %dma_wait3A_139 = tpu.memref_slice %arg11[%add3A_11, %dma_wait3A_138] : memref<10240x144xf32, #tpu.memory_space<vmem_shared>> -> memref<32x144xf32, #tpu.memory_space<vmem_shared>>
      tpu.wait_dma2 semaphore(%run_scoped3A : memref<!tpu.dma_semaphore, #tpu.memory_space<semaphore_mem>>) src(%arg10 : memref<32x144xf32, #tpu.memory_space<vmem>>) dst(%dma_wait3A_139 : memref<32x144xf32, #tpu.memory_space<vmem_shared>>)
      tpu.yield
    }) : () -> ()
    %add3A_12 = arith.constant 96 : i32
    %add3A_13 = arith.addi %mul3A_0, %add3A_12 : i32
    "tpu.region"() ({
      %run_scoped3A = tpu.sem_alloc : memref<!tpu.dma_semaphore, #tpu.memory_space<semaphore_mem>>
      %dma_start3A = arith.constant 0 : i32
      %dma_start3A_134 = tpu.memref_slice %arg11[%add3A_13, %dma_start3A] : memref<10240x144xf32, #tpu.memory_space<vmem_shared>> -> memref<32x144xf32, #tpu.memory_space<vmem_shared>>
      %dma_start3A_135 = arith.constant 0 : i32
      %dma_start3A_136 = tpu.memref_slice %arg11[%add3A_13, %dma_start3A_135] : memref<10240x144xf32, #tpu.memory_space<vmem_shared>> -> memref<32x144xf32, #tpu.memory_space<vmem_shared>>
      tpu.enqueue_dma source(%arg10 : memref<32x144xf32, #tpu.memory_space<vmem>>) target(%dma_start3A_136 : memref<32x144xf32, #tpu.memory_space<vmem_shared>>) target_semaphore(%run_scoped3A : memref<!tpu.dma_semaphore, #tpu.memory_space<semaphore_mem>>)
      %dma_wait3A = arith.constant 0 : i32
      %dma_wait3A_137 = tpu.memref_slice %arg11[%add3A_13, %dma_wait3A] : memref<10240x144xf32, #tpu.memory_space<vmem_shared>> -> memref<32x144xf32, #tpu.memory_space<vmem_shared>>
      %dma_wait3A_138 = arith.constant 0 : i32
      %dma_wait3A_139 = tpu.memref_slice %arg11[%add3A_13, %dma_wait3A_138] : memref<10240x144xf32, #tpu.memory_space<vmem_shared>> -> memref<32x144xf32, #tpu.memory_space<vmem_shared>>
      tpu.wait_dma2 semaphore(%run_scoped3A : memref<!tpu.dma_semaphore, #tpu.memory_space<semaphore_mem>>) src(%arg10 : memref<32x144xf32, #tpu.memory_space<vmem>>) dst(%dma_wait3A_139 : memref<32x144xf32, #tpu.memory_space<vmem_shared>>)
      tpu.yield
    }) : () -> ()
    %add3A_14 = arith.constant 128 : i32
    %add3A_15 = arith.addi %mul3A_0, %add3A_14 : i32
    "tpu.region"() ({
      %run_scoped3A = tpu.sem_alloc : memref<!tpu.dma_semaphore, #tpu.memory_space<semaphore_mem>>
      %dma_start3A = arith.constant 0 : i32
      %dma_start3A_134 = tpu.memref_slice %arg11[%add3A_15, %dma_start3A] : memref<10240x144xf32, #tpu.memory_space<vmem_shared>> -> memref<32x144xf32, #tpu.memory_space<vmem_shared>>
      %dma_start3A_135 = arith.constant 0 : i32
      %dma_start3A_136 = tpu.memref_slice %arg11[%add3A_15, %dma_start3A_135] : memref<10240x144xf32, #tpu.memory_space<vmem_shared>> -> memref<32x144xf32, #tpu.memory_space<vmem_shared>>
      tpu.enqueue_dma source(%arg10 : memref<32x144xf32, #tpu.memory_space<vmem>>) target(%dma_start3A_136 : memref<32x144xf32, #tpu.memory_space<vmem_shared>>) target_semaphore(%run_scoped3A : memref<!tpu.dma_semaphore, #tpu.memory_space<semaphore_mem>>)
      %dma_wait3A = arith.constant 0 : i32
      %dma_wait3A_137 = tpu.memref_slice %arg11[%add3A_15, %dma_wait3A] : memref<10240x144xf32, #tpu.memory_space<vmem_shared>> -> memref<32x144xf32, #tpu.memory_space<vmem_shared>>
      %dma_wait3A_138 = arith.constant 0 : i32
      %dma_wait3A_139 = tpu.memref_slice %arg11[%add3A_15, %dma_wait3A_138] : memref<10240x144xf32, #tpu.memory_space<vmem_shared>> -> memref<32x144xf32, #tpu.memory_space<vmem_shared>>
      tpu.wait_dma2 semaphore(%run_scoped3A : memref<!tpu.dma_semaphore, #tpu.memory_space<semaphore_mem>>) src(%arg10 : memref<32x144xf32, #tpu.memory_space<vmem>>) dst(%dma_wait3A_139 : memref<32x144xf32, #tpu.memory_space<vmem_shared>>)
      tpu.yield
    }) : () -> ()
    %add3A_16 = arith.constant 160 : i32
    %add3A_17 = arith.addi %mul3A_0, %add3A_16 : i32
    "tpu.region"() ({
      %run_scoped3A = tpu.sem_alloc : memref<!tpu.dma_semaphore, #tpu.memory_space<semaphore_mem>>
      %dma_start3A = arith.constant 0 : i32
      %dma_start3A_134 = tpu.memref_slice %arg11[%add3A_17, %dma_start3A] : memref<10240x144xf32, #tpu.memory_space<vmem_shared>> -> memref<32x144xf32, #tpu.memory_space<vmem_shared>>
      %dma_start3A_135 = arith.constant 0 : i32
      %dma_start3A_136 = tpu.memref_slice %arg11[%add3A_17, %dma_start3A_135] : memref<10240x144xf32, #tpu.memory_space<vmem_shared>> -> memref<32x144xf32, #tpu.memory_space<vmem_shared>>
      tpu.enqueue_dma source(%arg10 : memref<32x144xf32, #tpu.memory_space<vmem>>) target(%dma_start3A_136 : memref<32x144xf32, #tpu.memory_space<vmem_shared>>) target_semaphore(%run_scoped3A : memref<!tpu.dma_semaphore, #tpu.memory_space<semaphore_mem>>)
      %dma_wait3A = arith.constant 0 : i32
      %dma_wait3A_137 = tpu.memref_slice %arg11[%add3A_17, %dma_wait3A] : memref<10240x144xf32, #tpu.memory_space<vmem_shared>> -> memref<32x144xf32, #tpu.memory_space<vmem_shared>>
      %dma_wait3A_138 = arith.constant 0 : i32
      %dma_wait3A_139 = tpu.memref_slice %arg11[%add3A_17, %dma_wait3A_138] : memref<10240x144xf32, #tpu.memory_space<vmem_shared>> -> memref<32x144xf32, #tpu.memory_space<vmem_shared>>
      tpu.wait_dma2 semaphore(%run_scoped3A : memref<!tpu.dma_semaphore, #tpu.memory_space<semaphore_mem>>) src(%arg10 : memref<32x144xf32, #tpu.memory_space<vmem>>) dst(%dma_wait3A_139 : memref<32x144xf32, #tpu.memory_space<vmem_shared>>)
      tpu.yield
    }) : () -> ()
    %add3A_18 = arith.constant 192 : i32
    %add3A_19 = arith.addi %mul3A_0, %add3A_18 : i32
    "tpu.region"() ({
      %run_scoped3A = tpu.sem_alloc : memref<!tpu.dma_semaphore, #tpu.memory_space<semaphore_mem>>
      %dma_start3A = arith.constant 0 : i32
      %dma_start3A_134 = tpu.memref_slice %arg11[%add3A_19, %dma_start3A] : memref<10240x144xf32, #tpu.memory_space<vmem_shared>> -> memref<32x144xf32, #tpu.memory_space<vmem_shared>>
      %dma_start3A_135 = arith.constant 0 : i32
      %dma_start3A_136 = tpu.memref_slice %arg11[%add3A_19, %dma_start3A_135] : memref<10240x144xf32, #tpu.memory_space<vmem_shared>> -> memref<32x144xf32, #tpu.memory_space<vmem_shared>>
      tpu.enqueue_dma source(%arg10 : memref<32x144xf32, #tpu.memory_space<vmem>>) target(%dma_start3A_136 : memref<32x144xf32, #tpu.memory_space<vmem_shared>>) target_semaphore(%run_scoped3A : memref<!tpu.dma_semaphore, #tpu.memory_space<semaphore_mem>>)
      %dma_wait3A = arith.constant 0 : i32
      %dma_wait3A_137 = tpu.memref_slice %arg11[%add3A_19, %dma_wait3A] : memref<10240x144xf32, #tpu.memory_space<vmem_shared>> -> memref<32x144xf32, #tpu.memory_space<vmem_shared>>
      %dma_wait3A_138 = arith.constant 0 : i32
      %dma_wait3A_139 = tpu.memref_slice %arg11[%add3A_19, %dma_wait3A_138] : memref<10240x144xf32, #tpu.memory_space<vmem_shared>> -> memref<32x144xf32, #tpu.memory_space<vmem_shared>>
      tpu.wait_dma2 semaphore(%run_scoped3A : memref<!tpu.dma_semaphore, #tpu.memory_space<semaphore_mem>>) src(%arg10 : memref<32x144xf32, #tpu.memory_space<vmem>>) dst(%dma_wait3A_139 : memref<32x144xf32, #tpu.memory_space<vmem_shared>>)
      tpu.yield
    }) : () -> ()
    %add3A_20 = arith.constant 224 : i32
    %add3A_21 = arith.addi %mul3A_0, %add3A_20 : i32
    "tpu.region"() ({
      %run_scoped3A = tpu.sem_alloc : memref<!tpu.dma_semaphore, #tpu.memory_space<semaphore_mem>>
      %dma_start3A = arith.constant 0 : i32
      %dma_start3A_134 = tpu.memref_slice %arg11[%add3A_21, %dma_start3A] : memref<10240x144xf32, #tpu.memory_space<vmem_shared>> -> memref<32x144xf32, #tpu.memory_space<vmem_shared>>
      %dma_start3A_135 = arith.constant 0 : i32
      %dma_start3A_136 = tpu.memref_slice %arg11[%add3A_21, %dma_start3A_135] : memref<10240x144xf32, #tpu.memory_space<vmem_shared>> -> memref<32x144xf32, #tpu.memory_space<vmem_shared>>
      tpu.enqueue_dma source(%arg10 : memref<32x144xf32, #tpu.memory_space<vmem>>) target(%dma_start3A_136 : memref<32x144xf32, #tpu.memory_space<vmem_shared>>) target_semaphore(%run_scoped3A : memref<!tpu.dma_semaphore, #tpu.memory_space<semaphore_mem>>)
      %dma_wait3A = arith.constant 0 : i32
      %dma_wait3A_137 = tpu.memref_slice %arg11[%add3A_21, %dma_wait3A] : memref<10240x144xf32, #tpu.memory_space<vmem_shared>> -> memref<32x144xf32, #tpu.memory_space<vmem_shared>>
      %dma_wait3A_138 = arith.constant 0 : i32
      %dma_wait3A_139 = tpu.memref_slice %arg11[%add3A_21, %dma_wait3A_138] : memref<10240x144xf32, #tpu.memory_space<vmem_shared>> -> memref<32x144xf32, #tpu.memory_space<vmem_shared>>
      tpu.wait_dma2 semaphore(%run_scoped3A : memref<!tpu.dma_semaphore, #tpu.memory_space<semaphore_mem>>) src(%arg10 : memref<32x144xf32, #tpu.memory_space<vmem>>) dst(%dma_wait3A_139 : memref<32x144xf32, #tpu.memory_space<vmem_shared>>)
      tpu.yield
    }) : () -> ()
    %add3A_22 = arith.constant 256 : i32
    %add3A_23 = arith.addi %mul3A_0, %add3A_22 : i32
    "tpu.region"() ({
      %run_scoped3A = tpu.sem_alloc : memref<!tpu.dma_semaphore, #tpu.memory_space<semaphore_mem>>
      %dma_start3A = arith.constant 0 : i32
      %dma_start3A_134 = tpu.memref_slice %arg11[%add3A_23, %dma_start3A] : memref<10240x144xf32, #tpu.memory_space<vmem_shared>> -> memref<32x144xf32, #tpu.memory_space<vmem_shared>>
      %dma_start3A_135 = arith.constant 0 : i32
      %dma_start3A_136 = tpu.memref_slice %arg11[%add3A_23, %dma_start3A_135] : memref<10240x144xf32, #tpu.memory_space<vmem_shared>> -> memref<32x144xf32, #tpu.memory_space<vmem_shared>>
      tpu.enqueue_dma source(%arg10 : memref<32x144xf32, #tpu.memory_space<vmem>>) target(%dma_start3A_136 : memref<32x144xf32, #tpu.memory_space<vmem_shared>>) target_semaphore(%run_scoped3A : memref<!tpu.dma_semaphore, #tpu.memory_space<semaphore_mem>>)
      %dma_wait3A = arith.constant 0 : i32
      %dma_wait3A_137 = tpu.memref_slice %arg11[%add3A_23, %dma_wait3A] : memref<10240x144xf32, #tpu.memory_space<vmem_shared>> -> memref<32x144xf32, #tpu.memory_space<vmem_shared>>
      %dma_wait3A_138 = arith.constant 0 : i32
      %dma_wait3A_139 = tpu.memref_slice %arg11[%add3A_23, %dma_wait3A_138] : memref<10240x144xf32, #tpu.memory_space<vmem_shared>> -> memref<32x144xf32, #tpu.memory_space<vmem_shared>>
      tpu.wait_dma2 semaphore(%run_scoped3A : memref<!tpu.dma_semaphore, #tpu.memory_space<semaphore_mem>>) src(%arg10 : memref<32x144xf32, #tpu.memory_space<vmem>>) dst(%dma_wait3A_139 : memref<32x144xf32, #tpu.memory_space<vmem_shared>>)
      tpu.yield
    }) : () -> ()
    %add3A_24 = arith.constant 288 : i32
    %add3A_25 = arith.addi %mul3A_0, %add3A_24 : i32
    "tpu.region"() ({
      %run_scoped3A = tpu.sem_alloc : memref<!tpu.dma_semaphore, #tpu.memory_space<semaphore_mem>>
      %dma_start3A = arith.constant 0 : i32
      %dma_start3A_134 = tpu.memref_slice %arg11[%add3A_25, %dma_start3A] : memref<10240x144xf32, #tpu.memory_space<vmem_shared>> -> memref<32x144xf32, #tpu.memory_space<vmem_shared>>
      %dma_start3A_135 = arith.constant 0 : i32
      %dma_start3A_136 = tpu.memref_slice %arg11[%add3A_25, %dma_start3A_135] : memref<10240x144xf32, #tpu.memory_space<vmem_shared>> -> memref<32x144xf32, #tpu.memory_space<vmem_shared>>
      tpu.enqueue_dma source(%arg10 : memref<32x144xf32, #tpu.memory_space<vmem>>) target(%dma_start3A_136 : memref<32x144xf32, #tpu.memory_space<vmem_shared>>) target_semaphore(%run_scoped3A : memref<!tpu.dma_semaphore, #tpu.memory_space<semaphore_mem>>)
      %dma_wait3A = arith.constant 0 : i32
      %dma_wait3A_137 = tpu.memref_slice %arg11[%add3A_25, %dma_wait3A] : memref<10240x144xf32, #tpu.memory_space<vmem_shared>> -> memref<32x144xf32, #tpu.memory_space<vmem_shared>>
      %dma_wait3A_138 = arith.constant 0 : i32
      %dma_wait3A_139 = tpu.memref_slice %arg11[%add3A_25, %dma_wait3A_138] : memref<10240x144xf32, #tpu.memory_space<vmem_shared>> -> memref<32x144xf32, #tpu.memory_space<vmem_shared>>
      tpu.wait_dma2 semaphore(%run_scoped3A : memref<!tpu.dma_semaphore, #tpu.memory_space<semaphore_mem>>) src(%arg10 : memref<32x144xf32, #tpu.memory_space<vmem>>) dst(%dma_wait3A_139 : memref<32x144xf32, #tpu.memory_space<vmem_shared>>)
      tpu.yield
    }) : () -> ()
    %add3A_26 = arith.constant 320 : i32
    %add3A_27 = arith.addi %mul3A_0, %add3A_26 : i32
    "tpu.region"() ({
      %run_scoped3A = tpu.sem_alloc : memref<!tpu.dma_semaphore, #tpu.memory_space<semaphore_mem>>
      %dma_start3A = arith.constant 0 : i32
      %dma_start3A_134 = tpu.memref_slice %arg11[%add3A_27, %dma_start3A] : memref<10240x144xf32, #tpu.memory_space<vmem_shared>> -> memref<32x144xf32, #tpu.memory_space<vmem_shared>>
      %dma_start3A_135 = arith.constant 0 : i32
      %dma_start3A_136 = tpu.memref_slice %arg11[%add3A_27, %dma_start3A_135] : memref<10240x144xf32, #tpu.memory_space<vmem_shared>> -> memref<32x144xf32, #tpu.memory_space<vmem_shared>>
      tpu.enqueue_dma source(%arg10 : memref<32x144xf32, #tpu.memory_space<vmem>>) target(%dma_start3A_136 : memref<32x144xf32, #tpu.memory_space<vmem_shared>>) target_semaphore(%run_scoped3A : memref<!tpu.dma_semaphore, #tpu.memory_space<semaphore_mem>>)
      %dma_wait3A = arith.constant 0 : i32
      %dma_wait3A_137 = tpu.memref_slice %arg11[%add3A_27, %dma_wait3A] : memref<10240x144xf32, #tpu.memory_space<vmem_shared>> -> memref<32x144xf32, #tpu.memory_space<vmem_shared>>
      %dma_wait3A_138 = arith.constant 0 : i32
      %dma_wait3A_139 = tpu.memref_slice %arg11[%add3A_27, %dma_wait3A_138] : memref<10240x144xf32, #tpu.memory_space<vmem_shared>> -> memref<32x144xf32, #tpu.memory_space<vmem_shared>>
      tpu.wait_dma2 semaphore(%run_scoped3A : memref<!tpu.dma_semaphore, #tpu.memory_space<semaphore_mem>>) src(%arg10 : memref<32x144xf32, #tpu.memory_space<vmem>>) dst(%dma_wait3A_139 : memref<32x144xf32, #tpu.memory_space<vmem_shared>>)
      tpu.yield
    }) : () -> ()
    %add3A_28 = arith.constant 352 : i32
    %add3A_29 = arith.addi %mul3A_0, %add3A_28 : i32
    "tpu.region"() ({
      %run_scoped3A = tpu.sem_alloc : memref<!tpu.dma_semaphore, #tpu.memory_space<semaphore_mem>>
      %dma_start3A = arith.constant 0 : i32
      %dma_start3A_134 = tpu.memref_slice %arg11[%add3A_29, %dma_start3A] : memref<10240x144xf32, #tpu.memory_space<vmem_shared>> -> memref<32x144xf32, #tpu.memory_space<vmem_shared>>
      %dma_start3A_135 = arith.constant 0 : i32
      %dma_start3A_136 = tpu.memref_slice %arg11[%add3A_29, %dma_start3A_135] : memref<10240x144xf32, #tpu.memory_space<vmem_shared>> -> memref<32x144xf32, #tpu.memory_space<vmem_shared>>
      tpu.enqueue_dma source(%arg10 : memref<32x144xf32, #tpu.memory_space<vmem>>) target(%dma_start3A_136 : memref<32x144xf32, #tpu.memory_space<vmem_shared>>) target_semaphore(%run_scoped3A : memref<!tpu.dma_semaphore, #tpu.memory_space<semaphore_mem>>)
      %dma_wait3A = arith.constant 0 : i32
      %dma_wait3A_137 = tpu.memref_slice %arg11[%add3A_29, %dma_wait3A] : memref<10240x144xf32, #tpu.memory_space<vmem_shared>> -> memref<32x144xf32, #tpu.memory_space<vmem_shared>>
      %dma_wait3A_138 = arith.constant 0 : i32
      %dma_wait3A_139 = tpu.memref_slice %arg11[%add3A_29, %dma_wait3A_138] : memref<10240x144xf32, #tpu.memory_space<vmem_shared>> -> memref<32x144xf32, #tpu.memory_space<vmem_shared>>
      tpu.wait_dma2 semaphore(%run_scoped3A : memref<!tpu.dma_semaphore, #tpu.memory_space<semaphore_mem>>) src(%arg10 : memref<32x144xf32, #tpu.memory_space<vmem>>) dst(%dma_wait3A_139 : memref<32x144xf32, #tpu.memory_space<vmem_shared>>)
      tpu.yield
    }) : () -> ()
    %add3A_30 = arith.constant 384 : i32
    %add3A_31 = arith.addi %mul3A_0, %add3A_30 : i32
    "tpu.region"() ({
      %run_scoped3A = tpu.sem_alloc : memref<!tpu.dma_semaphore, #tpu.memory_space<semaphore_mem>>
      %dma_start3A = arith.constant 0 : i32
      %dma_start3A_134 = tpu.memref_slice %arg11[%add3A_31, %dma_start3A] : memref<10240x144xf32, #tpu.memory_space<vmem_shared>> -> memref<32x144xf32, #tpu.memory_space<vmem_shared>>
      %dma_start3A_135 = arith.constant 0 : i32
      %dma_start3A_136 = tpu.memref_slice %arg11[%add3A_31, %dma_start3A_135] : memref<10240x144xf32, #tpu.memory_space<vmem_shared>> -> memref<32x144xf32, #tpu.memory_space<vmem_shared>>
      tpu.enqueue_dma source(%arg10 : memref<32x144xf32, #tpu.memory_space<vmem>>) target(%dma_start3A_136 : memref<32x144xf32, #tpu.memory_space<vmem_shared>>) target_semaphore(%run_scoped3A : memref<!tpu.dma_semaphore, #tpu.memory_space<semaphore_mem>>)
      %dma_wait3A = arith.constant 0 : i32
      %dma_wait3A_137 = tpu.memref_slice %arg11[%add3A_31, %dma_wait3A] : memref<10240x144xf32, #tpu.memory_space<vmem_shared>> -> memref<32x144xf32, #tpu.memory_space<vmem_shared>>
      %dma_wait3A_138 = arith.constant 0 : i32
      %dma_wait3A_139 = tpu.memref_slice %arg11[%add3A_31, %dma_wait3A_138] : memref<10240x144xf32, #tpu.memory_space<vmem_shared>> -> memref<32x144xf32, #tpu.memory_space<vmem_shared>>
      tpu.wait_dma2 semaphore(%run_scoped3A : memref<!tpu.dma_semaphore, #tpu.memory_space<semaphore_mem>>) src(%arg10 : memref<32x144xf32, #tpu.memory_space<vmem>>) dst(%dma_wait3A_139 : memref<32x144xf32, #tpu.memory_space<vmem_shared>>)
      tpu.yield
    }) : () -> ()
    %add3A_32 = arith.constant 416 : i32
    %add3A_33 = arith.addi %mul3A_0, %add3A_32 : i32
    "tpu.region"() ({
      %run_scoped3A = tpu.sem_alloc : memref<!tpu.dma_semaphore, #tpu.memory_space<semaphore_mem>>
      %dma_start3A = arith.constant 0 : i32
      %dma_start3A_134 = tpu.memref_slice %arg11[%add3A_33, %dma_start3A] : memref<10240x144xf32, #tpu.memory_space<vmem_shared>> -> memref<32x144xf32, #tpu.memory_space<vmem_shared>>
      %dma_start3A_135 = arith.constant 0 : i32
      %dma_start3A_136 = tpu.memref_slice %arg11[%add3A_33, %dma_start3A_135] : memref<10240x144xf32, #tpu.memory_space<vmem_shared>> -> memref<32x144xf32, #tpu.memory_space<vmem_shared>>
      tpu.enqueue_dma source(%arg10 : memref<32x144xf32, #tpu.memory_space<vmem>>) target(%dma_start3A_136 : memref<32x144xf32, #tpu.memory_space<vmem_shared>>) target_semaphore(%run_scoped3A : memref<!tpu.dma_semaphore, #tpu.memory_space<semaphore_mem>>)
      %dma_wait3A = arith.constant 0 : i32
      %dma_wait3A_137 = tpu.memref_slice %arg11[%add3A_33, %dma_wait3A] : memref<10240x144xf32, #tpu.memory_space<vmem_shared>> -> memref<32x144xf32, #tpu.memory_space<vmem_shared>>
      %dma_wait3A_138 = arith.constant 0 : i32
      %dma_wait3A_139 = tpu.memref_slice %arg11[%add3A_33, %dma_wait3A_138] : memref<10240x144xf32, #tpu.memory_space<vmem_shared>> -> memref<32x144xf32, #tpu.memory_space<vmem_shared>>
      tpu.wait_dma2 semaphore(%run_scoped3A : memref<!tpu.dma_semaphore, #tpu.memory_space<semaphore_mem>>) src(%arg10 : memref<32x144xf32, #tpu.memory_space<vmem>>) dst(%dma_wait3A_139 : memref<32x144xf32, #tpu.memory_space<vmem_shared>>)
      tpu.yield
    }) : () -> ()
    %add3A_34 = arith.constant 448 : i32
    %add3A_35 = arith.addi %mul3A_0, %add3A_34 : i32
    "tpu.region"() ({
      %run_scoped3A = tpu.sem_alloc : memref<!tpu.dma_semaphore, #tpu.memory_space<semaphore_mem>>
      %dma_start3A = arith.constant 0 : i32
      %dma_start3A_134 = tpu.memref_slice %arg11[%add3A_35, %dma_start3A] : memref<10240x144xf32, #tpu.memory_space<vmem_shared>> -> memref<32x144xf32, #tpu.memory_space<vmem_shared>>
      %dma_start3A_135 = arith.constant 0 : i32
      %dma_start3A_136 = tpu.memref_slice %arg11[%add3A_35, %dma_start3A_135] : memref<10240x144xf32, #tpu.memory_space<vmem_shared>> -> memref<32x144xf32, #tpu.memory_space<vmem_shared>>
      tpu.enqueue_dma source(%arg10 : memref<32x144xf32, #tpu.memory_space<vmem>>) target(%dma_start3A_136 : memref<32x144xf32, #tpu.memory_space<vmem_shared>>) target_semaphore(%run_scoped3A : memref<!tpu.dma_semaphore, #tpu.memory_space<semaphore_mem>>)
      %dma_wait3A = arith.constant 0 : i32
      %dma_wait3A_137 = tpu.memref_slice %arg11[%add3A_35, %dma_wait3A] : memref<10240x144xf32, #tpu.memory_space<vmem_shared>> -> memref<32x144xf32, #tpu.memory_space<vmem_shared>>
      %dma_wait3A_138 = arith.constant 0 : i32
      %dma_wait3A_139 = tpu.memref_slice %arg11[%add3A_35, %dma_wait3A_138] : memref<10240x144xf32, #tpu.memory_space<vmem_shared>> -> memref<32x144xf32, #tpu.memory_space<vmem_shared>>
      tpu.wait_dma2 semaphore(%run_scoped3A : memref<!tpu.dma_semaphore, #tpu.memory_space<semaphore_mem>>) src(%arg10 : memref<32x144xf32, #tpu.memory_space<vmem>>) dst(%dma_wait3A_139 : memref<32x144xf32, #tpu.memory_space<vmem_shared>>)
      tpu.yield
    }) : () -> ()
    %add3A_36 = arith.constant 480 : i32
    %add3A_37 = arith.addi %mul3A_0, %add3A_36 : i32
    "tpu.region"() ({
      %run_scoped3A = tpu.sem_alloc : memref<!tpu.dma_semaphore, #tpu.memory_space<semaphore_mem>>
      %dma_start3A = arith.constant 0 : i32
      %dma_start3A_134 = tpu.memref_slice %arg11[%add3A_37, %dma_start3A] : memref<10240x144xf32, #tpu.memory_space<vmem_shared>> -> memref<32x144xf32, #tpu.memory_space<vmem_shared>>
      %dma_start3A_135 = arith.constant 0 : i32
      %dma_start3A_136 = tpu.memref_slice %arg11[%add3A_37, %dma_start3A_135] : memref<10240x144xf32, #tpu.memory_space<vmem_shared>> -> memref<32x144xf32, #tpu.memory_space<vmem_shared>>
      tpu.enqueue_dma source(%arg10 : memref<32x144xf32, #tpu.memory_space<vmem>>) target(%dma_start3A_136 : memref<32x144xf32, #tpu.memory_space<vmem_shared>>) target_semaphore(%run_scoped3A : memref<!tpu.dma_semaphore, #tpu.memory_space<semaphore_mem>>)
      %dma_wait3A = arith.constant 0 : i32
      %dma_wait3A_137 = tpu.memref_slice %arg11[%add3A_37, %dma_wait3A] : memref<10240x144xf32, #tpu.memory_space<vmem_shared>> -> memref<32x144xf32, #tpu.memory_space<vmem_shared>>
      %dma_wait3A_138 = arith.constant 0 : i32
      %dma_wait3A_139 = tpu.memref_slice %arg11[%add3A_37, %dma_wait3A_138] : memref<10240x144xf32, #tpu.memory_space<vmem_shared>> -> memref<32x144xf32, #tpu.memory_space<vmem_shared>>
      tpu.wait_dma2 semaphore(%run_scoped3A : memref<!tpu.dma_semaphore, #tpu.memory_space<semaphore_mem>>) src(%arg10 : memref<32x144xf32, #tpu.memory_space<vmem>>) dst(%dma_wait3A_139 : memref<32x144xf32, #tpu.memory_space<vmem_shared>>)
      tpu.yield
    }) : () -> ()
    %add3A_38 = arith.constant 512 : i32
    %add3A_39 = arith.addi %mul3A_0, %add3A_38 : i32
    "tpu.region"() ({
      %run_scoped3A = tpu.sem_alloc : memref<!tpu.dma_semaphore, #tpu.memory_space<semaphore_mem>>
      %dma_start3A = arith.constant 0 : i32
      %dma_start3A_134 = tpu.memref_slice %arg11[%add3A_39, %dma_start3A] : memref<10240x144xf32, #tpu.memory_space<vmem_shared>> -> memref<32x144xf32, #tpu.memory_space<vmem_shared>>
      %dma_start3A_135 = arith.constant 0 : i32
      %dma_start3A_136 = tpu.memref_slice %arg11[%add3A_39, %dma_start3A_135] : memref<10240x144xf32, #tpu.memory_space<vmem_shared>> -> memref<32x144xf32, #tpu.memory_space<vmem_shared>>
      tpu.enqueue_dma source(%arg10 : memref<32x144xf32, #tpu.memory_space<vmem>>) target(%dma_start3A_136 : memref<32x144xf32, #tpu.memory_space<vmem_shared>>) target_semaphore(%run_scoped3A : memref<!tpu.dma_semaphore, #tpu.memory_space<semaphore_mem>>)
      %dma_wait3A = arith.constant 0 : i32
      %dma_wait3A_137 = tpu.memref_slice %arg11[%add3A_39, %dma_wait3A] : memref<10240x144xf32, #tpu.memory_space<vmem_shared>> -> memref<32x144xf32, #tpu.memory_space<vmem_shared>>
      %dma_wait3A_138 = arith.constant 0 : i32
      %dma_wait3A_139 = tpu.memref_slice %arg11[%add3A_39, %dma_wait3A_138] : memref<10240x144xf32, #tpu.memory_space<vmem_shared>> -> memref<32x144xf32, #tpu.memory_space<vmem_shared>>
      tpu.wait_dma2 semaphore(%run_scoped3A : memref<!tpu.dma_semaphore, #tpu.memory_space<semaphore_mem>>) src(%arg10 : memref<32x144xf32, #tpu.memory_space<vmem>>) dst(%dma_wait3A_139 : memref<32x144xf32, #tpu.memory_space<vmem_shared>>)
      tpu.yield
    }) : () -> ()
    %add3A_40 = arith.constant 544 : i32
    %add3A_41 = arith.addi %mul3A_0, %add3A_40 : i32
    "tpu.region"() ({
      %run_scoped3A = tpu.sem_alloc : memref<!tpu.dma_semaphore, #tpu.memory_space<semaphore_mem>>
      %dma_start3A = arith.constant 0 : i32
      %dma_start3A_134 = tpu.memref_slice %arg11[%add3A_41, %dma_start3A] : memref<10240x144xf32, #tpu.memory_space<vmem_shared>> -> memref<32x144xf32, #tpu.memory_space<vmem_shared>>
      %dma_start3A_135 = arith.constant 0 : i32
      %dma_start3A_136 = tpu.memref_slice %arg11[%add3A_41, %dma_start3A_135] : memref<10240x144xf32, #tpu.memory_space<vmem_shared>> -> memref<32x144xf32, #tpu.memory_space<vmem_shared>>
      tpu.enqueue_dma source(%arg10 : memref<32x144xf32, #tpu.memory_space<vmem>>) target(%dma_start3A_136 : memref<32x144xf32, #tpu.memory_space<vmem_shared>>) target_semaphore(%run_scoped3A : memref<!tpu.dma_semaphore, #tpu.memory_space<semaphore_mem>>)
      %dma_wait3A = arith.constant 0 : i32
      %dma_wait3A_137 = tpu.memref_slice %arg11[%add3A_41, %dma_wait3A] : memref<10240x144xf32, #tpu.memory_space<vmem_shared>> -> memref<32x144xf32, #tpu.memory_space<vmem_shared>>
      %dma_wait3A_138 = arith.constant 0 : i32
      %dma_wait3A_139 = tpu.memref_slice %arg11[%add3A_41, %dma_wait3A_138] : memref<10240x144xf32, #tpu.memory_space<vmem_shared>> -> memref<32x144xf32, #tpu.memory_space<vmem_shared>>
      tpu.wait_dma2 semaphore(%run_scoped3A : memref<!tpu.dma_semaphore, #tpu.memory_space<semaphore_mem>>) src(%arg10 : memref<32x144xf32, #tpu.memory_space<vmem>>) dst(%dma_wait3A_139 : memref<32x144xf32, #tpu.memory_space<vmem_shared>>)
      tpu.yield
    }) : () -> ()
    %add3A_42 = arith.constant 576 : i32
    %add3A_43 = arith.addi %mul3A_0, %add3A_42 : i32
    "tpu.region"() ({
      %run_scoped3A = tpu.sem_alloc : memref<!tpu.dma_semaphore, #tpu.memory_space<semaphore_mem>>
      %dma_start3A = arith.constant 0 : i32
      %dma_start3A_134 = tpu.memref_slice %arg11[%add3A_43, %dma_start3A] : memref<10240x144xf32, #tpu.memory_space<vmem_shared>> -> memref<32x144xf32, #tpu.memory_space<vmem_shared>>
      %dma_start3A_135 = arith.constant 0 : i32
      %dma_start3A_136 = tpu.memref_slice %arg11[%add3A_43, %dma_start3A_135] : memref<10240x144xf32, #tpu.memory_space<vmem_shared>> -> memref<32x144xf32, #tpu.memory_space<vmem_shared>>
      tpu.enqueue_dma source(%arg10 : memref<32x144xf32, #tpu.memory_space<vmem>>) target(%dma_start3A_136 : memref<32x144xf32, #tpu.memory_space<vmem_shared>>) target_semaphore(%run_scoped3A : memref<!tpu.dma_semaphore, #tpu.memory_space<semaphore_mem>>)
      %dma_wait3A = arith.constant 0 : i32
      %dma_wait3A_137 = tpu.memref_slice %arg11[%add3A_43, %dma_wait3A] : memref<10240x144xf32, #tpu.memory_space<vmem_shared>> -> memref<32x144xf32, #tpu.memory_space<vmem_shared>>
      %dma_wait3A_138 = arith.constant 0 : i32
      %dma_wait3A_139 = tpu.memref_slice %arg11[%add3A_43, %dma_wait3A_138] : memref<10240x144xf32, #tpu.memory_space<vmem_shared>> -> memref<32x144xf32, #tpu.memory_space<vmem_shared>>
      tpu.wait_dma2 semaphore(%run_scoped3A : memref<!tpu.dma_semaphore, #tpu.memory_space<semaphore_mem>>) src(%arg10 : memref<32x144xf32, #tpu.memory_space<vmem>>) dst(%dma_wait3A_139 : memref<32x144xf32, #tpu.memory_space<vmem_shared>>)
      tpu.yield
    }) : () -> ()
    %add3A_44 = arith.constant 608 : i32
    %add3A_45 = arith.addi %mul3A_0, %add3A_44 : i32
    "tpu.region"() ({
      %run_scoped3A = tpu.sem_alloc : memref<!tpu.dma_semaphore, #tpu.memory_space<semaphore_mem>>
      %dma_start3A = arith.constant 0 : i32
      %dma_start3A_134 = tpu.memref_slice %arg11[%add3A_45, %dma_start3A] : memref<10240x144xf32, #tpu.memory_space<vmem_shared>> -> memref<32x144xf32, #tpu.memory_space<vmem_shared>>
      %dma_start3A_135 = arith.constant 0 : i32
      %dma_start3A_136 = tpu.memref_slice %arg11[%add3A_45, %dma_start3A_135] : memref<10240x144xf32, #tpu.memory_space<vmem_shared>> -> memref<32x144xf32, #tpu.memory_space<vmem_shared>>
      tpu.enqueue_dma source(%arg10 : memref<32x144xf32, #tpu.memory_space<vmem>>) target(%dma_start3A_136 : memref<32x144xf32, #tpu.memory_space<vmem_shared>>) target_semaphore(%run_scoped3A : memref<!tpu.dma_semaphore, #tpu.memory_space<semaphore_mem>>)
      %dma_wait3A = arith.constant 0 : i32
      %dma_wait3A_137 = tpu.memref_slice %arg11[%add3A_45, %dma_wait3A] : memref<10240x144xf32, #tpu.memory_space<vmem_shared>> -> memref<32x144xf32, #tpu.memory_space<vmem_shared>>
      %dma_wait3A_138 = arith.constant 0 : i32
      %dma_wait3A_139 = tpu.memref_slice %arg11[%add3A_45, %dma_wait3A_138] : memref<10240x144xf32, #tpu.memory_space<vmem_shared>> -> memref<32x144xf32, #tpu.memory_space<vmem_shared>>
      tpu.wait_dma2 semaphore(%run_scoped3A : memref<!tpu.dma_semaphore, #tpu.memory_space<semaphore_mem>>) src(%arg10 : memref<32x144xf32, #tpu.memory_space<vmem>>) dst(%dma_wait3A_139 : memref<32x144xf32, #tpu.memory_space<vmem_shared>>)
      tpu.yield
    }) : () -> ()
    %barrier3A = arith.constant 0 : index
    tpu.barrier barrier_id(%barrier3A)
    %scan3A_46 = arith.constant 0 : i32
    %scan3A_47 = arith.constant 0 : i32
    %scan3A_48 = arith.constant 5 : i32
    %scan3A_49 = arith.addi %scan3A_47, %scan3A_48 : i32
    %scan3A_50 = arith.constant 1 : i32
    %scan3A_51 = scf.for %scan3A_134 = %scan3A_47 to %scan3A_49 step %scan3A_50 iter_args(%scan3A_135 = %scan3A_46) -> (i32)  : i32 {
      "tpu.region"() ({
        %run_scoped3A = tpu.sem_alloc : memref<!tpu.dma_semaphore, #tpu.memory_space<semaphore_mem>>
        %dma_start3A_150 = arith.constant 0 : i32
        %dma_start3A_151 = arith.constant 0 : i32
        %dma_start3A_152 = tpu.memref_slice %arg3[%arg0, %arg1, %scan3A_134, %dma_start3A_150, %dma_start3A_151] : memref<2x16x5x20x100xi32, #tpu.memory_space<hbm>> -> memref<1x1x1x20x100xi32, #tpu.memory_space<hbm>>
        %dma_start3A_153 = tpu.memref_squeeze %dma_start3A_152 : memref<1x1x1x20x100xi32, #tpu.memory_space<hbm>> -> memref<20x100xi32, #tpu.memory_space<hbm>>
        %dma_start3A_154 = arith.constant 0 : i32
        %dma_start3A_155 = arith.constant 0 : i32
        %dma_start3A_156 = tpu.memref_slice %arg3[%arg0, %arg1, %scan3A_134, %dma_start3A_154, %dma_start3A_155] : memref<2x16x5x20x100xi32, #tpu.memory_space<hbm>> -> memref<1x1x1x20x100xi32, #tpu.memory_space<hbm>>
        %dma_start3A_157 = tpu.memref_squeeze %dma_start3A_156 : memref<1x1x1x20x100xi32, #tpu.memory_space<hbm>> -> memref<20x100xi32, #tpu.memory_space<hbm>>
        tpu.enqueue_dma source(%dma_start3A_157 : memref<20x100xi32, #tpu.memory_space<hbm>>) target(%arg6 : memref<20x100xi32, #tpu.memory_space<vmem>>) target_semaphore(%run_scoped3A : memref<!tpu.dma_semaphore, #tpu.memory_space<semaphore_mem>>)
        %dma_wait3A = arith.constant 0 : i32
        %dma_wait3A_158 = arith.constant 0 : i32
        %dma_wait3A_159 = tpu.memref_slice %arg3[%arg0, %arg1, %scan3A_134, %dma_wait3A, %dma_wait3A_158] : memref<2x16x5x20x100xi32, #tpu.memory_space<hbm>> -> memref<1x1x1x20x100xi32, #tpu.memory_space<hbm>>
        %dma_wait3A_160 = tpu.memref_squeeze %dma_wait3A_159 : memref<1x1x1x20x100xi32, #tpu.memory_space<hbm>> -> memref<20x100xi32, #tpu.memory_space<hbm>>
        %dma_wait3A_161 = arith.constant 0 : i32
        %dma_wait3A_162 = arith.constant 0 : i32
        %dma_wait3A_163 = tpu.memref_slice %arg3[%arg0, %arg1, %scan3A_134, %dma_wait3A_161, %dma_wait3A_162] : memref<2x16x5x20x100xi32, #tpu.memory_space<hbm>> -> memref<1x1x1x20x100xi32, #tpu.memory_space<hbm>>
        %dma_wait3A_164 = tpu.memref_squeeze %dma_wait3A_163 : memref<1x1x1x20x100xi32, #tpu.memory_space<hbm>> -> memref<20x100xi32, #tpu.memory_space<hbm>>
        tpu.wait_dma2 semaphore(%run_scoped3A : memref<!tpu.dma_semaphore, #tpu.memory_space<semaphore_mem>>) src(%dma_wait3A_164 : memref<20x100xi32, #tpu.memory_space<hbm>>) dst(%arg6 : memref<20x100xi32, #tpu.memory_space<vmem>>)
        tpu.yield
      }) : () -> ()
      "tpu.region"() ({
        %run_scoped3A = tpu.sem_alloc : memref<!tpu.dma_semaphore, #tpu.memory_space<semaphore_mem>>
        %dma_start3A_150 = arith.constant 0 : i32
        %dma_start3A_151 = arith.constant 0 : i32
        %dma_start3A_152 = tpu.memref_slice %arg4[%arg0, %arg1, %scan3A_134, %dma_start3A_150, %dma_start3A_151] : memref<2x16x5x20x100xi32, #tpu.memory_space<hbm>> -> memref<1x1x1x20x100xi32, #tpu.memory_space<hbm>>
        %dma_start3A_153 = tpu.memref_squeeze %dma_start3A_152 : memref<1x1x1x20x100xi32, #tpu.memory_space<hbm>> -> memref<20x100xi32, #tpu.memory_space<hbm>>
        %dma_start3A_154 = arith.constant 0 : i32
        %dma_start3A_155 = arith.constant 0 : i32
        %dma_start3A_156 = tpu.memref_slice %arg4[%arg0, %arg1, %scan3A_134, %dma_start3A_154, %dma_start3A_155] : memref<2x16x5x20x100xi32, #tpu.memory_space<hbm>> -> memref<1x1x1x20x100xi32, #tpu.memory_space<hbm>>
        %dma_start3A_157 = tpu.memref_squeeze %dma_start3A_156 : memref<1x1x1x20x100xi32, #tpu.memory_space<hbm>> -> memref<20x100xi32, #tpu.memory_space<hbm>>
        tpu.enqueue_dma source(%dma_start3A_157 : memref<20x100xi32, #tpu.memory_space<hbm>>) target(%arg7 : memref<20x100xi32, #tpu.memory_space<vmem>>) target_semaphore(%run_scoped3A : memref<!tpu.dma_semaphore, #tpu.memory_space<semaphore_mem>>)
        %dma_wait3A = arith.constant 0 : i32
        %dma_wait3A_158 = arith.constant 0 : i32
        %dma_wait3A_159 = tpu.memref_slice %arg4[%arg0, %arg1, %scan3A_134, %dma_wait3A, %dma_wait3A_158] : memref<2x16x5x20x100xi32, #tpu.memory_space<hbm>> -> memref<1x1x1x20x100xi32, #tpu.memory_space<hbm>>
        %dma_wait3A_160 = tpu.memref_squeeze %dma_wait3A_159 : memref<1x1x1x20x100xi32, #tpu.memory_space<hbm>> -> memref<20x100xi32, #tpu.memory_space<hbm>>
        %dma_wait3A_161 = arith.constant 0 : i32
        %dma_wait3A_162 = arith.constant 0 : i32
        %dma_wait3A_163 = tpu.memref_slice %arg4[%arg0, %arg1, %scan3A_134, %dma_wait3A_161, %dma_wait3A_162] : memref<2x16x5x20x100xi32, #tpu.memory_space<hbm>> -> memref<1x1x1x20x100xi32, #tpu.memory_space<hbm>>
        %dma_wait3A_164 = tpu.memref_squeeze %dma_wait3A_163 : memref<1x1x1x20x100xi32, #tpu.memory_space<hbm>> -> memref<20x100xi32, #tpu.memory_space<hbm>>
        tpu.wait_dma2 semaphore(%run_scoped3A : memref<!tpu.dma_semaphore, #tpu.memory_space<semaphore_mem>>) src(%dma_wait3A_164 : memref<20x100xi32, #tpu.memory_space<hbm>>) dst(%arg7 : memref<20x100xi32, #tpu.memory_space<vmem>>)
        tpu.yield
      }) : () -> ()
      %dma_start3A = arith.constant 0 : i32
      %dma_start3A_136 = arith.constant 0 : i32
      %dma_start3A_137 = tpu.memref_slice %arg6[%dma_start3A, %dma_start3A_136] : memref<20x100xi32, #tpu.memory_space<vmem>> -> memref<1x100xi32, #tpu.memory_space<vmem>>
      %dma_start3A_138 = tpu.memref_squeeze %dma_start3A_137 : memref<1x100xi32, #tpu.memory_space<vmem>> -> memref<100xi32, #tpu.memory_space<vmem>>
      %dma_start3A_139 = arith.constant 0 : i32
      %dma_start3A_140 = arith.constant 0 : i32
      %dma_start3A_141 = tpu.memref_slice %arg2[%dma_start3A_139, %dma_start3A_140] : memref<10000x144xf32, #tpu.memory_space<hbm>> -> memref<10000x144xf32, #tpu.memory_space<hbm>>
      tpu.enqueue_indirect_dma source(%dma_start3A_141 : memref<10000x144xf32, #tpu.memory_space<hbm>>) target(%arg8 : memref<100x144xf32, #tpu.memory_space<vmem>>) offsets(%dma_start3A_138 : memref<100xi32, #tpu.memory_space<vmem>>) semaphore(%arg12 : memref<!tpu.dma_semaphore, #tpu.memory_space<semaphore_mem>>)
      %scan3A_142 = arith.constant 0 : i32
      %scan3A_143 = arith.constant 0 : i32
      %scan3A_144 = arith.constant 10 : i32
      %scan3A_145 = arith.addi %scan3A_143, %scan3A_144 : i32
      %scan3A_146 = arith.constant 1 : i32
      %scan3A_147 = scf.for %scan3A_150 = %scan3A_143 to %scan3A_145 step %scan3A_146 iter_args(%scan3A_151 = %scan3A_142) -> (i32)  : i32 {
        %mul3A_152 = arith.constant 2 : i32
        %mul3A_153 = arith.muli %mul3A_152, %scan3A_150 : i32
        %add3A_154 = arith.constant 1 : i32
        %add3A_155 = arith.addi %mul3A_153, %add3A_154 : i32
        %dma_start3A_156 = arith.constant 0 : i32
        %dma_start3A_157 = tpu.memref_slice %arg6[%add3A_155, %dma_start3A_156] : memref<20x100xi32, #tpu.memory_space<vmem>> -> memref<1x100xi32, #tpu.memory_space<vmem>>
        %dma_start3A_158 = tpu.memref_squeeze %dma_start3A_157 : memref<1x100xi32, #tpu.memory_space<vmem>> -> memref<100xi32, #tpu.memory_space<vmem>>
        %dma_start3A_159 = arith.constant 0 : i32
        %dma_start3A_160 = arith.constant 0 : i32
        %dma_start3A_161 = tpu.memref_slice %arg2[%dma_start3A_159, %dma_start3A_160] : memref<10000x144xf32, #tpu.memory_space<hbm>> -> memref<10000x144xf32, #tpu.memory_space<hbm>>
        tpu.enqueue_indirect_dma source(%dma_start3A_161 : memref<10000x144xf32, #tpu.memory_space<hbm>>) target(%arg9 : memref<100x144xf32, #tpu.memory_space<vmem>>) offsets(%dma_start3A_158 : memref<100xi32, #tpu.memory_space<vmem>>) semaphore(%arg13 : memref<!tpu.dma_semaphore, #tpu.memory_space<semaphore_mem>>)
        %dma_wait3A = arith.constant 0 : i32
        %dma_wait3A_162 = arith.constant 0 : i32
        %dma_wait3A_163 = tpu.memref_slice %arg2[%dma_wait3A, %dma_wait3A_162] : memref<10000x144xf32, #tpu.memory_space<hbm>> -> memref<100x144xf32, #tpu.memory_space<hbm>>
        %dma_wait3A_164 = arith.constant 0 : i32
        %dma_wait3A_165 = arith.constant 0 : i32
        %dma_wait3A_166 = tpu.memref_slice %arg2[%dma_wait3A_164, %dma_wait3A_165] : memref<10000x144xf32, #tpu.memory_space<hbm>> -> memref<100x144xf32, #tpu.memory_space<hbm>>
        tpu.wait_dma2 semaphore(%arg12 : memref<!tpu.dma_semaphore, #tpu.memory_space<semaphore_mem>>) src(%dma_wait3A_166 : memref<100x144xf32, #tpu.memory_space<hbm>>) dst(%arg8 : memref<100x144xf32, #tpu.memory_space<vmem>>)
        "tpu.region"() ({
          %run_scoped3A = tpu.sem_alloc : memref<!tpu.dma_semaphore, #tpu.memory_space<semaphore_mem>>
          %dma_start3A_178 = arith.constant 0 : i32
          %dma_start3A_179 = tpu.memref_slice %arg7[%mul3A_153, %dma_start3A_178] : memref<20x100xi32, #tpu.memory_space<vmem>> -> memref<1x100xi32, #tpu.memory_space<vmem>>
          %dma_start3A_180 = tpu.memref_squeeze %dma_start3A_179 : memref<1x100xi32, #tpu.memory_space<vmem>> -> memref<100xi32, #tpu.memory_space<vmem>>
          %dma_start3A_181 = arith.constant 0 : i32
          %dma_start3A_182 = arith.constant 0 : i32
          %dma_start3A_183 = tpu.memref_slice %arg11[%dma_start3A_181, %dma_start3A_182] : memref<10240x144xf32, #tpu.memory_space<vmem_shared>> -> memref<10240x144xf32, #tpu.memory_space<vmem_shared>>
          tpu.enqueue_indirect_dma source(%arg8 : memref<100x144xf32, #tpu.memory_space<vmem>>) target(%dma_start3A_183 : memref<10240x144xf32, #tpu.memory_space<vmem_shared>>) offsets(%dma_start3A_180 : memref<100xi32, #tpu.memory_space<vmem>>) semaphore(%run_scoped3A : memref<!tpu.dma_semaphore, #tpu.memory_space<semaphore_mem>>) {add = true}
          %dma_wait3A_184 = arith.constant 0 : i32
          %dma_wait3A_185 = tpu.memref_slice %arg7[%mul3A_153, %dma_wait3A_184] : memref<20x100xi32, #tpu.memory_space<vmem>> -> memref<1x100xi32, #tpu.memory_space<vmem>>
          %dma_wait3A_186 = tpu.memref_squeeze %dma_wait3A_185 : memref<1x100xi32, #tpu.memory_space<vmem>> -> memref<100xi32, #tpu.memory_space<vmem>>
          %dma_wait3A_187 = arith.constant 0 : i32
          %dma_wait3A_188 = arith.constant 0 : i32
          %dma_wait3A_189 = tpu.memref_slice %arg11[%dma_wait3A_187, %dma_wait3A_188] : memref<10240x144xf32, #tpu.memory_space<vmem_shared>> -> memref<10240x144xf32, #tpu.memory_space<vmem_shared>>
          tpu.wait_indirect_dma semaphore(%run_scoped3A : memref<!tpu.dma_semaphore, #tpu.memory_space<semaphore_mem>>) src(%arg8 : memref<100x144xf32, #tpu.memory_space<vmem>>) dst(%dma_wait3A_189 : memref<10240x144xf32, #tpu.memory_space<vmem_shared>>)
          tpu.yield
        }) : () -> ()
        %lt3A = arith.constant 9 : i32
        %lt3A_167 = arith.cmpi slt, %scan3A_150, %lt3A : i32
        %convert_element_type3A = arith.extui %lt3A_167 : i1 to i32
        %cond3A = arith.constant 0 : i32
        %cond3A_168 = arith.cmpi ne, %convert_element_type3A, %cond3A : i32
        scf.if %cond3A_168 {
          %add3A_178 = arith.constant 2 : i32
          %add3A_179 = arith.addi %mul3A_153, %add3A_178 : i32
          %dma_start3A_180 = arith.constant 0 : i32
          %dma_start3A_181 = tpu.memref_slice %arg6[%add3A_179, %dma_start3A_180] : memref<20x100xi32, #tpu.memory_space<vmem>> -> memref<1x100xi32, #tpu.memory_space<vmem>>
          %dma_start3A_182 = tpu.memref_squeeze %dma_start3A_181 : memref<1x100xi32, #tpu.memory_space<vmem>> -> memref<100xi32, #tpu.memory_space<vmem>>
          %dma_start3A_183 = arith.constant 0 : i32
          %dma_start3A_184 = arith.constant 0 : i32
          %dma_start3A_185 = tpu.memref_slice %arg2[%dma_start3A_183, %dma_start3A_184] : memref<10000x144xf32, #tpu.memory_space<hbm>> -> memref<10000x144xf32, #tpu.memory_space<hbm>>
          tpu.enqueue_indirect_dma source(%dma_start3A_185 : memref<10000x144xf32, #tpu.memory_space<hbm>>) target(%arg8 : memref<100x144xf32, #tpu.memory_space<vmem>>) offsets(%dma_start3A_182 : memref<100xi32, #tpu.memory_space<vmem>>) semaphore(%arg12 : memref<!tpu.dma_semaphore, #tpu.memory_space<semaphore_mem>>)
        } else {
        }
        %dma_wait3A_169 = arith.constant 0 : i32
        %dma_wait3A_170 = arith.constant 0 : i32
        %dma_wait3A_171 = tpu.memref_slice %arg2[%dma_wait3A_169, %dma_wait3A_170] : memref<10000x144xf32, #tpu.memory_space<hbm>> -> memref<100x144xf32, #tpu.memory_space<hbm>>
        %dma_wait3A_172 = arith.constant 0 : i32
        %dma_wait3A_173 = arith.constant 0 : i32
        %dma_wait3A_174 = tpu.memref_slice %arg2[%dma_wait3A_172, %dma_wait3A_173] : memref<10000x144xf32, #tpu.memory_space<hbm>> -> memref<100x144xf32, #tpu.memory_space<hbm>>
        tpu.wait_dma2 semaphore(%arg13 : memref<!tpu.dma_semaphore, #tpu.memory_space<semaphore_mem>>) src(%dma_wait3A_174 : memref<100x144xf32, #tpu.memory_space<hbm>>) dst(%arg9 : memref<100x144xf32, #tpu.memory_space<vmem>>)
        %add3A_175 = arith.constant 1 : i32
        %add3A_176 = arith.addi %mul3A_153, %add3A_175 : i32
        "tpu.region"() ({
          %run_scoped3A = tpu.sem_alloc : memref<!tpu.dma_semaphore, #tpu.memory_space<semaphore_mem>>
          %dma_start3A_178 = arith.constant 0 : i32
          %dma_start3A_179 = tpu.memref_slice %arg7[%add3A_176, %dma_start3A_178] : memref<20x100xi32, #tpu.memory_space<vmem>> -> memref<1x100xi32, #tpu.memory_space<vmem>>
          %dma_start3A_180 = tpu.memref_squeeze %dma_start3A_179 : memref<1x100xi32, #tpu.memory_space<vmem>> -> memref<100xi32, #tpu.memory_space<vmem>>
          %dma_start3A_181 = arith.constant 0 : i32
          %dma_start3A_182 = arith.constant 0 : i32
          %dma_start3A_183 = tpu.memref_slice %arg11[%dma_start3A_181, %dma_start3A_182] : memref<10240x144xf32, #tpu.memory_space<vmem_shared>> -> memref<10240x144xf32, #tpu.memory_space<vmem_shared>>
          tpu.enqueue_indirect_dma source(%arg9 : memref<100x144xf32, #tpu.memory_space<vmem>>) target(%dma_start3A_183 : memref<10240x144xf32, #tpu.memory_space<vmem_shared>>) offsets(%dma_start3A_180 : memref<100xi32, #tpu.memory_space<vmem>>) semaphore(%run_scoped3A : memref<!tpu.dma_semaphore, #tpu.memory_space<semaphore_mem>>) {add = true}
          %dma_wait3A_184 = arith.constant 0 : i32
          %dma_wait3A_185 = tpu.memref_slice %arg7[%add3A_176, %dma_wait3A_184] : memref<20x100xi32, #tpu.memory_space<vmem>> -> memref<1x100xi32, #tpu.memory_space<vmem>>
          %dma_wait3A_186 = tpu.memref_squeeze %dma_wait3A_185 : memref<1x100xi32, #tpu.memory_space<vmem>> -> memref<100xi32, #tpu.memory_space<vmem>>
          %dma_wait3A_187 = arith.constant 0 : i32
          %dma_wait3A_188 = arith.constant 0 : i32
          %dma_wait3A_189 = tpu.memref_slice %arg11[%dma_wait3A_187, %dma_wait3A_188] : memref<10240x144xf32, #tpu.memory_space<vmem_shared>> -> memref<10240x144xf32, #tpu.memory_space<vmem_shared>>
          tpu.wait_indirect_dma semaphore(%run_scoped3A : memref<!tpu.dma_semaphore, #tpu.memory_space<semaphore_mem>>) src(%arg9 : memref<100x144xf32, #tpu.memory_space<vmem>>) dst(%dma_wait3A_189 : memref<10240x144xf32, #tpu.memory_space<vmem_shared>>)
          tpu.yield
        }) : () -> ()
        %scan3A_177 = arith.constant 0 : i32
        scf.yield %scan3A_177 : i32
      }
      %scan3A_148 = arith.constant 10 : i32
      %scan3A_149 = arith.constant 0 : i32
      scf.yield %scan3A_149 : i32
    }
    %scan3A_52 = arith.constant 5 : i32
    %barrier3A_53 = arith.constant 0 : index
    tpu.barrier barrier_id(%barrier3A_53)
    %add3A_54 = arith.constant 0 : i32
    %add3A_55 = arith.addi %mul3A_0, %add3A_54 : i32
    "tpu.region"() ({
      %run_scoped3A = tpu.sem_alloc : memref<!tpu.dma_semaphore, #tpu.memory_space<semaphore_mem>>
      %dma_start3A = arith.constant 0 : i32
      %dma_start3A_134 = tpu.memref_slice %arg11[%add3A_55, %dma_start3A] : memref<10240x144xf32, #tpu.memory_space<vmem_shared>> -> memref<32x144xf32, #tpu.memory_space<vmem_shared>>
      %dma_start3A_135 = arith.constant 0 : i32
      %dma_start3A_136 = tpu.memref_slice %arg11[%add3A_55, %dma_start3A_135] : memref<10240x144xf32, #tpu.memory_space<vmem_shared>> -> memref<32x144xf32, #tpu.memory_space<vmem_shared>>
      tpu.enqueue_dma source(%dma_start3A_136 : memref<32x144xf32, #tpu.memory_space<vmem_shared>>) target(%arg10 : memref<32x144xf32, #tpu.memory_space<vmem>>) target_semaphore(%run_scoped3A : memref<!tpu.dma_semaphore, #tpu.memory_space<semaphore_mem>>)
      %dma_wait3A = arith.constant 0 : i32
      %dma_wait3A_137 = tpu.memref_slice %arg11[%add3A_55, %dma_wait3A] : memref<10240x144xf32, #tpu.memory_space<vmem_shared>> -> memref<32x144xf32, #tpu.memory_space<vmem_shared>>
      %dma_wait3A_138 = arith.constant 0 : i32
      %dma_wait3A_139 = tpu.memref_slice %arg11[%add3A_55, %dma_wait3A_138] : memref<10240x144xf32, #tpu.memory_space<vmem_shared>> -> memref<32x144xf32, #tpu.memory_space<vmem_shared>>
      tpu.wait_dma2 semaphore(%run_scoped3A : memref<!tpu.dma_semaphore, #tpu.memory_space<semaphore_mem>>) src(%dma_wait3A_139 : memref<32x144xf32, #tpu.memory_space<vmem_shared>>) dst(%arg10 : memref<32x144xf32, #tpu.memory_space<vmem>>)
      tpu.yield
    }) : () -> ()
    %add3A_56 = arith.constant 0 : i32
    %add3A_57 = arith.addi %mul3A_0, %add3A_56 : i32
    "tpu.region"() ({
      %run_scoped3A = tpu.sem_alloc : memref<!tpu.dma_semaphore, #tpu.memory_space<semaphore_mem>>
      %dma_start3A = arith.constant 0 : i32
      %dma_start3A_134 = tpu.memref_slice %arg5[%arg0, %add3A_57, %dma_start3A] : memref<2x10240x144xf32, #tpu.memory_space<hbm>> -> memref<1x32x144xf32, #tpu.memory_space<hbm>>
      %dma_start3A_135 = tpu.memref_squeeze %dma_start3A_134 : memref<1x32x144xf32, #tpu.memory_space<hbm>> -> memref<32x144xf32, #tpu.memory_space<hbm>>
      %dma_start3A_136 = arith.constant 0 : i32
      %dma_start3A_137 = tpu.memref_slice %arg5[%arg0, %add3A_57, %dma_start3A_136] : memref<2x10240x144xf32, #tpu.memory_space<hbm>> -> memref<1x32x144xf32, #tpu.memory_space<hbm>>
      %dma_start3A_138 = tpu.memref_squeeze %dma_start3A_137 : memref<1x32x144xf32, #tpu.memory_space<hbm>> -> memref<32x144xf32, #tpu.memory_space<hbm>>
      tpu.enqueue_dma source(%arg10 : memref<32x144xf32, #tpu.memory_space<vmem>>) target(%dma_start3A_138 : memref<32x144xf32, #tpu.memory_space<hbm>>) target_semaphore(%run_scoped3A : memref<!tpu.dma_semaphore, #tpu.memory_space<semaphore_mem>>)
      %dma_wait3A = arith.constant 0 : i32
      %dma_wait3A_139 = tpu.memref_slice %arg5[%arg0, %add3A_57, %dma_wait3A] : memref<2x10240x144xf32, #tpu.memory_space<hbm>> -> memref<1x32x144xf32, #tpu.memory_space<hbm>>
      %dma_wait3A_140 = tpu.memref_squeeze %dma_wait3A_139 : memref<1x32x144xf32, #tpu.memory_space<hbm>> -> memref<32x144xf32, #tpu.memory_space<hbm>>
      %dma_wait3A_141 = arith.constant 0 : i32
      %dma_wait3A_142 = tpu.memref_slice %arg5[%arg0, %add3A_57, %dma_wait3A_141] : memref<2x10240x144xf32, #tpu.memory_space<hbm>> -> memref<1x32x144xf32, #tpu.memory_space<hbm>>
      %dma_wait3A_143 = tpu.memref_squeeze %dma_wait3A_142 : memref<1x32x144xf32, #tpu.memory_space<hbm>> -> memref<32x144xf32, #tpu.memory_space<hbm>>
      tpu.wait_dma2 semaphore(%run_scoped3A : memref<!tpu.dma_semaphore, #tpu.memory_space<semaphore_mem>>) src(%arg10 : memref<32x144xf32, #tpu.memory_space<vmem>>) dst(%dma_wait3A_143 : memref<32x144xf32, #tpu.memory_space<hbm>>)
      tpu.yield
    }) : () -> ()
    %add3A_58 = arith.constant 32 : i32
    %add3A_59 = arith.addi %mul3A_0, %add3A_58 : i32
    "tpu.region"() ({
      %run_scoped3A = tpu.sem_alloc : memref<!tpu.dma_semaphore, #tpu.memory_space<semaphore_mem>>
      %dma_start3A = arith.constant 0 : i32
      %dma_start3A_134 = tpu.memref_slice %arg11[%add3A_59, %dma_start3A] : memref<10240x144xf32, #tpu.memory_space<vmem_shared>> -> memref<32x144xf32, #tpu.memory_space<vmem_shared>>
      %dma_start3A_135 = arith.constant 0 : i32
      %dma_start3A_136 = tpu.memref_slice %arg11[%add3A_59, %dma_start3A_135] : memref<10240x144xf32, #tpu.memory_space<vmem_shared>> -> memref<32x144xf32, #tpu.memory_space<vmem_shared>>
      tpu.enqueue_dma source(%dma_start3A_136 : memref<32x144xf32, #tpu.memory_space<vmem_shared>>) target(%arg10 : memref<32x144xf32, #tpu.memory_space<vmem>>) target_semaphore(%run_scoped3A : memref<!tpu.dma_semaphore, #tpu.memory_space<semaphore_mem>>)
      %dma_wait3A = arith.constant 0 : i32
      %dma_wait3A_137 = tpu.memref_slice %arg11[%add3A_59, %dma_wait3A] : memref<10240x144xf32, #tpu.memory_space<vmem_shared>> -> memref<32x144xf32, #tpu.memory_space<vmem_shared>>
      %dma_wait3A_138 = arith.constant 0 : i32
      %dma_wait3A_139 = tpu.memref_slice %arg11[%add3A_59, %dma_wait3A_138] : memref<10240x144xf32, #tpu.memory_space<vmem_shared>> -> memref<32x144xf32, #tpu.memory_space<vmem_shared>>
      tpu.wait_dma2 semaphore(%run_scoped3A : memref<!tpu.dma_semaphore, #tpu.memory_space<semaphore_mem>>) src(%dma_wait3A_139 : memref<32x144xf32, #tpu.memory_space<vmem_shared>>) dst(%arg10 : memref<32x144xf32, #tpu.memory_space<vmem>>)
      tpu.yield
    }) : () -> ()
    %add3A_60 = arith.constant 32 : i32
    %add3A_61 = arith.addi %mul3A_0, %add3A_60 : i32
    "tpu.region"() ({
      %run_scoped3A = tpu.sem_alloc : memref<!tpu.dma_semaphore, #tpu.memory_space<semaphore_mem>>
      %dma_start3A = arith.constant 0 : i32
      %dma_start3A_134 = tpu.memref_slice %arg5[%arg0, %add3A_61, %dma_start3A] : memref<2x10240x144xf32, #tpu.memory_space<hbm>> -> memref<1x32x144xf32, #tpu.memory_space<hbm>>
      %dma_start3A_135 = tpu.memref_squeeze %dma_start3A_134 : memref<1x32x144xf32, #tpu.memory_space<hbm>> -> memref<32x144xf32, #tpu.memory_space<hbm>>
      %dma_start3A_136 = arith.constant 0 : i32
      %dma_start3A_137 = tpu.memref_slice %arg5[%arg0, %add3A_61, %dma_start3A_136] : memref<2x10240x144xf32, #tpu.memory_space<hbm>> -> memref<1x32x144xf32, #tpu.memory_space<hbm>>
      %dma_start3A_138 = tpu.memref_squeeze %dma_start3A_137 : memref<1x32x144xf32, #tpu.memory_space<hbm>> -> memref<32x144xf32, #tpu.memory_space<hbm>>
      tpu.enqueue_dma source(%arg10 : memref<32x144xf32, #tpu.memory_space<vmem>>) target(%dma_start3A_138 : memref<32x144xf32, #tpu.memory_space<hbm>>) target_semaphore(%run_scoped3A : memref<!tpu.dma_semaphore, #tpu.memory_space<semaphore_mem>>)
      %dma_wait3A = arith.constant 0 : i32
      %dma_wait3A_139 = tpu.memref_slice %arg5[%arg0, %add3A_61, %dma_wait3A] : memref<2x10240x144xf32, #tpu.memory_space<hbm>> -> memref<1x32x144xf32, #tpu.memory_space<hbm>>
      %dma_wait3A_140 = tpu.memref_squeeze %dma_wait3A_139 : memref<1x32x144xf32, #tpu.memory_space<hbm>> -> memref<32x144xf32, #tpu.memory_space<hbm>>
      %dma_wait3A_141 = arith.constant 0 : i32
      %dma_wait3A_142 = tpu.memref_slice %arg5[%arg0, %add3A_61, %dma_wait3A_141] : memref<2x10240x144xf32, #tpu.memory_space<hbm>> -> memref<1x32x144xf32, #tpu.memory_space<hbm>>
      %dma_wait3A_143 = tpu.memref_squeeze %dma_wait3A_142 : memref<1x32x144xf32, #tpu.memory_space<hbm>> -> memref<32x144xf32, #tpu.memory_space<hbm>>
      tpu.wait_dma2 semaphore(%run_scoped3A : memref<!tpu.dma_semaphore, #tpu.memory_space<semaphore_mem>>) src(%arg10 : memref<32x144xf32, #tpu.memory_space<vmem>>) dst(%dma_wait3A_143 : memref<32x144xf32, #tpu.memory_space<hbm>>)
      tpu.yield
    }) : () -> ()
    %add3A_62 = arith.constant 64 : i32
    %add3A_63 = arith.addi %mul3A_0, %add3A_62 : i32
    "tpu.region"() ({
      %run_scoped3A = tpu.sem_alloc : memref<!tpu.dma_semaphore, #tpu.memory_space<semaphore_mem>>
      %dma_start3A = arith.constant 0 : i32
      %dma_start3A_134 = tpu.memref_slice %arg11[%add3A_63, %dma_start3A] : memref<10240x144xf32, #tpu.memory_space<vmem_shared>> -> memref<32x144xf32, #tpu.memory_space<vmem_shared>>
      %dma_start3A_135 = arith.constant 0 : i32
      %dma_start3A_136 = tpu.memref_slice %arg11[%add3A_63, %dma_start3A_135] : memref<10240x144xf32, #tpu.memory_space<vmem_shared>> -> memref<32x144xf32, #tpu.memory_space<vmem_shared>>
      tpu.enqueue_dma source(%dma_start3A_136 : memref<32x144xf32, #tpu.memory_space<vmem_shared>>) target(%arg10 : memref<32x144xf32, #tpu.memory_space<vmem>>) target_semaphore(%run_scoped3A : memref<!tpu.dma_semaphore, #tpu.memory_space<semaphore_mem>>)
      %dma_wait3A = arith.constant 0 : i32
      %dma_wait3A_137 = tpu.memref_slice %arg11[%add3A_63, %dma_wait3A] : memref<10240x144xf32, #tpu.memory_space<vmem_shared>> -> memref<32x144xf32, #tpu.memory_space<vmem_shared>>
      %dma_wait3A_138 = arith.constant 0 : i32
      %dma_wait3A_139 = tpu.memref_slice %arg11[%add3A_63, %dma_wait3A_138] : memref<10240x144xf32, #tpu.memory_space<vmem_shared>> -> memref<32x144xf32, #tpu.memory_space<vmem_shared>>
      tpu.wait_dma2 semaphore(%run_scoped3A : memref<!tpu.dma_semaphore, #tpu.memory_space<semaphore_mem>>) src(%dma_wait3A_139 : memref<32x144xf32, #tpu.memory_space<vmem_shared>>) dst(%arg10 : memref<32x144xf32, #tpu.memory_space<vmem>>)
      tpu.yield
    }) : () -> ()
    %add3A_64 = arith.constant 64 : i32
    %add3A_65 = arith.addi %mul3A_0, %add3A_64 : i32
    "tpu.region"() ({
      %run_scoped3A = tpu.sem_alloc : memref<!tpu.dma_semaphore, #tpu.memory_space<semaphore_mem>>
      %dma_start3A = arith.constant 0 : i32
      %dma_start3A_134 = tpu.memref_slice %arg5[%arg0, %add3A_65, %dma_start3A] : memref<2x10240x144xf32, #tpu.memory_space<hbm>> -> memref<1x32x144xf32, #tpu.memory_space<hbm>>
      %dma_start3A_135 = tpu.memref_squeeze %dma_start3A_134 : memref<1x32x144xf32, #tpu.memory_space<hbm>> -> memref<32x144xf32, #tpu.memory_space<hbm>>
      %dma_start3A_136 = arith.constant 0 : i32
      %dma_start3A_137 = tpu.memref_slice %arg5[%arg0, %add3A_65, %dma_start3A_136] : memref<2x10240x144xf32, #tpu.memory_space<hbm>> -> memref<1x32x144xf32, #tpu.memory_space<hbm>>
      %dma_start3A_138 = tpu.memref_squeeze %dma_start3A_137 : memref<1x32x144xf32, #tpu.memory_space<hbm>> -> memref<32x144xf32, #tpu.memory_space<hbm>>
      tpu.enqueue_dma source(%arg10 : memref<32x144xf32, #tpu.memory_space<vmem>>) target(%dma_start3A_138 : memref<32x144xf32, #tpu.memory_space<hbm>>) target_semaphore(%run_scoped3A : memref<!tpu.dma_semaphore, #tpu.memory_space<semaphore_mem>>)
      %dma_wait3A = arith.constant 0 : i32
      %dma_wait3A_139 = tpu.memref_slice %arg5[%arg0, %add3A_65, %dma_wait3A] : memref<2x10240x144xf32, #tpu.memory_space<hbm>> -> memref<1x32x144xf32, #tpu.memory_space<hbm>>
      %dma_wait3A_140 = tpu.memref_squeeze %dma_wait3A_139 : memref<1x32x144xf32, #tpu.memory_space<hbm>> -> memref<32x144xf32, #tpu.memory_space<hbm>>
      %dma_wait3A_141 = arith.constant 0 : i32
      %dma_wait3A_142 = tpu.memref_slice %arg5[%arg0, %add3A_65, %dma_wait3A_141] : memref<2x10240x144xf32, #tpu.memory_space<hbm>> -> memref<1x32x144xf32, #tpu.memory_space<hbm>>
      %dma_wait3A_143 = tpu.memref_squeeze %dma_wait3A_142 : memref<1x32x144xf32, #tpu.memory_space<hbm>> -> memref<32x144xf32, #tpu.memory_space<hbm>>
      tpu.wait_dma2 semaphore(%run_scoped3A : memref<!tpu.dma_semaphore, #tpu.memory_space<semaphore_mem>>) src(%arg10 : memref<32x144xf32, #tpu.memory_space<vmem>>) dst(%dma_wait3A_143 : memref<32x144xf32, #tpu.memory_space<hbm>>)
      tpu.yield
    }) : () -> ()
    %add3A_66 = arith.constant 96 : i32
    %add3A_67 = arith.addi %mul3A_0, %add3A_66 : i32
    "tpu.region"() ({
      %run_scoped3A = tpu.sem_alloc : memref<!tpu.dma_semaphore, #tpu.memory_space<semaphore_mem>>
      %dma_start3A = arith.constant 0 : i32
      %dma_start3A_134 = tpu.memref_slice %arg11[%add3A_67, %dma_start3A] : memref<10240x144xf32, #tpu.memory_space<vmem_shared>> -> memref<32x144xf32, #tpu.memory_space<vmem_shared>>
      %dma_start3A_135 = arith.constant 0 : i32
      %dma_start3A_136 = tpu.memref_slice %arg11[%add3A_67, %dma_start3A_135] : memref<10240x144xf32, #tpu.memory_space<vmem_shared>> -> memref<32x144xf32, #tpu.memory_space<vmem_shared>>
      tpu.enqueue_dma source(%dma_start3A_136 : memref<32x144xf32, #tpu.memory_space<vmem_shared>>) target(%arg10 : memref<32x144xf32, #tpu.memory_space<vmem>>) target_semaphore(%run_scoped3A : memref<!tpu.dma_semaphore, #tpu.memory_space<semaphore_mem>>)
      %dma_wait3A = arith.constant 0 : i32
      %dma_wait3A_137 = tpu.memref_slice %arg11[%add3A_67, %dma_wait3A] : memref<10240x144xf32, #tpu.memory_space<vmem_shared>> -> memref<32x144xf32, #tpu.memory_space<vmem_shared>>
      %dma_wait3A_138 = arith.constant 0 : i32
      %dma_wait3A_139 = tpu.memref_slice %arg11[%add3A_67, %dma_wait3A_138] : memref<10240x144xf32, #tpu.memory_space<vmem_shared>> -> memref<32x144xf32, #tpu.memory_space<vmem_shared>>
      tpu.wait_dma2 semaphore(%run_scoped3A : memref<!tpu.dma_semaphore, #tpu.memory_space<semaphore_mem>>) src(%dma_wait3A_139 : memref<32x144xf32, #tpu.memory_space<vmem_shared>>) dst(%arg10 : memref<32x144xf32, #tpu.memory_space<vmem>>)
      tpu.yield
    }) : () -> ()
    %add3A_68 = arith.constant 96 : i32
    %add3A_69 = arith.addi %mul3A_0, %add3A_68 : i32
    "tpu.region"() ({
      %run_scoped3A = tpu.sem_alloc : memref<!tpu.dma_semaphore, #tpu.memory_space<semaphore_mem>>
      %dma_start3A = arith.constant 0 : i32
      %dma_start3A_134 = tpu.memref_slice %arg5[%arg0, %add3A_69, %dma_start3A] : memref<2x10240x144xf32, #tpu.memory_space<hbm>> -> memref<1x32x144xf32, #tpu.memory_space<hbm>>
      %dma_start3A_135 = tpu.memref_squeeze %dma_start3A_134 : memref<1x32x144xf32, #tpu.memory_space<hbm>> -> memref<32x144xf32, #tpu.memory_space<hbm>>
      %dma_start3A_136 = arith.constant 0 : i32
      %dma_start3A_137 = tpu.memref_slice %arg5[%arg0, %add3A_69, %dma_start3A_136] : memref<2x10240x144xf32, #tpu.memory_space<hbm>> -> memref<1x32x144xf32, #tpu.memory_space<hbm>>
      %dma_start3A_138 = tpu.memref_squeeze %dma_start3A_137 : memref<1x32x144xf32, #tpu.memory_space<hbm>> -> memref<32x144xf32, #tpu.memory_space<hbm>>
      tpu.enqueue_dma source(%arg10 : memref<32x144xf32, #tpu.memory_space<vmem>>) target(%dma_start3A_138 : memref<32x144xf32, #tpu.memory_space<hbm>>) target_semaphore(%run_scoped3A : memref<!tpu.dma_semaphore, #tpu.memory_space<semaphore_mem>>)
      %dma_wait3A = arith.constant 0 : i32
      %dma_wait3A_139 = tpu.memref_slice %arg5[%arg0, %add3A_69, %dma_wait3A] : memref<2x10240x144xf32, #tpu.memory_space<hbm>> -> memref<1x32x144xf32, #tpu.memory_space<hbm>>
      %dma_wait3A_140 = tpu.memref_squeeze %dma_wait3A_139 : memref<1x32x144xf32, #tpu.memory_space<hbm>> -> memref<32x144xf32, #tpu.memory_space<hbm>>
      %dma_wait3A_141 = arith.constant 0 : i32
      %dma_wait3A_142 = tpu.memref_slice %arg5[%arg0, %add3A_69, %dma_wait3A_141] : memref<2x10240x144xf32, #tpu.memory_space<hbm>> -> memref<1x32x144xf32, #tpu.memory_space<hbm>>
      %dma_wait3A_143 = tpu.memref_squeeze %dma_wait3A_142 : memref<1x32x144xf32, #tpu.memory_space<hbm>> -> memref<32x144xf32, #tpu.memory_space<hbm>>
      tpu.wait_dma2 semaphore(%run_scoped3A : memref<!tpu.dma_semaphore, #tpu.memory_space<semaphore_mem>>) src(%arg10 : memref<32x144xf32, #tpu.memory_space<vmem>>) dst(%dma_wait3A_143 : memref<32x144xf32, #tpu.memory_space<hbm>>)
      tpu.yield
    }) : () -> ()
    %add3A_70 = arith.constant 128 : i32
    %add3A_71 = arith.addi %mul3A_0, %add3A_70 : i32
    "tpu.region"() ({
      %run_scoped3A = tpu.sem_alloc : memref<!tpu.dma_semaphore, #tpu.memory_space<semaphore_mem>>
      %dma_start3A = arith.constant 0 : i32
      %dma_start3A_134 = tpu.memref_slice %arg11[%add3A_71, %dma_start3A] : memref<10240x144xf32, #tpu.memory_space<vmem_shared>> -> memref<32x144xf32, #tpu.memory_space<vmem_shared>>
      %dma_start3A_135 = arith.constant 0 : i32
      %dma_start3A_136 = tpu.memref_slice %arg11[%add3A_71, %dma_start3A_135] : memref<10240x144xf32, #tpu.memory_space<vmem_shared>> -> memref<32x144xf32, #tpu.memory_space<vmem_shared>>
      tpu.enqueue_dma source(%dma_start3A_136 : memref<32x144xf32, #tpu.memory_space<vmem_shared>>) target(%arg10 : memref<32x144xf32, #tpu.memory_space<vmem>>) target_semaphore(%run_scoped3A : memref<!tpu.dma_semaphore, #tpu.memory_space<semaphore_mem>>)
      %dma_wait3A = arith.constant 0 : i32
      %dma_wait3A_137 = tpu.memref_slice %arg11[%add3A_71, %dma_wait3A] : memref<10240x144xf32, #tpu.memory_space<vmem_shared>> -> memref<32x144xf32, #tpu.memory_space<vmem_shared>>
      %dma_wait3A_138 = arith.constant 0 : i32
      %dma_wait3A_139 = tpu.memref_slice %arg11[%add3A_71, %dma_wait3A_138] : memref<10240x144xf32, #tpu.memory_space<vmem_shared>> -> memref<32x144xf32, #tpu.memory_space<vmem_shared>>
      tpu.wait_dma2 semaphore(%run_scoped3A : memref<!tpu.dma_semaphore, #tpu.memory_space<semaphore_mem>>) src(%dma_wait3A_139 : memref<32x144xf32, #tpu.memory_space<vmem_shared>>) dst(%arg10 : memref<32x144xf32, #tpu.memory_space<vmem>>)
      tpu.yield
    }) : () -> ()
    %add3A_72 = arith.constant 128 : i32
    %add3A_73 = arith.addi %mul3A_0, %add3A_72 : i32
    "tpu.region"() ({
      %run_scoped3A = tpu.sem_alloc : memref<!tpu.dma_semaphore, #tpu.memory_space<semaphore_mem>>
      %dma_start3A = arith.constant 0 : i32
      %dma_start3A_134 = tpu.memref_slice %arg5[%arg0, %add3A_73, %dma_start3A] : memref<2x10240x144xf32, #tpu.memory_space<hbm>> -> memref<1x32x144xf32, #tpu.memory_space<hbm>>
      %dma_start3A_135 = tpu.memref_squeeze %dma_start3A_134 : memref<1x32x144xf32, #tpu.memory_space<hbm>> -> memref<32x144xf32, #tpu.memory_space<hbm>>
      %dma_start3A_136 = arith.constant 0 : i32
      %dma_start3A_137 = tpu.memref_slice %arg5[%arg0, %add3A_73, %dma_start3A_136] : memref<2x10240x144xf32, #tpu.memory_space<hbm>> -> memref<1x32x144xf32, #tpu.memory_space<hbm>>
      %dma_start3A_138 = tpu.memref_squeeze %dma_start3A_137 : memref<1x32x144xf32, #tpu.memory_space<hbm>> -> memref<32x144xf32, #tpu.memory_space<hbm>>
      tpu.enqueue_dma source(%arg10 : memref<32x144xf32, #tpu.memory_space<vmem>>) target(%dma_start3A_138 : memref<32x144xf32, #tpu.memory_space<hbm>>) target_semaphore(%run_scoped3A : memref<!tpu.dma_semaphore, #tpu.memory_space<semaphore_mem>>)
      %dma_wait3A = arith.constant 0 : i32
      %dma_wait3A_139 = tpu.memref_slice %arg5[%arg0, %add3A_73, %dma_wait3A] : memref<2x10240x144xf32, #tpu.memory_space<hbm>> -> memref<1x32x144xf32, #tpu.memory_space<hbm>>
      %dma_wait3A_140 = tpu.memref_squeeze %dma_wait3A_139 : memref<1x32x144xf32, #tpu.memory_space<hbm>> -> memref<32x144xf32, #tpu.memory_space<hbm>>
      %dma_wait3A_141 = arith.constant 0 : i32
      %dma_wait3A_142 = tpu.memref_slice %arg5[%arg0, %add3A_73, %dma_wait3A_141] : memref<2x10240x144xf32, #tpu.memory_space<hbm>> -> memref<1x32x144xf32, #tpu.memory_space<hbm>>
      %dma_wait3A_143 = tpu.memref_squeeze %dma_wait3A_142 : memref<1x32x144xf32, #tpu.memory_space<hbm>> -> memref<32x144xf32, #tpu.memory_space<hbm>>
      tpu.wait_dma2 semaphore(%run_scoped3A : memref<!tpu.dma_semaphore, #tpu.memory_space<semaphore_mem>>) src(%arg10 : memref<32x144xf32, #tpu.memory_space<vmem>>) dst(%dma_wait3A_143 : memref<32x144xf32, #tpu.memory_space<hbm>>)
      tpu.yield
    }) : () -> ()
    %add3A_74 = arith.constant 160 : i32
    %add3A_75 = arith.addi %mul3A_0, %add3A_74 : i32
    "tpu.region"() ({
      %run_scoped3A = tpu.sem_alloc : memref<!tpu.dma_semaphore, #tpu.memory_space<semaphore_mem>>
      %dma_start3A = arith.constant 0 : i32
      %dma_start3A_134 = tpu.memref_slice %arg11[%add3A_75, %dma_start3A] : memref<10240x144xf32, #tpu.memory_space<vmem_shared>> -> memref<32x144xf32, #tpu.memory_space<vmem_shared>>
      %dma_start3A_135 = arith.constant 0 : i32
      %dma_start3A_136 = tpu.memref_slice %arg11[%add3A_75, %dma_start3A_135] : memref<10240x144xf32, #tpu.memory_space<vmem_shared>> -> memref<32x144xf32, #tpu.memory_space<vmem_shared>>
      tpu.enqueue_dma source(%dma_start3A_136 : memref<32x144xf32, #tpu.memory_space<vmem_shared>>) target(%arg10 : memref<32x144xf32, #tpu.memory_space<vmem>>) target_semaphore(%run_scoped3A : memref<!tpu.dma_semaphore, #tpu.memory_space<semaphore_mem>>)
      %dma_wait3A = arith.constant 0 : i32
      %dma_wait3A_137 = tpu.memref_slice %arg11[%add3A_75, %dma_wait3A] : memref<10240x144xf32, #tpu.memory_space<vmem_shared>> -> memref<32x144xf32, #tpu.memory_space<vmem_shared>>
      %dma_wait3A_138 = arith.constant 0 : i32
      %dma_wait3A_139 = tpu.memref_slice %arg11[%add3A_75, %dma_wait3A_138] : memref<10240x144xf32, #tpu.memory_space<vmem_shared>> -> memref<32x144xf32, #tpu.memory_space<vmem_shared>>
      tpu.wait_dma2 semaphore(%run_scoped3A : memref<!tpu.dma_semaphore, #tpu.memory_space<semaphore_mem>>) src(%dma_wait3A_139 : memref<32x144xf32, #tpu.memory_space<vmem_shared>>) dst(%arg10 : memref<32x144xf32, #tpu.memory_space<vmem>>)
      tpu.yield
    }) : () -> ()
    %add3A_76 = arith.constant 160 : i32
    %add3A_77 = arith.addi %mul3A_0, %add3A_76 : i32
    "tpu.region"() ({
      %run_scoped3A = tpu.sem_alloc : memref<!tpu.dma_semaphore, #tpu.memory_space<semaphore_mem>>
      %dma_start3A = arith.constant 0 : i32
      %dma_start3A_134 = tpu.memref_slice %arg5[%arg0, %add3A_77, %dma_start3A] : memref<2x10240x144xf32, #tpu.memory_space<hbm>> -> memref<1x32x144xf32, #tpu.memory_space<hbm>>
      %dma_start3A_135 = tpu.memref_squeeze %dma_start3A_134 : memref<1x32x144xf32, #tpu.memory_space<hbm>> -> memref<32x144xf32, #tpu.memory_space<hbm>>
      %dma_start3A_136 = arith.constant 0 : i32
      %dma_start3A_137 = tpu.memref_slice %arg5[%arg0, %add3A_77, %dma_start3A_136] : memref<2x10240x144xf32, #tpu.memory_space<hbm>> -> memref<1x32x144xf32, #tpu.memory_space<hbm>>
      %dma_start3A_138 = tpu.memref_squeeze %dma_start3A_137 : memref<1x32x144xf32, #tpu.memory_space<hbm>> -> memref<32x144xf32, #tpu.memory_space<hbm>>
      tpu.enqueue_dma source(%arg10 : memref<32x144xf32, #tpu.memory_space<vmem>>) target(%dma_start3A_138 : memref<32x144xf32, #tpu.memory_space<hbm>>) target_semaphore(%run_scoped3A : memref<!tpu.dma_semaphore, #tpu.memory_space<semaphore_mem>>)
      %dma_wait3A = arith.constant 0 : i32
      %dma_wait3A_139 = tpu.memref_slice %arg5[%arg0, %add3A_77, %dma_wait3A] : memref<2x10240x144xf32, #tpu.memory_space<hbm>> -> memref<1x32x144xf32, #tpu.memory_space<hbm>>
      %dma_wait3A_140 = tpu.memref_squeeze %dma_wait3A_139 : memref<1x32x144xf32, #tpu.memory_space<hbm>> -> memref<32x144xf32, #tpu.memory_space<hbm>>
      %dma_wait3A_141 = arith.constant 0 : i32
      %dma_wait3A_142 = tpu.memref_slice %arg5[%arg0, %add3A_77, %dma_wait3A_141] : memref<2x10240x144xf32, #tpu.memory_space<hbm>> -> memref<1x32x144xf32, #tpu.memory_space<hbm>>
      %dma_wait3A_143 = tpu.memref_squeeze %dma_wait3A_142 : memref<1x32x144xf32, #tpu.memory_space<hbm>> -> memref<32x144xf32, #tpu.memory_space<hbm>>
      tpu.wait_dma2 semaphore(%run_scoped3A : memref<!tpu.dma_semaphore, #tpu.memory_space<semaphore_mem>>) src(%arg10 : memref<32x144xf32, #tpu.memory_space<vmem>>) dst(%dma_wait3A_143 : memref<32x144xf32, #tpu.memory_space<hbm>>)
      tpu.yield
    }) : () -> ()
    %add3A_78 = arith.constant 192 : i32
    %add3A_79 = arith.addi %mul3A_0, %add3A_78 : i32
    "tpu.region"() ({
      %run_scoped3A = tpu.sem_alloc : memref<!tpu.dma_semaphore, #tpu.memory_space<semaphore_mem>>
      %dma_start3A = arith.constant 0 : i32
      %dma_start3A_134 = tpu.memref_slice %arg11[%add3A_79, %dma_start3A] : memref<10240x144xf32, #tpu.memory_space<vmem_shared>> -> memref<32x144xf32, #tpu.memory_space<vmem_shared>>
      %dma_start3A_135 = arith.constant 0 : i32
      %dma_start3A_136 = tpu.memref_slice %arg11[%add3A_79, %dma_start3A_135] : memref<10240x144xf32, #tpu.memory_space<vmem_shared>> -> memref<32x144xf32, #tpu.memory_space<vmem_shared>>
      tpu.enqueue_dma source(%dma_start3A_136 : memref<32x144xf32, #tpu.memory_space<vmem_shared>>) target(%arg10 : memref<32x144xf32, #tpu.memory_space<vmem>>) target_semaphore(%run_scoped3A : memref<!tpu.dma_semaphore, #tpu.memory_space<semaphore_mem>>)
      %dma_wait3A = arith.constant 0 : i32
      %dma_wait3A_137 = tpu.memref_slice %arg11[%add3A_79, %dma_wait3A] : memref<10240x144xf32, #tpu.memory_space<vmem_shared>> -> memref<32x144xf32, #tpu.memory_space<vmem_shared>>
      %dma_wait3A_138 = arith.constant 0 : i32
      %dma_wait3A_139 = tpu.memref_slice %arg11[%add3A_79, %dma_wait3A_138] : memref<10240x144xf32, #tpu.memory_space<vmem_shared>> -> memref<32x144xf32, #tpu.memory_space<vmem_shared>>
      tpu.wait_dma2 semaphore(%run_scoped3A : memref<!tpu.dma_semaphore, #tpu.memory_space<semaphore_mem>>) src(%dma_wait3A_139 : memref<32x144xf32, #tpu.memory_space<vmem_shared>>) dst(%arg10 : memref<32x144xf32, #tpu.memory_space<vmem>>)
      tpu.yield
    }) : () -> ()
    %add3A_80 = arith.constant 192 : i32
    %add3A_81 = arith.addi %mul3A_0, %add3A_80 : i32
    "tpu.region"() ({
      %run_scoped3A = tpu.sem_alloc : memref<!tpu.dma_semaphore, #tpu.memory_space<semaphore_mem>>
      %dma_start3A = arith.constant 0 : i32
      %dma_start3A_134 = tpu.memref_slice %arg5[%arg0, %add3A_81, %dma_start3A] : memref<2x10240x144xf32, #tpu.memory_space<hbm>> -> memref<1x32x144xf32, #tpu.memory_space<hbm>>
      %dma_start3A_135 = tpu.memref_squeeze %dma_start3A_134 : memref<1x32x144xf32, #tpu.memory_space<hbm>> -> memref<32x144xf32, #tpu.memory_space<hbm>>
      %dma_start3A_136 = arith.constant 0 : i32
      %dma_start3A_137 = tpu.memref_slice %arg5[%arg0, %add3A_81, %dma_start3A_136] : memref<2x10240x144xf32, #tpu.memory_space<hbm>> -> memref<1x32x144xf32, #tpu.memory_space<hbm>>
      %dma_start3A_138 = tpu.memref_squeeze %dma_start3A_137 : memref<1x32x144xf32, #tpu.memory_space<hbm>> -> memref<32x144xf32, #tpu.memory_space<hbm>>
      tpu.enqueue_dma source(%arg10 : memref<32x144xf32, #tpu.memory_space<vmem>>) target(%dma_start3A_138 : memref<32x144xf32, #tpu.memory_space<hbm>>) target_semaphore(%run_scoped3A : memref<!tpu.dma_semaphore, #tpu.memory_space<semaphore_mem>>)
      %dma_wait3A = arith.constant 0 : i32
      %dma_wait3A_139 = tpu.memref_slice %arg5[%arg0, %add3A_81, %dma_wait3A] : memref<2x10240x144xf32, #tpu.memory_space<hbm>> -> memref<1x32x144xf32, #tpu.memory_space<hbm>>
      %dma_wait3A_140 = tpu.memref_squeeze %dma_wait3A_139 : memref<1x32x144xf32, #tpu.memory_space<hbm>> -> memref<32x144xf32, #tpu.memory_space<hbm>>
      %dma_wait3A_141 = arith.constant 0 : i32
      %dma_wait3A_142 = tpu.memref_slice %arg5[%arg0, %add3A_81, %dma_wait3A_141] : memref<2x10240x144xf32, #tpu.memory_space<hbm>> -> memref<1x32x144xf32, #tpu.memory_space<hbm>>
      %dma_wait3A_143 = tpu.memref_squeeze %dma_wait3A_142 : memref<1x32x144xf32, #tpu.memory_space<hbm>> -> memref<32x144xf32, #tpu.memory_space<hbm>>
      tpu.wait_dma2 semaphore(%run_scoped3A : memref<!tpu.dma_semaphore, #tpu.memory_space<semaphore_mem>>) src(%arg10 : memref<32x144xf32, #tpu.memory_space<vmem>>) dst(%dma_wait3A_143 : memref<32x144xf32, #tpu.memory_space<hbm>>)
      tpu.yield
    }) : () -> ()
    %add3A_82 = arith.constant 224 : i32
    %add3A_83 = arith.addi %mul3A_0, %add3A_82 : i32
    "tpu.region"() ({
      %run_scoped3A = tpu.sem_alloc : memref<!tpu.dma_semaphore, #tpu.memory_space<semaphore_mem>>
      %dma_start3A = arith.constant 0 : i32
      %dma_start3A_134 = tpu.memref_slice %arg11[%add3A_83, %dma_start3A] : memref<10240x144xf32, #tpu.memory_space<vmem_shared>> -> memref<32x144xf32, #tpu.memory_space<vmem_shared>>
      %dma_start3A_135 = arith.constant 0 : i32
      %dma_start3A_136 = tpu.memref_slice %arg11[%add3A_83, %dma_start3A_135] : memref<10240x144xf32, #tpu.memory_space<vmem_shared>> -> memref<32x144xf32, #tpu.memory_space<vmem_shared>>
      tpu.enqueue_dma source(%dma_start3A_136 : memref<32x144xf32, #tpu.memory_space<vmem_shared>>) target(%arg10 : memref<32x144xf32, #tpu.memory_space<vmem>>) target_semaphore(%run_scoped3A : memref<!tpu.dma_semaphore, #tpu.memory_space<semaphore_mem>>)
      %dma_wait3A = arith.constant 0 : i32
      %dma_wait3A_137 = tpu.memref_slice %arg11[%add3A_83, %dma_wait3A] : memref<10240x144xf32, #tpu.memory_space<vmem_shared>> -> memref<32x144xf32, #tpu.memory_space<vmem_shared>>
      %dma_wait3A_138 = arith.constant 0 : i32
      %dma_wait3A_139 = tpu.memref_slice %arg11[%add3A_83, %dma_wait3A_138] : memref<10240x144xf32, #tpu.memory_space<vmem_shared>> -> memref<32x144xf32, #tpu.memory_space<vmem_shared>>
      tpu.wait_dma2 semaphore(%run_scoped3A : memref<!tpu.dma_semaphore, #tpu.memory_space<semaphore_mem>>) src(%dma_wait3A_139 : memref<32x144xf32, #tpu.memory_space<vmem_shared>>) dst(%arg10 : memref<32x144xf32, #tpu.memory_space<vmem>>)
      tpu.yield
    }) : () -> ()
    %add3A_84 = arith.constant 224 : i32
    %add3A_85 = arith.addi %mul3A_0, %add3A_84 : i32
    "tpu.region"() ({
      %run_scoped3A = tpu.sem_alloc : memref<!tpu.dma_semaphore, #tpu.memory_space<semaphore_mem>>
      %dma_start3A = arith.constant 0 : i32
      %dma_start3A_134 = tpu.memref_slice %arg5[%arg0, %add3A_85, %dma_start3A] : memref<2x10240x144xf32, #tpu.memory_space<hbm>> -> memref<1x32x144xf32, #tpu.memory_space<hbm>>
      %dma_start3A_135 = tpu.memref_squeeze %dma_start3A_134 : memref<1x32x144xf32, #tpu.memory_space<hbm>> -> memref<32x144xf32, #tpu.memory_space<hbm>>
      %dma_start3A_136 = arith.constant 0 : i32
      %dma_start3A_137 = tpu.memref_slice %arg5[%arg0, %add3A_85, %dma_start3A_136] : memref<2x10240x144xf32, #tpu.memory_space<hbm>> -> memref<1x32x144xf32, #tpu.memory_space<hbm>>
      %dma_start3A_138 = tpu.memref_squeeze %dma_start3A_137 : memref<1x32x144xf32, #tpu.memory_space<hbm>> -> memref<32x144xf32, #tpu.memory_space<hbm>>
      tpu.enqueue_dma source(%arg10 : memref<32x144xf32, #tpu.memory_space<vmem>>) target(%dma_start3A_138 : memref<32x144xf32, #tpu.memory_space<hbm>>) target_semaphore(%run_scoped3A : memref<!tpu.dma_semaphore, #tpu.memory_space<semaphore_mem>>)
      %dma_wait3A = arith.constant 0 : i32
      %dma_wait3A_139 = tpu.memref_slice %arg5[%arg0, %add3A_85, %dma_wait3A] : memref<2x10240x144xf32, #tpu.memory_space<hbm>> -> memref<1x32x144xf32, #tpu.memory_space<hbm>>
      %dma_wait3A_140 = tpu.memref_squeeze %dma_wait3A_139 : memref<1x32x144xf32, #tpu.memory_space<hbm>> -> memref<32x144xf32, #tpu.memory_space<hbm>>
      %dma_wait3A_141 = arith.constant 0 : i32
      %dma_wait3A_142 = tpu.memref_slice %arg5[%arg0, %add3A_85, %dma_wait3A_141] : memref<2x10240x144xf32, #tpu.memory_space<hbm>> -> memref<1x32x144xf32, #tpu.memory_space<hbm>>
      %dma_wait3A_143 = tpu.memref_squeeze %dma_wait3A_142 : memref<1x32x144xf32, #tpu.memory_space<hbm>> -> memref<32x144xf32, #tpu.memory_space<hbm>>
      tpu.wait_dma2 semaphore(%run_scoped3A : memref<!tpu.dma_semaphore, #tpu.memory_space<semaphore_mem>>) src(%arg10 : memref<32x144xf32, #tpu.memory_space<vmem>>) dst(%dma_wait3A_143 : memref<32x144xf32, #tpu.memory_space<hbm>>)
      tpu.yield
    }) : () -> ()
    %add3A_86 = arith.constant 256 : i32
    %add3A_87 = arith.addi %mul3A_0, %add3A_86 : i32
    "tpu.region"() ({
      %run_scoped3A = tpu.sem_alloc : memref<!tpu.dma_semaphore, #tpu.memory_space<semaphore_mem>>
      %dma_start3A = arith.constant 0 : i32
      %dma_start3A_134 = tpu.memref_slice %arg11[%add3A_87, %dma_start3A] : memref<10240x144xf32, #tpu.memory_space<vmem_shared>> -> memref<32x144xf32, #tpu.memory_space<vmem_shared>>
      %dma_start3A_135 = arith.constant 0 : i32
      %dma_start3A_136 = tpu.memref_slice %arg11[%add3A_87, %dma_start3A_135] : memref<10240x144xf32, #tpu.memory_space<vmem_shared>> -> memref<32x144xf32, #tpu.memory_space<vmem_shared>>
      tpu.enqueue_dma source(%dma_start3A_136 : memref<32x144xf32, #tpu.memory_space<vmem_shared>>) target(%arg10 : memref<32x144xf32, #tpu.memory_space<vmem>>) target_semaphore(%run_scoped3A : memref<!tpu.dma_semaphore, #tpu.memory_space<semaphore_mem>>)
      %dma_wait3A = arith.constant 0 : i32
      %dma_wait3A_137 = tpu.memref_slice %arg11[%add3A_87, %dma_wait3A] : memref<10240x144xf32, #tpu.memory_space<vmem_shared>> -> memref<32x144xf32, #tpu.memory_space<vmem_shared>>
      %dma_wait3A_138 = arith.constant 0 : i32
      %dma_wait3A_139 = tpu.memref_slice %arg11[%add3A_87, %dma_wait3A_138] : memref<10240x144xf32, #tpu.memory_space<vmem_shared>> -> memref<32x144xf32, #tpu.memory_space<vmem_shared>>
      tpu.wait_dma2 semaphore(%run_scoped3A : memref<!tpu.dma_semaphore, #tpu.memory_space<semaphore_mem>>) src(%dma_wait3A_139 : memref<32x144xf32, #tpu.memory_space<vmem_shared>>) dst(%arg10 : memref<32x144xf32, #tpu.memory_space<vmem>>)
      tpu.yield
    }) : () -> ()
    %add3A_88 = arith.constant 256 : i32
    %add3A_89 = arith.addi %mul3A_0, %add3A_88 : i32
    "tpu.region"() ({
      %run_scoped3A = tpu.sem_alloc : memref<!tpu.dma_semaphore, #tpu.memory_space<semaphore_mem>>
      %dma_start3A = arith.constant 0 : i32
      %dma_start3A_134 = tpu.memref_slice %arg5[%arg0, %add3A_89, %dma_start3A] : memref<2x10240x144xf32, #tpu.memory_space<hbm>> -> memref<1x32x144xf32, #tpu.memory_space<hbm>>
      %dma_start3A_135 = tpu.memref_squeeze %dma_start3A_134 : memref<1x32x144xf32, #tpu.memory_space<hbm>> -> memref<32x144xf32, #tpu.memory_space<hbm>>
      %dma_start3A_136 = arith.constant 0 : i32
      %dma_start3A_137 = tpu.memref_slice %arg5[%arg0, %add3A_89, %dma_start3A_136] : memref<2x10240x144xf32, #tpu.memory_space<hbm>> -> memref<1x32x144xf32, #tpu.memory_space<hbm>>
      %dma_start3A_138 = tpu.memref_squeeze %dma_start3A_137 : memref<1x32x144xf32, #tpu.memory_space<hbm>> -> memref<32x144xf32, #tpu.memory_space<hbm>>
      tpu.enqueue_dma source(%arg10 : memref<32x144xf32, #tpu.memory_space<vmem>>) target(%dma_start3A_138 : memref<32x144xf32, #tpu.memory_space<hbm>>) target_semaphore(%run_scoped3A : memref<!tpu.dma_semaphore, #tpu.memory_space<semaphore_mem>>)
      %dma_wait3A = arith.constant 0 : i32
      %dma_wait3A_139 = tpu.memref_slice %arg5[%arg0, %add3A_89, %dma_wait3A] : memref<2x10240x144xf32, #tpu.memory_space<hbm>> -> memref<1x32x144xf32, #tpu.memory_space<hbm>>
      %dma_wait3A_140 = tpu.memref_squeeze %dma_wait3A_139 : memref<1x32x144xf32, #tpu.memory_space<hbm>> -> memref<32x144xf32, #tpu.memory_space<hbm>>
      %dma_wait3A_141 = arith.constant 0 : i32
      %dma_wait3A_142 = tpu.memref_slice %arg5[%arg0, %add3A_89, %dma_wait3A_141] : memref<2x10240x144xf32, #tpu.memory_space<hbm>> -> memref<1x32x144xf32, #tpu.memory_space<hbm>>
      %dma_wait3A_143 = tpu.memref_squeeze %dma_wait3A_142 : memref<1x32x144xf32, #tpu.memory_space<hbm>> -> memref<32x144xf32, #tpu.memory_space<hbm>>
      tpu.wait_dma2 semaphore(%run_scoped3A : memref<!tpu.dma_semaphore, #tpu.memory_space<semaphore_mem>>) src(%arg10 : memref<32x144xf32, #tpu.memory_space<vmem>>) dst(%dma_wait3A_143 : memref<32x144xf32, #tpu.memory_space<hbm>>)
      tpu.yield
    }) : () -> ()
    %add3A_90 = arith.constant 288 : i32
    %add3A_91 = arith.addi %mul3A_0, %add3A_90 : i32
    "tpu.region"() ({
      %run_scoped3A = tpu.sem_alloc : memref<!tpu.dma_semaphore, #tpu.memory_space<semaphore_mem>>
      %dma_start3A = arith.constant 0 : i32
      %dma_start3A_134 = tpu.memref_slice %arg11[%add3A_91, %dma_start3A] : memref<10240x144xf32, #tpu.memory_space<vmem_shared>> -> memref<32x144xf32, #tpu.memory_space<vmem_shared>>
      %dma_start3A_135 = arith.constant 0 : i32
      %dma_start3A_136 = tpu.memref_slice %arg11[%add3A_91, %dma_start3A_135] : memref<10240x144xf32, #tpu.memory_space<vmem_shared>> -> memref<32x144xf32, #tpu.memory_space<vmem_shared>>
      tpu.enqueue_dma source(%dma_start3A_136 : memref<32x144xf32, #tpu.memory_space<vmem_shared>>) target(%arg10 : memref<32x144xf32, #tpu.memory_space<vmem>>) target_semaphore(%run_scoped3A : memref<!tpu.dma_semaphore, #tpu.memory_space<semaphore_mem>>)
      %dma_wait3A = arith.constant 0 : i32
      %dma_wait3A_137 = tpu.memref_slice %arg11[%add3A_91, %dma_wait3A] : memref<10240x144xf32, #tpu.memory_space<vmem_shared>> -> memref<32x144xf32, #tpu.memory_space<vmem_shared>>
      %dma_wait3A_138 = arith.constant 0 : i32
      %dma_wait3A_139 = tpu.memref_slice %arg11[%add3A_91, %dma_wait3A_138] : memref<10240x144xf32, #tpu.memory_space<vmem_shared>> -> memref<32x144xf32, #tpu.memory_space<vmem_shared>>
      tpu.wait_dma2 semaphore(%run_scoped3A : memref<!tpu.dma_semaphore, #tpu.memory_space<semaphore_mem>>) src(%dma_wait3A_139 : memref<32x144xf32, #tpu.memory_space<vmem_shared>>) dst(%arg10 : memref<32x144xf32, #tpu.memory_space<vmem>>)
      tpu.yield
    }) : () -> ()
    %add3A_92 = arith.constant 288 : i32
    %add3A_93 = arith.addi %mul3A_0, %add3A_92 : i32
    "tpu.region"() ({
      %run_scoped3A = tpu.sem_alloc : memref<!tpu.dma_semaphore, #tpu.memory_space<semaphore_mem>>
      %dma_start3A = arith.constant 0 : i32
      %dma_start3A_134 = tpu.memref_slice %arg5[%arg0, %add3A_93, %dma_start3A] : memref<2x10240x144xf32, #tpu.memory_space<hbm>> -> memref<1x32x144xf32, #tpu.memory_space<hbm>>
      %dma_start3A_135 = tpu.memref_squeeze %dma_start3A_134 : memref<1x32x144xf32, #tpu.memory_space<hbm>> -> memref<32x144xf32, #tpu.memory_space<hbm>>
      %dma_start3A_136 = arith.constant 0 : i32
      %dma_start3A_137 = tpu.memref_slice %arg5[%arg0, %add3A_93, %dma_start3A_136] : memref<2x10240x144xf32, #tpu.memory_space<hbm>> -> memref<1x32x144xf32, #tpu.memory_space<hbm>>
      %dma_start3A_138 = tpu.memref_squeeze %dma_start3A_137 : memref<1x32x144xf32, #tpu.memory_space<hbm>> -> memref<32x144xf32, #tpu.memory_space<hbm>>
      tpu.enqueue_dma source(%arg10 : memref<32x144xf32, #tpu.memory_space<vmem>>) target(%dma_start3A_138 : memref<32x144xf32, #tpu.memory_space<hbm>>) target_semaphore(%run_scoped3A : memref<!tpu.dma_semaphore, #tpu.memory_space<semaphore_mem>>)
      %dma_wait3A = arith.constant 0 : i32
      %dma_wait3A_139 = tpu.memref_slice %arg5[%arg0, %add3A_93, %dma_wait3A] : memref<2x10240x144xf32, #tpu.memory_space<hbm>> -> memref<1x32x144xf32, #tpu.memory_space<hbm>>
      %dma_wait3A_140 = tpu.memref_squeeze %dma_wait3A_139 : memref<1x32x144xf32, #tpu.memory_space<hbm>> -> memref<32x144xf32, #tpu.memory_space<hbm>>
      %dma_wait3A_141 = arith.constant 0 : i32
      %dma_wait3A_142 = tpu.memref_slice %arg5[%arg0, %add3A_93, %dma_wait3A_141] : memref<2x10240x144xf32, #tpu.memory_space<hbm>> -> memref<1x32x144xf32, #tpu.memory_space<hbm>>
      %dma_wait3A_143 = tpu.memref_squeeze %dma_wait3A_142 : memref<1x32x144xf32, #tpu.memory_space<hbm>> -> memref<32x144xf32, #tpu.memory_space<hbm>>
      tpu.wait_dma2 semaphore(%run_scoped3A : memref<!tpu.dma_semaphore, #tpu.memory_space<semaphore_mem>>) src(%arg10 : memref<32x144xf32, #tpu.memory_space<vmem>>) dst(%dma_wait3A_143 : memref<32x144xf32, #tpu.memory_space<hbm>>)
      tpu.yield
    }) : () -> ()
    %add3A_94 = arith.constant 320 : i32
    %add3A_95 = arith.addi %mul3A_0, %add3A_94 : i32
    "tpu.region"() ({
      %run_scoped3A = tpu.sem_alloc : memref<!tpu.dma_semaphore, #tpu.memory_space<semaphore_mem>>
      %dma_start3A = arith.constant 0 : i32
      %dma_start3A_134 = tpu.memref_slice %arg11[%add3A_95, %dma_start3A] : memref<10240x144xf32, #tpu.memory_space<vmem_shared>> -> memref<32x144xf32, #tpu.memory_space<vmem_shared>>
      %dma_start3A_135 = arith.constant 0 : i32
      %dma_start3A_136 = tpu.memref_slice %arg11[%add3A_95, %dma_start3A_135] : memref<10240x144xf32, #tpu.memory_space<vmem_shared>> -> memref<32x144xf32, #tpu.memory_space<vmem_shared>>
      tpu.enqueue_dma source(%dma_start3A_136 : memref<32x144xf32, #tpu.memory_space<vmem_shared>>) target(%arg10 : memref<32x144xf32, #tpu.memory_space<vmem>>) target_semaphore(%run_scoped3A : memref<!tpu.dma_semaphore, #tpu.memory_space<semaphore_mem>>)
      %dma_wait3A = arith.constant 0 : i32
      %dma_wait3A_137 = tpu.memref_slice %arg11[%add3A_95, %dma_wait3A] : memref<10240x144xf32, #tpu.memory_space<vmem_shared>> -> memref<32x144xf32, #tpu.memory_space<vmem_shared>>
      %dma_wait3A_138 = arith.constant 0 : i32
      %dma_wait3A_139 = tpu.memref_slice %arg11[%add3A_95, %dma_wait3A_138] : memref<10240x144xf32, #tpu.memory_space<vmem_shared>> -> memref<32x144xf32, #tpu.memory_space<vmem_shared>>
      tpu.wait_dma2 semaphore(%run_scoped3A : memref<!tpu.dma_semaphore, #tpu.memory_space<semaphore_mem>>) src(%dma_wait3A_139 : memref<32x144xf32, #tpu.memory_space<vmem_shared>>) dst(%arg10 : memref<32x144xf32, #tpu.memory_space<vmem>>)
      tpu.yield
    }) : () -> ()
    %add3A_96 = arith.constant 320 : i32
    %add3A_97 = arith.addi %mul3A_0, %add3A_96 : i32
    "tpu.region"() ({
      %run_scoped3A = tpu.sem_alloc : memref<!tpu.dma_semaphore, #tpu.memory_space<semaphore_mem>>
      %dma_start3A = arith.constant 0 : i32
      %dma_start3A_134 = tpu.memref_slice %arg5[%arg0, %add3A_97, %dma_start3A] : memref<2x10240x144xf32, #tpu.memory_space<hbm>> -> memref<1x32x144xf32, #tpu.memory_space<hbm>>
      %dma_start3A_135 = tpu.memref_squeeze %dma_start3A_134 : memref<1x32x144xf32, #tpu.memory_space<hbm>> -> memref<32x144xf32, #tpu.memory_space<hbm>>
      %dma_start3A_136 = arith.constant 0 : i32
      %dma_start3A_137 = tpu.memref_slice %arg5[%arg0, %add3A_97, %dma_start3A_136] : memref<2x10240x144xf32, #tpu.memory_space<hbm>> -> memref<1x32x144xf32, #tpu.memory_space<hbm>>
      %dma_start3A_138 = tpu.memref_squeeze %dma_start3A_137 : memref<1x32x144xf32, #tpu.memory_space<hbm>> -> memref<32x144xf32, #tpu.memory_space<hbm>>
      tpu.enqueue_dma source(%arg10 : memref<32x144xf32, #tpu.memory_space<vmem>>) target(%dma_start3A_138 : memref<32x144xf32, #tpu.memory_space<hbm>>) target_semaphore(%run_scoped3A : memref<!tpu.dma_semaphore, #tpu.memory_space<semaphore_mem>>)
      %dma_wait3A = arith.constant 0 : i32
      %dma_wait3A_139 = tpu.memref_slice %arg5[%arg0, %add3A_97, %dma_wait3A] : memref<2x10240x144xf32, #tpu.memory_space<hbm>> -> memref<1x32x144xf32, #tpu.memory_space<hbm>>
      %dma_wait3A_140 = tpu.memref_squeeze %dma_wait3A_139 : memref<1x32x144xf32, #tpu.memory_space<hbm>> -> memref<32x144xf32, #tpu.memory_space<hbm>>
      %dma_wait3A_141 = arith.constant 0 : i32
      %dma_wait3A_142 = tpu.memref_slice %arg5[%arg0, %add3A_97, %dma_wait3A_141] : memref<2x10240x144xf32, #tpu.memory_space<hbm>> -> memref<1x32x144xf32, #tpu.memory_space<hbm>>
      %dma_wait3A_143 = tpu.memref_squeeze %dma_wait3A_142 : memref<1x32x144xf32, #tpu.memory_space<hbm>> -> memref<32x144xf32, #tpu.memory_space<hbm>>
      tpu.wait_dma2 semaphore(%run_scoped3A : memref<!tpu.dma_semaphore, #tpu.memory_space<semaphore_mem>>) src(%arg10 : memref<32x144xf32, #tpu.memory_space<vmem>>) dst(%dma_wait3A_143 : memref<32x144xf32, #tpu.memory_space<hbm>>)
      tpu.yield
    }) : () -> ()
    %add3A_98 = arith.constant 352 : i32
    %add3A_99 = arith.addi %mul3A_0, %add3A_98 : i32
    "tpu.region"() ({
      %run_scoped3A = tpu.sem_alloc : memref<!tpu.dma_semaphore, #tpu.memory_space<semaphore_mem>>
      %dma_start3A = arith.constant 0 : i32
      %dma_start3A_134 = tpu.memref_slice %arg11[%add3A_99, %dma_start3A] : memref<10240x144xf32, #tpu.memory_space<vmem_shared>> -> memref<32x144xf32, #tpu.memory_space<vmem_shared>>
      %dma_start3A_135 = arith.constant 0 : i32
      %dma_start3A_136 = tpu.memref_slice %arg11[%add3A_99, %dma_start3A_135] : memref<10240x144xf32, #tpu.memory_space<vmem_shared>> -> memref<32x144xf32, #tpu.memory_space<vmem_shared>>
      tpu.enqueue_dma source(%dma_start3A_136 : memref<32x144xf32, #tpu.memory_space<vmem_shared>>) target(%arg10 : memref<32x144xf32, #tpu.memory_space<vmem>>) target_semaphore(%run_scoped3A : memref<!tpu.dma_semaphore, #tpu.memory_space<semaphore_mem>>)
      %dma_wait3A = arith.constant 0 : i32
      %dma_wait3A_137 = tpu.memref_slice %arg11[%add3A_99, %dma_wait3A] : memref<10240x144xf32, #tpu.memory_space<vmem_shared>> -> memref<32x144xf32, #tpu.memory_space<vmem_shared>>
      %dma_wait3A_138 = arith.constant 0 : i32
      %dma_wait3A_139 = tpu.memref_slice %arg11[%add3A_99, %dma_wait3A_138] : memref<10240x144xf32, #tpu.memory_space<vmem_shared>> -> memref<32x144xf32, #tpu.memory_space<vmem_shared>>
      tpu.wait_dma2 semaphore(%run_scoped3A : memref<!tpu.dma_semaphore, #tpu.memory_space<semaphore_mem>>) src(%dma_wait3A_139 : memref<32x144xf32, #tpu.memory_space<vmem_shared>>) dst(%arg10 : memref<32x144xf32, #tpu.memory_space<vmem>>)
      tpu.yield
    }) : () -> ()
    %add3A_100 = arith.constant 352 : i32
    %add3A_101 = arith.addi %mul3A_0, %add3A_100 : i32
    "tpu.region"() ({
      %run_scoped3A = tpu.sem_alloc : memref<!tpu.dma_semaphore, #tpu.memory_space<semaphore_mem>>
      %dma_start3A = arith.constant 0 : i32
      %dma_start3A_134 = tpu.memref_slice %arg5[%arg0, %add3A_101, %dma_start3A] : memref<2x10240x144xf32, #tpu.memory_space<hbm>> -> memref<1x32x144xf32, #tpu.memory_space<hbm>>
      %dma_start3A_135 = tpu.memref_squeeze %dma_start3A_134 : memref<1x32x144xf32, #tpu.memory_space<hbm>> -> memref<32x144xf32, #tpu.memory_space<hbm>>
      %dma_start3A_136 = arith.constant 0 : i32
      %dma_start3A_137 = tpu.memref_slice %arg5[%arg0, %add3A_101, %dma_start3A_136] : memref<2x10240x144xf32, #tpu.memory_space<hbm>> -> memref<1x32x144xf32, #tpu.memory_space<hbm>>
      %dma_start3A_138 = tpu.memref_squeeze %dma_start3A_137 : memref<1x32x144xf32, #tpu.memory_space<hbm>> -> memref<32x144xf32, #tpu.memory_space<hbm>>
      tpu.enqueue_dma source(%arg10 : memref<32x144xf32, #tpu.memory_space<vmem>>) target(%dma_start3A_138 : memref<32x144xf32, #tpu.memory_space<hbm>>) target_semaphore(%run_scoped3A : memref<!tpu.dma_semaphore, #tpu.memory_space<semaphore_mem>>)
      %dma_wait3A = arith.constant 0 : i32
      %dma_wait3A_139 = tpu.memref_slice %arg5[%arg0, %add3A_101, %dma_wait3A] : memref<2x10240x144xf32, #tpu.memory_space<hbm>> -> memref<1x32x144xf32, #tpu.memory_space<hbm>>
      %dma_wait3A_140 = tpu.memref_squeeze %dma_wait3A_139 : memref<1x32x144xf32, #tpu.memory_space<hbm>> -> memref<32x144xf32, #tpu.memory_space<hbm>>
      %dma_wait3A_141 = arith.constant 0 : i32
      %dma_wait3A_142 = tpu.memref_slice %arg5[%arg0, %add3A_101, %dma_wait3A_141] : memref<2x10240x144xf32, #tpu.memory_space<hbm>> -> memref<1x32x144xf32, #tpu.memory_space<hbm>>
      %dma_wait3A_143 = tpu.memref_squeeze %dma_wait3A_142 : memref<1x32x144xf32, #tpu.memory_space<hbm>> -> memref<32x144xf32, #tpu.memory_space<hbm>>
      tpu.wait_dma2 semaphore(%run_scoped3A : memref<!tpu.dma_semaphore, #tpu.memory_space<semaphore_mem>>) src(%arg10 : memref<32x144xf32, #tpu.memory_space<vmem>>) dst(%dma_wait3A_143 : memref<32x144xf32, #tpu.memory_space<hbm>>)
      tpu.yield
    }) : () -> ()
    %add3A_102 = arith.constant 384 : i32
    %add3A_103 = arith.addi %mul3A_0, %add3A_102 : i32
    "tpu.region"() ({
      %run_scoped3A = tpu.sem_alloc : memref<!tpu.dma_semaphore, #tpu.memory_space<semaphore_mem>>
      %dma_start3A = arith.constant 0 : i32
      %dma_start3A_134 = tpu.memref_slice %arg11[%add3A_103, %dma_start3A] : memref<10240x144xf32, #tpu.memory_space<vmem_shared>> -> memref<32x144xf32, #tpu.memory_space<vmem_shared>>
      %dma_start3A_135 = arith.constant 0 : i32
      %dma_start3A_136 = tpu.memref_slice %arg11[%add3A_103, %dma_start3A_135] : memref<10240x144xf32, #tpu.memory_space<vmem_shared>> -> memref<32x144xf32, #tpu.memory_space<vmem_shared>>
      tpu.enqueue_dma source(%dma_start3A_136 : memref<32x144xf32, #tpu.memory_space<vmem_shared>>) target(%arg10 : memref<32x144xf32, #tpu.memory_space<vmem>>) target_semaphore(%run_scoped3A : memref<!tpu.dma_semaphore, #tpu.memory_space<semaphore_mem>>)
      %dma_wait3A = arith.constant 0 : i32
      %dma_wait3A_137 = tpu.memref_slice %arg11[%add3A_103, %dma_wait3A] : memref<10240x144xf32, #tpu.memory_space<vmem_shared>> -> memref<32x144xf32, #tpu.memory_space<vmem_shared>>
      %dma_wait3A_138 = arith.constant 0 : i32
      %dma_wait3A_139 = tpu.memref_slice %arg11[%add3A_103, %dma_wait3A_138] : memref<10240x144xf32, #tpu.memory_space<vmem_shared>> -> memref<32x144xf32, #tpu.memory_space<vmem_shared>>
      tpu.wait_dma2 semaphore(%run_scoped3A : memref<!tpu.dma_semaphore, #tpu.memory_space<semaphore_mem>>) src(%dma_wait3A_139 : memref<32x144xf32, #tpu.memory_space<vmem_shared>>) dst(%arg10 : memref<32x144xf32, #tpu.memory_space<vmem>>)
      tpu.yield
    }) : () -> ()
    %add3A_104 = arith.constant 384 : i32
    %add3A_105 = arith.addi %mul3A_0, %add3A_104 : i32
    "tpu.region"() ({
      %run_scoped3A = tpu.sem_alloc : memref<!tpu.dma_semaphore, #tpu.memory_space<semaphore_mem>>
      %dma_start3A = arith.constant 0 : i32
      %dma_start3A_134 = tpu.memref_slice %arg5[%arg0, %add3A_105, %dma_start3A] : memref<2x10240x144xf32, #tpu.memory_space<hbm>> -> memref<1x32x144xf32, #tpu.memory_space<hbm>>
      %dma_start3A_135 = tpu.memref_squeeze %dma_start3A_134 : memref<1x32x144xf32, #tpu.memory_space<hbm>> -> memref<32x144xf32, #tpu.memory_space<hbm>>
      %dma_start3A_136 = arith.constant 0 : i32
      %dma_start3A_137 = tpu.memref_slice %arg5[%arg0, %add3A_105, %dma_start3A_136] : memref<2x10240x144xf32, #tpu.memory_space<hbm>> -> memref<1x32x144xf32, #tpu.memory_space<hbm>>
      %dma_start3A_138 = tpu.memref_squeeze %dma_start3A_137 : memref<1x32x144xf32, #tpu.memory_space<hbm>> -> memref<32x144xf32, #tpu.memory_space<hbm>>
      tpu.enqueue_dma source(%arg10 : memref<32x144xf32, #tpu.memory_space<vmem>>) target(%dma_start3A_138 : memref<32x144xf32, #tpu.memory_space<hbm>>) target_semaphore(%run_scoped3A : memref<!tpu.dma_semaphore, #tpu.memory_space<semaphore_mem>>)
      %dma_wait3A = arith.constant 0 : i32
      %dma_wait3A_139 = tpu.memref_slice %arg5[%arg0, %add3A_105, %dma_wait3A] : memref<2x10240x144xf32, #tpu.memory_space<hbm>> -> memref<1x32x144xf32, #tpu.memory_space<hbm>>
      %dma_wait3A_140 = tpu.memref_squeeze %dma_wait3A_139 : memref<1x32x144xf32, #tpu.memory_space<hbm>> -> memref<32x144xf32, #tpu.memory_space<hbm>>
      %dma_wait3A_141 = arith.constant 0 : i32
      %dma_wait3A_142 = tpu.memref_slice %arg5[%arg0, %add3A_105, %dma_wait3A_141] : memref<2x10240x144xf32, #tpu.memory_space<hbm>> -> memref<1x32x144xf32, #tpu.memory_space<hbm>>
      %dma_wait3A_143 = tpu.memref_squeeze %dma_wait3A_142 : memref<1x32x144xf32, #tpu.memory_space<hbm>> -> memref<32x144xf32, #tpu.memory_space<hbm>>
      tpu.wait_dma2 semaphore(%run_scoped3A : memref<!tpu.dma_semaphore, #tpu.memory_space<semaphore_mem>>) src(%arg10 : memref<32x144xf32, #tpu.memory_space<vmem>>) dst(%dma_wait3A_143 : memref<32x144xf32, #tpu.memory_space<hbm>>)
      tpu.yield
    }) : () -> ()
    %add3A_106 = arith.constant 416 : i32
    %add3A_107 = arith.addi %mul3A_0, %add3A_106 : i32
    "tpu.region"() ({
      %run_scoped3A = tpu.sem_alloc : memref<!tpu.dma_semaphore, #tpu.memory_space<semaphore_mem>>
      %dma_start3A = arith.constant 0 : i32
      %dma_start3A_134 = tpu.memref_slice %arg11[%add3A_107, %dma_start3A] : memref<10240x144xf32, #tpu.memory_space<vmem_shared>> -> memref<32x144xf32, #tpu.memory_space<vmem_shared>>
      %dma_start3A_135 = arith.constant 0 : i32
      %dma_start3A_136 = tpu.memref_slice %arg11[%add3A_107, %dma_start3A_135] : memref<10240x144xf32, #tpu.memory_space<vmem_shared>> -> memref<32x144xf32, #tpu.memory_space<vmem_shared>>
      tpu.enqueue_dma source(%dma_start3A_136 : memref<32x144xf32, #tpu.memory_space<vmem_shared>>) target(%arg10 : memref<32x144xf32, #tpu.memory_space<vmem>>) target_semaphore(%run_scoped3A : memref<!tpu.dma_semaphore, #tpu.memory_space<semaphore_mem>>)
      %dma_wait3A = arith.constant 0 : i32
      %dma_wait3A_137 = tpu.memref_slice %arg11[%add3A_107, %dma_wait3A] : memref<10240x144xf32, #tpu.memory_space<vmem_shared>> -> memref<32x144xf32, #tpu.memory_space<vmem_shared>>
      %dma_wait3A_138 = arith.constant 0 : i32
      %dma_wait3A_139 = tpu.memref_slice %arg11[%add3A_107, %dma_wait3A_138] : memref<10240x144xf32, #tpu.memory_space<vmem_shared>> -> memref<32x144xf32, #tpu.memory_space<vmem_shared>>
      tpu.wait_dma2 semaphore(%run_scoped3A : memref<!tpu.dma_semaphore, #tpu.memory_space<semaphore_mem>>) src(%dma_wait3A_139 : memref<32x144xf32, #tpu.memory_space<vmem_shared>>) dst(%arg10 : memref<32x144xf32, #tpu.memory_space<vmem>>)
      tpu.yield
    }) : () -> ()
    %add3A_108 = arith.constant 416 : i32
    %add3A_109 = arith.addi %mul3A_0, %add3A_108 : i32
    "tpu.region"() ({
      %run_scoped3A = tpu.sem_alloc : memref<!tpu.dma_semaphore, #tpu.memory_space<semaphore_mem>>
      %dma_start3A = arith.constant 0 : i32
      %dma_start3A_134 = tpu.memref_slice %arg5[%arg0, %add3A_109, %dma_start3A] : memref<2x10240x144xf32, #tpu.memory_space<hbm>> -> memref<1x32x144xf32, #tpu.memory_space<hbm>>
      %dma_start3A_135 = tpu.memref_squeeze %dma_start3A_134 : memref<1x32x144xf32, #tpu.memory_space<hbm>> -> memref<32x144xf32, #tpu.memory_space<hbm>>
      %dma_start3A_136 = arith.constant 0 : i32
      %dma_start3A_137 = tpu.memref_slice %arg5[%arg0, %add3A_109, %dma_start3A_136] : memref<2x10240x144xf32, #tpu.memory_space<hbm>> -> memref<1x32x144xf32, #tpu.memory_space<hbm>>
      %dma_start3A_138 = tpu.memref_squeeze %dma_start3A_137 : memref<1x32x144xf32, #tpu.memory_space<hbm>> -> memref<32x144xf32, #tpu.memory_space<hbm>>
      tpu.enqueue_dma source(%arg10 : memref<32x144xf32, #tpu.memory_space<vmem>>) target(%dma_start3A_138 : memref<32x144xf32, #tpu.memory_space<hbm>>) target_semaphore(%run_scoped3A : memref<!tpu.dma_semaphore, #tpu.memory_space<semaphore_mem>>)
      %dma_wait3A = arith.constant 0 : i32
      %dma_wait3A_139 = tpu.memref_slice %arg5[%arg0, %add3A_109, %dma_wait3A] : memref<2x10240x144xf32, #tpu.memory_space<hbm>> -> memref<1x32x144xf32, #tpu.memory_space<hbm>>
      %dma_wait3A_140 = tpu.memref_squeeze %dma_wait3A_139 : memref<1x32x144xf32, #tpu.memory_space<hbm>> -> memref<32x144xf32, #tpu.memory_space<hbm>>
      %dma_wait3A_141 = arith.constant 0 : i32
      %dma_wait3A_142 = tpu.memref_slice %arg5[%arg0, %add3A_109, %dma_wait3A_141] : memref<2x10240x144xf32, #tpu.memory_space<hbm>> -> memref<1x32x144xf32, #tpu.memory_space<hbm>>
      %dma_wait3A_143 = tpu.memref_squeeze %dma_wait3A_142 : memref<1x32x144xf32, #tpu.memory_space<hbm>> -> memref<32x144xf32, #tpu.memory_space<hbm>>
      tpu.wait_dma2 semaphore(%run_scoped3A : memref<!tpu.dma_semaphore, #tpu.memory_space<semaphore_mem>>) src(%arg10 : memref<32x144xf32, #tpu.memory_space<vmem>>) dst(%dma_wait3A_143 : memref<32x144xf32, #tpu.memory_space<hbm>>)
      tpu.yield
    }) : () -> ()
    %add3A_110 = arith.constant 448 : i32
    %add3A_111 = arith.addi %mul3A_0, %add3A_110 : i32
    "tpu.region"() ({
      %run_scoped3A = tpu.sem_alloc : memref<!tpu.dma_semaphore, #tpu.memory_space<semaphore_mem>>
      %dma_start3A = arith.constant 0 : i32
      %dma_start3A_134 = tpu.memref_slice %arg11[%add3A_111, %dma_start3A] : memref<10240x144xf32, #tpu.memory_space<vmem_shared>> -> memref<32x144xf32, #tpu.memory_space<vmem_shared>>
      %dma_start3A_135 = arith.constant 0 : i32
      %dma_start3A_136 = tpu.memref_slice %arg11[%add3A_111, %dma_start3A_135] : memref<10240x144xf32, #tpu.memory_space<vmem_shared>> -> memref<32x144xf32, #tpu.memory_space<vmem_shared>>
      tpu.enqueue_dma source(%dma_start3A_136 : memref<32x144xf32, #tpu.memory_space<vmem_shared>>) target(%arg10 : memref<32x144xf32, #tpu.memory_space<vmem>>) target_semaphore(%run_scoped3A : memref<!tpu.dma_semaphore, #tpu.memory_space<semaphore_mem>>)
      %dma_wait3A = arith.constant 0 : i32
      %dma_wait3A_137 = tpu.memref_slice %arg11[%add3A_111, %dma_wait3A] : memref<10240x144xf32, #tpu.memory_space<vmem_shared>> -> memref<32x144xf32, #tpu.memory_space<vmem_shared>>
      %dma_wait3A_138 = arith.constant 0 : i32
      %dma_wait3A_139 = tpu.memref_slice %arg11[%add3A_111, %dma_wait3A_138] : memref<10240x144xf32, #tpu.memory_space<vmem_shared>> -> memref<32x144xf32, #tpu.memory_space<vmem_shared>>
      tpu.wait_dma2 semaphore(%run_scoped3A : memref<!tpu.dma_semaphore, #tpu.memory_space<semaphore_mem>>) src(%dma_wait3A_139 : memref<32x144xf32, #tpu.memory_space<vmem_shared>>) dst(%arg10 : memref<32x144xf32, #tpu.memory_space<vmem>>)
      tpu.yield
    }) : () -> ()
    %add3A_112 = arith.constant 448 : i32
    %add3A_113 = arith.addi %mul3A_0, %add3A_112 : i32
    "tpu.region"() ({
      %run_scoped3A = tpu.sem_alloc : memref<!tpu.dma_semaphore, #tpu.memory_space<semaphore_mem>>
      %dma_start3A = arith.constant 0 : i32
      %dma_start3A_134 = tpu.memref_slice %arg5[%arg0, %add3A_113, %dma_start3A] : memref<2x10240x144xf32, #tpu.memory_space<hbm>> -> memref<1x32x144xf32, #tpu.memory_space<hbm>>
      %dma_start3A_135 = tpu.memref_squeeze %dma_start3A_134 : memref<1x32x144xf32, #tpu.memory_space<hbm>> -> memref<32x144xf32, #tpu.memory_space<hbm>>
      %dma_start3A_136 = arith.constant 0 : i32
      %dma_start3A_137 = tpu.memref_slice %arg5[%arg0, %add3A_113, %dma_start3A_136] : memref<2x10240x144xf32, #tpu.memory_space<hbm>> -> memref<1x32x144xf32, #tpu.memory_space<hbm>>
      %dma_start3A_138 = tpu.memref_squeeze %dma_start3A_137 : memref<1x32x144xf32, #tpu.memory_space<hbm>> -> memref<32x144xf32, #tpu.memory_space<hbm>>
      tpu.enqueue_dma source(%arg10 : memref<32x144xf32, #tpu.memory_space<vmem>>) target(%dma_start3A_138 : memref<32x144xf32, #tpu.memory_space<hbm>>) target_semaphore(%run_scoped3A : memref<!tpu.dma_semaphore, #tpu.memory_space<semaphore_mem>>)
      %dma_wait3A = arith.constant 0 : i32
      %dma_wait3A_139 = tpu.memref_slice %arg5[%arg0, %add3A_113, %dma_wait3A] : memref<2x10240x144xf32, #tpu.memory_space<hbm>> -> memref<1x32x144xf32, #tpu.memory_space<hbm>>
      %dma_wait3A_140 = tpu.memref_squeeze %dma_wait3A_139 : memref<1x32x144xf32, #tpu.memory_space<hbm>> -> memref<32x144xf32, #tpu.memory_space<hbm>>
      %dma_wait3A_141 = arith.constant 0 : i32
      %dma_wait3A_142 = tpu.memref_slice %arg5[%arg0, %add3A_113, %dma_wait3A_141] : memref<2x10240x144xf32, #tpu.memory_space<hbm>> -> memref<1x32x144xf32, #tpu.memory_space<hbm>>
      %dma_wait3A_143 = tpu.memref_squeeze %dma_wait3A_142 : memref<1x32x144xf32, #tpu.memory_space<hbm>> -> memref<32x144xf32, #tpu.memory_space<hbm>>
      tpu.wait_dma2 semaphore(%run_scoped3A : memref<!tpu.dma_semaphore, #tpu.memory_space<semaphore_mem>>) src(%arg10 : memref<32x144xf32, #tpu.memory_space<vmem>>) dst(%dma_wait3A_143 : memref<32x144xf32, #tpu.memory_space<hbm>>)
      tpu.yield
    }) : () -> ()
    %add3A_114 = arith.constant 480 : i32
    %add3A_115 = arith.addi %mul3A_0, %add3A_114 : i32
    "tpu.region"() ({
      %run_scoped3A = tpu.sem_alloc : memref<!tpu.dma_semaphore, #tpu.memory_space<semaphore_mem>>
      %dma_start3A = arith.constant 0 : i32
      %dma_start3A_134 = tpu.memref_slice %arg11[%add3A_115, %dma_start3A] : memref<10240x144xf32, #tpu.memory_space<vmem_shared>> -> memref<32x144xf32, #tpu.memory_space<vmem_shared>>
      %dma_start3A_135 = arith.constant 0 : i32
      %dma_start3A_136 = tpu.memref_slice %arg11[%add3A_115, %dma_start3A_135] : memref<10240x144xf32, #tpu.memory_space<vmem_shared>> -> memref<32x144xf32, #tpu.memory_space<vmem_shared>>
      tpu.enqueue_dma source(%dma_start3A_136 : memref<32x144xf32, #tpu.memory_space<vmem_shared>>) target(%arg10 : memref<32x144xf32, #tpu.memory_space<vmem>>) target_semaphore(%run_scoped3A : memref<!tpu.dma_semaphore, #tpu.memory_space<semaphore_mem>>)
      %dma_wait3A = arith.constant 0 : i32
      %dma_wait3A_137 = tpu.memref_slice %arg11[%add3A_115, %dma_wait3A] : memref<10240x144xf32, #tpu.memory_space<vmem_shared>> -> memref<32x144xf32, #tpu.memory_space<vmem_shared>>
      %dma_wait3A_138 = arith.constant 0 : i32
      %dma_wait3A_139 = tpu.memref_slice %arg11[%add3A_115, %dma_wait3A_138] : memref<10240x144xf32, #tpu.memory_space<vmem_shared>> -> memref<32x144xf32, #tpu.memory_space<vmem_shared>>
      tpu.wait_dma2 semaphore(%run_scoped3A : memref<!tpu.dma_semaphore, #tpu.memory_space<semaphore_mem>>) src(%dma_wait3A_139 : memref<32x144xf32, #tpu.memory_space<vmem_shared>>) dst(%arg10 : memref<32x144xf32, #tpu.memory_space<vmem>>)
      tpu.yield
    }) : () -> ()
    %add3A_116 = arith.constant 480 : i32
    %add3A_117 = arith.addi %mul3A_0, %add3A_116 : i32
    "tpu.region"() ({
      %run_scoped3A = tpu.sem_alloc : memref<!tpu.dma_semaphore, #tpu.memory_space<semaphore_mem>>
      %dma_start3A = arith.constant 0 : i32
      %dma_start3A_134 = tpu.memref_slice %arg5[%arg0, %add3A_117, %dma_start3A] : memref<2x10240x144xf32, #tpu.memory_space<hbm>> -> memref<1x32x144xf32, #tpu.memory_space<hbm>>
      %dma_start3A_135 = tpu.memref_squeeze %dma_start3A_134 : memref<1x32x144xf32, #tpu.memory_space<hbm>> -> memref<32x144xf32, #tpu.memory_space<hbm>>
      %dma_start3A_136 = arith.constant 0 : i32
      %dma_start3A_137 = tpu.memref_slice %arg5[%arg0, %add3A_117, %dma_start3A_136] : memref<2x10240x144xf32, #tpu.memory_space<hbm>> -> memref<1x32x144xf32, #tpu.memory_space<hbm>>
      %dma_start3A_138 = tpu.memref_squeeze %dma_start3A_137 : memref<1x32x144xf32, #tpu.memory_space<hbm>> -> memref<32x144xf32, #tpu.memory_space<hbm>>
      tpu.enqueue_dma source(%arg10 : memref<32x144xf32, #tpu.memory_space<vmem>>) target(%dma_start3A_138 : memref<32x144xf32, #tpu.memory_space<hbm>>) target_semaphore(%run_scoped3A : memref<!tpu.dma_semaphore, #tpu.memory_space<semaphore_mem>>)
      %dma_wait3A = arith.constant 0 : i32
      %dma_wait3A_139 = tpu.memref_slice %arg5[%arg0, %add3A_117, %dma_wait3A] : memref<2x10240x144xf32, #tpu.memory_space<hbm>> -> memref<1x32x144xf32, #tpu.memory_space<hbm>>
      %dma_wait3A_140 = tpu.memref_squeeze %dma_wait3A_139 : memref<1x32x144xf32, #tpu.memory_space<hbm>> -> memref<32x144xf32, #tpu.memory_space<hbm>>
      %dma_wait3A_141 = arith.constant 0 : i32
      %dma_wait3A_142 = tpu.memref_slice %arg5[%arg0, %add3A_117, %dma_wait3A_141] : memref<2x10240x144xf32, #tpu.memory_space<hbm>> -> memref<1x32x144xf32, #tpu.memory_space<hbm>>
      %dma_wait3A_143 = tpu.memref_squeeze %dma_wait3A_142 : memref<1x32x144xf32, #tpu.memory_space<hbm>> -> memref<32x144xf32, #tpu.memory_space<hbm>>
      tpu.wait_dma2 semaphore(%run_scoped3A : memref<!tpu.dma_semaphore, #tpu.memory_space<semaphore_mem>>) src(%arg10 : memref<32x144xf32, #tpu.memory_space<vmem>>) dst(%dma_wait3A_143 : memref<32x144xf32, #tpu.memory_space<hbm>>)
      tpu.yield
    }) : () -> ()
    %add3A_118 = arith.constant 512 : i32
    %add3A_119 = arith.addi %mul3A_0, %add3A_118 : i32
    "tpu.region"() ({
      %run_scoped3A = tpu.sem_alloc : memref<!tpu.dma_semaphore, #tpu.memory_space<semaphore_mem>>
      %dma_start3A = arith.constant 0 : i32
      %dma_start3A_134 = tpu.memref_slice %arg11[%add3A_119, %dma_start3A] : memref<10240x144xf32, #tpu.memory_space<vmem_shared>> -> memref<32x144xf32, #tpu.memory_space<vmem_shared>>
      %dma_start3A_135 = arith.constant 0 : i32
      %dma_start3A_136 = tpu.memref_slice %arg11[%add3A_119, %dma_start3A_135] : memref<10240x144xf32, #tpu.memory_space<vmem_shared>> -> memref<32x144xf32, #tpu.memory_space<vmem_shared>>
      tpu.enqueue_dma source(%dma_start3A_136 : memref<32x144xf32, #tpu.memory_space<vmem_shared>>) target(%arg10 : memref<32x144xf32, #tpu.memory_space<vmem>>) target_semaphore(%run_scoped3A : memref<!tpu.dma_semaphore, #tpu.memory_space<semaphore_mem>>)
      %dma_wait3A = arith.constant 0 : i32
      %dma_wait3A_137 = tpu.memref_slice %arg11[%add3A_119, %dma_wait3A] : memref<10240x144xf32, #tpu.memory_space<vmem_shared>> -> memref<32x144xf32, #tpu.memory_space<vmem_shared>>
      %dma_wait3A_138 = arith.constant 0 : i32
      %dma_wait3A_139 = tpu.memref_slice %arg11[%add3A_119, %dma_wait3A_138] : memref<10240x144xf32, #tpu.memory_space<vmem_shared>> -> memref<32x144xf32, #tpu.memory_space<vmem_shared>>
      tpu.wait_dma2 semaphore(%run_scoped3A : memref<!tpu.dma_semaphore, #tpu.memory_space<semaphore_mem>>) src(%dma_wait3A_139 : memref<32x144xf32, #tpu.memory_space<vmem_shared>>) dst(%arg10 : memref<32x144xf32, #tpu.memory_space<vmem>>)
      tpu.yield
    }) : () -> ()
    %add3A_120 = arith.constant 512 : i32
    %add3A_121 = arith.addi %mul3A_0, %add3A_120 : i32
    "tpu.region"() ({
      %run_scoped3A = tpu.sem_alloc : memref<!tpu.dma_semaphore, #tpu.memory_space<semaphore_mem>>
      %dma_start3A = arith.constant 0 : i32
      %dma_start3A_134 = tpu.memref_slice %arg5[%arg0, %add3A_121, %dma_start3A] : memref<2x10240x144xf32, #tpu.memory_space<hbm>> -> memref<1x32x144xf32, #tpu.memory_space<hbm>>
      %dma_start3A_135 = tpu.memref_squeeze %dma_start3A_134 : memref<1x32x144xf32, #tpu.memory_space<hbm>> -> memref<32x144xf32, #tpu.memory_space<hbm>>
      %dma_start3A_136 = arith.constant 0 : i32
      %dma_start3A_137 = tpu.memref_slice %arg5[%arg0, %add3A_121, %dma_start3A_136] : memref<2x10240x144xf32, #tpu.memory_space<hbm>> -> memref<1x32x144xf32, #tpu.memory_space<hbm>>
      %dma_start3A_138 = tpu.memref_squeeze %dma_start3A_137 : memref<1x32x144xf32, #tpu.memory_space<hbm>> -> memref<32x144xf32, #tpu.memory_space<hbm>>
      tpu.enqueue_dma source(%arg10 : memref<32x144xf32, #tpu.memory_space<vmem>>) target(%dma_start3A_138 : memref<32x144xf32, #tpu.memory_space<hbm>>) target_semaphore(%run_scoped3A : memref<!tpu.dma_semaphore, #tpu.memory_space<semaphore_mem>>)
      %dma_wait3A = arith.constant 0 : i32
      %dma_wait3A_139 = tpu.memref_slice %arg5[%arg0, %add3A_121, %dma_wait3A] : memref<2x10240x144xf32, #tpu.memory_space<hbm>> -> memref<1x32x144xf32, #tpu.memory_space<hbm>>
      %dma_wait3A_140 = tpu.memref_squeeze %dma_wait3A_139 : memref<1x32x144xf32, #tpu.memory_space<hbm>> -> memref<32x144xf32, #tpu.memory_space<hbm>>
      %dma_wait3A_141 = arith.constant 0 : i32
      %dma_wait3A_142 = tpu.memref_slice %arg5[%arg0, %add3A_121, %dma_wait3A_141] : memref<2x10240x144xf32, #tpu.memory_space<hbm>> -> memref<1x32x144xf32, #tpu.memory_space<hbm>>
      %dma_wait3A_143 = tpu.memref_squeeze %dma_wait3A_142 : memref<1x32x144xf32, #tpu.memory_space<hbm>> -> memref<32x144xf32, #tpu.memory_space<hbm>>
      tpu.wait_dma2 semaphore(%run_scoped3A : memref<!tpu.dma_semaphore, #tpu.memory_space<semaphore_mem>>) src(%arg10 : memref<32x144xf32, #tpu.memory_space<vmem>>) dst(%dma_wait3A_143 : memref<32x144xf32, #tpu.memory_space<hbm>>)
      tpu.yield
    }) : () -> ()
    %add3A_122 = arith.constant 544 : i32
    %add3A_123 = arith.addi %mul3A_0, %add3A_122 : i32
    "tpu.region"() ({
      %run_scoped3A = tpu.sem_alloc : memref<!tpu.dma_semaphore, #tpu.memory_space<semaphore_mem>>
      %dma_start3A = arith.constant 0 : i32
      %dma_start3A_134 = tpu.memref_slice %arg11[%add3A_123, %dma_start3A] : memref<10240x144xf32, #tpu.memory_space<vmem_shared>> -> memref<32x144xf32, #tpu.memory_space<vmem_shared>>
      %dma_start3A_135 = arith.constant 0 : i32
      %dma_start3A_136 = tpu.memref_slice %arg11[%add3A_123, %dma_start3A_135] : memref<10240x144xf32, #tpu.memory_space<vmem_shared>> -> memref<32x144xf32, #tpu.memory_space<vmem_shared>>
      tpu.enqueue_dma source(%dma_start3A_136 : memref<32x144xf32, #tpu.memory_space<vmem_shared>>) target(%arg10 : memref<32x144xf32, #tpu.memory_space<vmem>>) target_semaphore(%run_scoped3A : memref<!tpu.dma_semaphore, #tpu.memory_space<semaphore_mem>>)
      %dma_wait3A = arith.constant 0 : i32
      %dma_wait3A_137 = tpu.memref_slice %arg11[%add3A_123, %dma_wait3A] : memref<10240x144xf32, #tpu.memory_space<vmem_shared>> -> memref<32x144xf32, #tpu.memory_space<vmem_shared>>
      %dma_wait3A_138 = arith.constant 0 : i32
      %dma_wait3A_139 = tpu.memref_slice %arg11[%add3A_123, %dma_wait3A_138] : memref<10240x144xf32, #tpu.memory_space<vmem_shared>> -> memref<32x144xf32, #tpu.memory_space<vmem_shared>>
      tpu.wait_dma2 semaphore(%run_scoped3A : memref<!tpu.dma_semaphore, #tpu.memory_space<semaphore_mem>>) src(%dma_wait3A_139 : memref<32x144xf32, #tpu.memory_space<vmem_shared>>) dst(%arg10 : memref<32x144xf32, #tpu.memory_space<vmem>>)
      tpu.yield
    }) : () -> ()
    %add3A_124 = arith.constant 544 : i32
    %add3A_125 = arith.addi %mul3A_0, %add3A_124 : i32
    "tpu.region"() ({
      %run_scoped3A = tpu.sem_alloc : memref<!tpu.dma_semaphore, #tpu.memory_space<semaphore_mem>>
      %dma_start3A = arith.constant 0 : i32
      %dma_start3A_134 = tpu.memref_slice %arg5[%arg0, %add3A_125, %dma_start3A] : memref<2x10240x144xf32, #tpu.memory_space<hbm>> -> memref<1x32x144xf32, #tpu.memory_space<hbm>>
      %dma_start3A_135 = tpu.memref_squeeze %dma_start3A_134 : memref<1x32x144xf32, #tpu.memory_space<hbm>> -> memref<32x144xf32, #tpu.memory_space<hbm>>
      %dma_start3A_136 = arith.constant 0 : i32
      %dma_start3A_137 = tpu.memref_slice %arg5[%arg0, %add3A_125, %dma_start3A_136] : memref<2x10240x144xf32, #tpu.memory_space<hbm>> -> memref<1x32x144xf32, #tpu.memory_space<hbm>>
      %dma_start3A_138 = tpu.memref_squeeze %dma_start3A_137 : memref<1x32x144xf32, #tpu.memory_space<hbm>> -> memref<32x144xf32, #tpu.memory_space<hbm>>
      tpu.enqueue_dma source(%arg10 : memref<32x144xf32, #tpu.memory_space<vmem>>) target(%dma_start3A_138 : memref<32x144xf32, #tpu.memory_space<hbm>>) target_semaphore(%run_scoped3A : memref<!tpu.dma_semaphore, #tpu.memory_space<semaphore_mem>>)
      %dma_wait3A = arith.constant 0 : i32
      %dma_wait3A_139 = tpu.memref_slice %arg5[%arg0, %add3A_125, %dma_wait3A] : memref<2x10240x144xf32, #tpu.memory_space<hbm>> -> memref<1x32x144xf32, #tpu.memory_space<hbm>>
      %dma_wait3A_140 = tpu.memref_squeeze %dma_wait3A_139 : memref<1x32x144xf32, #tpu.memory_space<hbm>> -> memref<32x144xf32, #tpu.memory_space<hbm>>
      %dma_wait3A_141 = arith.constant 0 : i32
      %dma_wait3A_142 = tpu.memref_slice %arg5[%arg0, %add3A_125, %dma_wait3A_141] : memref<2x10240x144xf32, #tpu.memory_space<hbm>> -> memref<1x32x144xf32, #tpu.memory_space<hbm>>
      %dma_wait3A_143 = tpu.memref_squeeze %dma_wait3A_142 : memref<1x32x144xf32, #tpu.memory_space<hbm>> -> memref<32x144xf32, #tpu.memory_space<hbm>>
      tpu.wait_dma2 semaphore(%run_scoped3A : memref<!tpu.dma_semaphore, #tpu.memory_space<semaphore_mem>>) src(%arg10 : memref<32x144xf32, #tpu.memory_space<vmem>>) dst(%dma_wait3A_143 : memref<32x144xf32, #tpu.memory_space<hbm>>)
      tpu.yield
    }) : () -> ()
    %add3A_126 = arith.constant 576 : i32
    %add3A_127 = arith.addi %mul3A_0, %add3A_126 : i32
    "tpu.region"() ({
      %run_scoped3A = tpu.sem_alloc : memref<!tpu.dma_semaphore, #tpu.memory_space<semaphore_mem>>
      %dma_start3A = arith.constant 0 : i32
      %dma_start3A_134 = tpu.memref_slice %arg11[%add3A_127, %dma_start3A] : memref<10240x144xf32, #tpu.memory_space<vmem_shared>> -> memref<32x144xf32, #tpu.memory_space<vmem_shared>>
      %dma_start3A_135 = arith.constant 0 : i32
      %dma_start3A_136 = tpu.memref_slice %arg11[%add3A_127, %dma_start3A_135] : memref<10240x144xf32, #tpu.memory_space<vmem_shared>> -> memref<32x144xf32, #tpu.memory_space<vmem_shared>>
      tpu.enqueue_dma source(%dma_start3A_136 : memref<32x144xf32, #tpu.memory_space<vmem_shared>>) target(%arg10 : memref<32x144xf32, #tpu.memory_space<vmem>>) target_semaphore(%run_scoped3A : memref<!tpu.dma_semaphore, #tpu.memory_space<semaphore_mem>>)
      %dma_wait3A = arith.constant 0 : i32
      %dma_wait3A_137 = tpu.memref_slice %arg11[%add3A_127, %dma_wait3A] : memref<10240x144xf32, #tpu.memory_space<vmem_shared>> -> memref<32x144xf32, #tpu.memory_space<vmem_shared>>
      %dma_wait3A_138 = arith.constant 0 : i32
      %dma_wait3A_139 = tpu.memref_slice %arg11[%add3A_127, %dma_wait3A_138] : memref<10240x144xf32, #tpu.memory_space<vmem_shared>> -> memref<32x144xf32, #tpu.memory_space<vmem_shared>>
      tpu.wait_dma2 semaphore(%run_scoped3A : memref<!tpu.dma_semaphore, #tpu.memory_space<semaphore_mem>>) src(%dma_wait3A_139 : memref<32x144xf32, #tpu.memory_space<vmem_shared>>) dst(%arg10 : memref<32x144xf32, #tpu.memory_space<vmem>>)
      tpu.yield
    }) : () -> ()
    %add3A_128 = arith.constant 576 : i32
    %add3A_129 = arith.addi %mul3A_0, %add3A_128 : i32
    "tpu.region"() ({
      %run_scoped3A = tpu.sem_alloc : memref<!tpu.dma_semaphore, #tpu.memory_space<semaphore_mem>>
      %dma_start3A = arith.constant 0 : i32
      %dma_start3A_134 = tpu.memref_slice %arg5[%arg0, %add3A_129, %dma_start3A] : memref<2x10240x144xf32, #tpu.memory_space<hbm>> -> memref<1x32x144xf32, #tpu.memory_space<hbm>>
      %dma_start3A_135 = tpu.memref_squeeze %dma_start3A_134 : memref<1x32x144xf32, #tpu.memory_space<hbm>> -> memref<32x144xf32, #tpu.memory_space<hbm>>
      %dma_start3A_136 = arith.constant 0 : i32
      %dma_start3A_137 = tpu.memref_slice %arg5[%arg0, %add3A_129, %dma_start3A_136] : memref<2x10240x144xf32, #tpu.memory_space<hbm>> -> memref<1x32x144xf32, #tpu.memory_space<hbm>>
      %dma_start3A_138 = tpu.memref_squeeze %dma_start3A_137 : memref<1x32x144xf32, #tpu.memory_space<hbm>> -> memref<32x144xf32, #tpu.memory_space<hbm>>
      tpu.enqueue_dma source(%arg10 : memref<32x144xf32, #tpu.memory_space<vmem>>) target(%dma_start3A_138 : memref<32x144xf32, #tpu.memory_space<hbm>>) target_semaphore(%run_scoped3A : memref<!tpu.dma_semaphore, #tpu.memory_space<semaphore_mem>>)
      %dma_wait3A = arith.constant 0 : i32
      %dma_wait3A_139 = tpu.memref_slice %arg5[%arg0, %add3A_129, %dma_wait3A] : memref<2x10240x144xf32, #tpu.memory_space<hbm>> -> memref<1x32x144xf32, #tpu.memory_space<hbm>>
      %dma_wait3A_140 = tpu.memref_squeeze %dma_wait3A_139 : memref<1x32x144xf32, #tpu.memory_space<hbm>> -> memref<32x144xf32, #tpu.memory_space<hbm>>
      %dma_wait3A_141 = arith.constant 0 : i32
      %dma_wait3A_142 = tpu.memref_slice %arg5[%arg0, %add3A_129, %dma_wait3A_141] : memref<2x10240x144xf32, #tpu.memory_space<hbm>> -> memref<1x32x144xf32, #tpu.memory_space<hbm>>
      %dma_wait3A_143 = tpu.memref_squeeze %dma_wait3A_142 : memref<1x32x144xf32, #tpu.memory_space<hbm>> -> memref<32x144xf32, #tpu.memory_space<hbm>>
      tpu.wait_dma2 semaphore(%run_scoped3A : memref<!tpu.dma_semaphore, #tpu.memory_space<semaphore_mem>>) src(%arg10 : memref<32x144xf32, #tpu.memory_space<vmem>>) dst(%dma_wait3A_143 : memref<32x144xf32, #tpu.memory_space<hbm>>)
      tpu.yield
    }) : () -> ()
    %add3A_130 = arith.constant 608 : i32
    %add3A_131 = arith.addi %mul3A_0, %add3A_130 : i32
    "tpu.region"() ({
      %run_scoped3A = tpu.sem_alloc : memref<!tpu.dma_semaphore, #tpu.memory_space<semaphore_mem>>
      %dma_start3A = arith.constant 0 : i32
      %dma_start3A_134 = tpu.memref_slice %arg11[%add3A_131, %dma_start3A] : memref<10240x144xf32, #tpu.memory_space<vmem_shared>> -> memref<32x144xf32, #tpu.memory_space<vmem_shared>>
      %dma_start3A_135 = arith.constant 0 : i32
      %dma_start3A_136 = tpu.memref_slice %arg11[%add3A_131, %dma_start3A_135] : memref<10240x144xf32, #tpu.memory_space<vmem_shared>> -> memref<32x144xf32, #tpu.memory_space<vmem_shared>>
      tpu.enqueue_dma source(%dma_start3A_136 : memref<32x144xf32, #tpu.memory_space<vmem_shared>>) target(%arg10 : memref<32x144xf32, #tpu.memory_space<vmem>>) target_semaphore(%run_scoped3A : memref<!tpu.dma_semaphore, #tpu.memory_space<semaphore_mem>>)
      %dma_wait3A = arith.constant 0 : i32
      %dma_wait3A_137 = tpu.memref_slice %arg11[%add3A_131, %dma_wait3A] : memref<10240x144xf32, #tpu.memory_space<vmem_shared>> -> memref<32x144xf32, #tpu.memory_space<vmem_shared>>
      %dma_wait3A_138 = arith.constant 0 : i32
      %dma_wait3A_139 = tpu.memref_slice %arg11[%add3A_131, %dma_wait3A_138] : memref<10240x144xf32, #tpu.memory_space<vmem_shared>> -> memref<32x144xf32, #tpu.memory_space<vmem_shared>>
      tpu.wait_dma2 semaphore(%run_scoped3A : memref<!tpu.dma_semaphore, #tpu.memory_space<semaphore_mem>>) src(%dma_wait3A_139 : memref<32x144xf32, #tpu.memory_space<vmem_shared>>) dst(%arg10 : memref<32x144xf32, #tpu.memory_space<vmem>>)
      tpu.yield
    }) : () -> ()
    %add3A_132 = arith.constant 608 : i32
    %add3A_133 = arith.addi %mul3A_0, %add3A_132 : i32
    "tpu.region"() ({
      %run_scoped3A = tpu.sem_alloc : memref<!tpu.dma_semaphore, #tpu.memory_space<semaphore_mem>>
      %dma_start3A = arith.constant 0 : i32
      %dma_start3A_134 = tpu.memref_slice %arg5[%arg0, %add3A_133, %dma_start3A] : memref<2x10240x144xf32, #tpu.memory_space<hbm>> -> memref<1x32x144xf32, #tpu.memory_space<hbm>>
      %dma_start3A_135 = tpu.memref_squeeze %dma_start3A_134 : memref<1x32x144xf32, #tpu.memory_space<hbm>> -> memref<32x144xf32, #tpu.memory_space<hbm>>
      %dma_start3A_136 = arith.constant 0 : i32
      %dma_start3A_137 = tpu.memref_slice %arg5[%arg0, %add3A_133, %dma_start3A_136] : memref<2x10240x144xf32, #tpu.memory_space<hbm>> -> memref<1x32x144xf32, #tpu.memory_space<hbm>>
      %dma_start3A_138 = tpu.memref_squeeze %dma_start3A_137 : memref<1x32x144xf32, #tpu.memory_space<hbm>> -> memref<32x144xf32, #tpu.memory_space<hbm>>
      tpu.enqueue_dma source(%arg10 : memref<32x144xf32, #tpu.memory_space<vmem>>) target(%dma_start3A_138 : memref<32x144xf32, #tpu.memory_space<hbm>>) target_semaphore(%run_scoped3A : memref<!tpu.dma_semaphore, #tpu.memory_space<semaphore_mem>>)
      %dma_wait3A = arith.constant 0 : i32
      %dma_wait3A_139 = tpu.memref_slice %arg5[%arg0, %add3A_133, %dma_wait3A] : memref<2x10240x144xf32, #tpu.memory_space<hbm>> -> memref<1x32x144xf32, #tpu.memory_space<hbm>>
      %dma_wait3A_140 = tpu.memref_squeeze %dma_wait3A_139 : memref<1x32x144xf32, #tpu.memory_space<hbm>> -> memref<32x144xf32, #tpu.memory_space<hbm>>
      %dma_wait3A_141 = arith.constant 0 : i32
      %dma_wait3A_142 = tpu.memref_slice %arg5[%arg0, %add3A_133, %dma_wait3A_141] : memref<2x10240x144xf32, #tpu.memory_space<hbm>> -> memref<1x32x144xf32, #tpu.memory_space<hbm>>
      %dma_wait3A_143 = tpu.memref_squeeze %dma_wait3A_142 : memref<1x32x144xf32, #tpu.memory_space<hbm>> -> memref<32x144xf32, #tpu.memory_space<hbm>>
      tpu.wait_dma2 semaphore(%run_scoped3A : memref<!tpu.dma_semaphore, #tpu.memory_space<semaphore_mem>>) src(%arg10 : memref<32x144xf32, #tpu.memory_space<vmem>>) dst(%dma_wait3A_143 : memref<32x144xf32, #tpu.memory_space<hbm>>)
      tpu.yield
    }) : () -> ()
    return
  }
}

module attributes {stable_mosaic.version = 14 : i64} {
  func.func @_tc_body(%arg0: i32, %arg1: memref<1000x128xf32, #tpu.memory_space<vmem>>, %arg2: memref<2x1000x144xf32, #tpu.memory_space<vmem>>, %arg3: memref<1x1x1000xi32, #tpu.memory_space<vmem>>, %arg4: memref<5x128x64xf32, #tpu.memory_space<vmem>>, %arg5: memref<5x128x64xf32, #tpu.memory_space<vmem>>, %arg6: memref<64x64xf32, #tpu.memory_space<vmem>>) attributes {dimension_semantics = [#tpu.dimension_semantics<arbitrary>], iteration_bounds = array<i64: 10>, scalar_prefetch = 0 : i64, scratch_operands = 0 : i64, tpu.core_type = #tpu.core_type<tc>, window_params = [{transform_indices = @transform_0, window_bounds = array<i64: 1000, 128>}, {transform_indices = @transform_1, window_bounds = array<i64: 2, 1000, 144>}, {transform_indices = @transform_2, window_bounds = array<i64: 1, 1, 1000>}, {pipeline_mode = #tpu.pipeline_mode<synchronous>, transform_indices = @transform_3, window_bounds = array<i64: 5, 128, 64>}, {pipeline_mode = #tpu.pipeline_mode<synchronous>, transform_indices = @transform_4, window_bounds = array<i64: 5, 128, 64>}, {pipeline_mode = #tpu.pipeline_mode<synchronous>, transform_indices = @transform_5, window_bounds = array<i64: 64, 64>}]} {
    %get3A = arith.constant 0 : index
    %get3A_0 = arith.constant 0 : index
    %get3A_1 = vector.load %arg1[%get3A, %get3A_0] : memref<1000x128xf32, #tpu.memory_space<vmem>>, vector<1000x128xf32>
    %get3A_2 = arith.constant 0 : index
    %get3A_3 = arith.constant 0 : index
    %get3A_4 = arith.constant 0 : index
    %get3A_5 = vector.load %arg2[%get3A_2, %get3A_3, %get3A_4] : memref<2x1000x144xf32, #tpu.memory_space<vmem>>, vector<1x1000x144xf32>
    %get3A_6 = vector.shape_cast %get3A_5 : vector<1x1000x144xf32> to vector<1000x144xf32>
    %get3A_7 = arith.constant 1 : index
    %get3A_8 = arith.constant 0 : index
    %get3A_9 = arith.constant 0 : index
    %get3A_10 = vector.load %arg2[%get3A_7, %get3A_8, %get3A_9] : memref<2x1000x144xf32, #tpu.memory_space<vmem>>, vector<1x1000x144xf32>
    %get3A_11 = vector.shape_cast %get3A_10 : vector<1x1000x144xf32> to vector<1000x144xf32>
    %slice3A = vector.extract_strided_slice %get3A_6 {offsets = [0, 0], sizes = [1000, 128], strides = [1, 1]} : vector<1000x144xf32> to vector<1000x128xf32>
    %slice3A_12 = vector.extract_strided_slice %get3A_11 {offsets = [0, 0], sizes = [1000, 128], strides = [1, 1]} : vector<1000x144xf32> to vector<1000x128xf32>
    %add3A = arith.addf %slice3A, %slice3A_12 : vector<1000x128xf32>
    %slice3A_13 = vector.extract_strided_slice %get3A_6 {offsets = [0, 128], sizes = [1000, 1], strides = [1, 1]} : vector<1000x144xf32> to vector<1000x1xf32>
    %slice3A_14 = vector.extract_strided_slice %get3A_11 {offsets = [0, 128], sizes = [1000, 1], strides = [1, 1]} : vector<1000x144xf32> to vector<1000x1xf32>
    %add3A_15 = arith.addf %slice3A_13, %slice3A_14 : vector<1000x1xf32>
    %min3A = arith.constant 4.000000e+00 : f32
    %min3A_16 = vector.broadcast %min3A : f32 to vector<1000x1xf32>
    %min3A_17 = arith.minimumf %add3A_15, %min3A_16 : vector<1000x1xf32>
    %broadcast_in_dim3A = arith.constant 0.000000e+00 : f32
    %broadcast_in_dim3A_18 = vector.broadcast %broadcast_in_dim3A : f32 to vector<1000x64xf32>
    %eq3A = arith.constant 0.000000e+00 : f32
    %eq3A_19 = vector.broadcast %eq3A : f32 to vector<1000x1xf32>
    %eq3A_20 = arith.cmpf oeq, %min3A_17, %eq3A_19 : vector<1000x1xf32>
    %convert_element_type3A = arith.extui %eq3A_20 : vector<1000x1xi1> to vector<1000x1xi32>
    %convert_element_type3A_21 = arith.sitofp %convert_element_type3A : vector<1000x1xi32> to vector<1000x1xf32>
    %mul3A = vector.broadcast %convert_element_type3A_21 : vector<1000x1xf32> to vector<1000x128xf32>
    %mul3A_22 = arith.mulf %add3A, %mul3A : vector<1000x128xf32>
    %get3A_23 = arith.constant 0 : index
    %get3A_24 = arith.constant 0 : index
    %get3A_25 = arith.constant 0 : index
    %get3A_26 = vector.load %arg4[%get3A_23, %get3A_24, %get3A_25] : memref<5x128x64xf32, #tpu.memory_space<vmem>>, vector<1x128x64xf32>
    %get3A_27 = vector.shape_cast %get3A_26 : vector<1x128x64xf32> to vector<128x64xf32>
    %dot_general3A = arith.constant dense<0.000000e+00> : vector<1000x64xf32>
    %dot_general3A_28 = tpu.matmul %mul3A_22, %get3A_27, %dot_general3A {dimension_numbers = #tpu.dot_dimension_numbers<[1], [0], [0], [1], [0, 0, 1, 1], [], []>, transpose_lhs_hint = false} : vector<1000x128xf32>, vector<128x64xf32>, vector<1000x64xf32> -> vector<1000x64xf32>
    %add3A_29 = arith.addf %broadcast_in_dim3A_18, %dot_general3A_28 : vector<1000x64xf32>
    %mul3A_30 = vector.broadcast %convert_element_type3A_21 : vector<1000x1xf32> to vector<1000x128xf32>
    %mul3A_31 = arith.mulf %get3A_1, %mul3A_30 : vector<1000x128xf32>
    %get3A_32 = arith.constant 0 : index
    %get3A_33 = arith.constant 0 : index
    %get3A_34 = arith.constant 0 : index
    %get3A_35 = vector.load %arg5[%get3A_32, %get3A_33, %get3A_34] : memref<5x128x64xf32, #tpu.memory_space<vmem>>, vector<1x128x64xf32>
    %get3A_36 = vector.shape_cast %get3A_35 : vector<1x128x64xf32> to vector<128x64xf32>
    %dot_general3A_37 = arith.constant dense<0.000000e+00> : vector<1000x64xf32>
    %dot_general3A_38 = tpu.matmul %mul3A_31, %get3A_36, %dot_general3A_37 {dimension_numbers = #tpu.dot_dimension_numbers<[1], [0], [0], [1], [0, 0, 1, 1], [], []>, transpose_lhs_hint = false} : vector<1000x128xf32>, vector<128x64xf32>, vector<1000x64xf32> -> vector<1000x64xf32>
    %add3A_39 = arith.addf %add3A_29, %dot_general3A_38 : vector<1000x64xf32>
    %eq3A_40 = arith.constant 1.000000e+00 : f32
    %eq3A_41 = vector.broadcast %eq3A_40 : f32 to vector<1000x1xf32>
    %eq3A_42 = arith.cmpf oeq, %min3A_17, %eq3A_41 : vector<1000x1xf32>
    %convert_element_type3A_43 = arith.extui %eq3A_42 : vector<1000x1xi1> to vector<1000x1xi32>
    %convert_element_type3A_44 = arith.sitofp %convert_element_type3A_43 : vector<1000x1xi32> to vector<1000x1xf32>
    %mul3A_45 = vector.broadcast %convert_element_type3A_44 : vector<1000x1xf32> to vector<1000x128xf32>
    %mul3A_46 = arith.mulf %add3A, %mul3A_45 : vector<1000x128xf32>
    %get3A_47 = arith.constant 1 : index
    %get3A_48 = arith.constant 0 : index
    %get3A_49 = arith.constant 0 : index
    %get3A_50 = vector.load %arg4[%get3A_47, %get3A_48, %get3A_49] : memref<5x128x64xf32, #tpu.memory_space<vmem>>, vector<1x128x64xf32>
    %get3A_51 = vector.shape_cast %get3A_50 : vector<1x128x64xf32> to vector<128x64xf32>
    %dot_general3A_52 = arith.constant dense<0.000000e+00> : vector<1000x64xf32>
    %dot_general3A_53 = tpu.matmul %mul3A_46, %get3A_51, %dot_general3A_52 {dimension_numbers = #tpu.dot_dimension_numbers<[1], [0], [0], [1], [0, 0, 1, 1], [], []>, transpose_lhs_hint = false} : vector<1000x128xf32>, vector<128x64xf32>, vector<1000x64xf32> -> vector<1000x64xf32>
    %add3A_54 = arith.addf %add3A_39, %dot_general3A_53 : vector<1000x64xf32>
    %mul3A_55 = vector.broadcast %convert_element_type3A_44 : vector<1000x1xf32> to vector<1000x128xf32>
    %mul3A_56 = arith.mulf %get3A_1, %mul3A_55 : vector<1000x128xf32>
    %get3A_57 = arith.constant 1 : index
    %get3A_58 = arith.constant 0 : index
    %get3A_59 = arith.constant 0 : index
    %get3A_60 = vector.load %arg5[%get3A_57, %get3A_58, %get3A_59] : memref<5x128x64xf32, #tpu.memory_space<vmem>>, vector<1x128x64xf32>
    %get3A_61 = vector.shape_cast %get3A_60 : vector<1x128x64xf32> to vector<128x64xf32>
    %dot_general3A_62 = arith.constant dense<0.000000e+00> : vector<1000x64xf32>
    %dot_general3A_63 = tpu.matmul %mul3A_56, %get3A_61, %dot_general3A_62 {dimension_numbers = #tpu.dot_dimension_numbers<[1], [0], [0], [1], [0, 0, 1, 1], [], []>, transpose_lhs_hint = false} : vector<1000x128xf32>, vector<128x64xf32>, vector<1000x64xf32> -> vector<1000x64xf32>
    %add3A_64 = arith.addf %add3A_54, %dot_general3A_63 : vector<1000x64xf32>
    %eq3A_65 = arith.constant 2.000000e+00 : f32
    %eq3A_66 = vector.broadcast %eq3A_65 : f32 to vector<1000x1xf32>
    %eq3A_67 = arith.cmpf oeq, %min3A_17, %eq3A_66 : vector<1000x1xf32>
    %convert_element_type3A_68 = arith.extui %eq3A_67 : vector<1000x1xi1> to vector<1000x1xi32>
    %convert_element_type3A_69 = arith.sitofp %convert_element_type3A_68 : vector<1000x1xi32> to vector<1000x1xf32>
    %mul3A_70 = vector.broadcast %convert_element_type3A_69 : vector<1000x1xf32> to vector<1000x128xf32>
    %mul3A_71 = arith.mulf %add3A, %mul3A_70 : vector<1000x128xf32>
    %get3A_72 = arith.constant 2 : index
    %get3A_73 = arith.constant 0 : index
    %get3A_74 = arith.constant 0 : index
    %get3A_75 = vector.load %arg4[%get3A_72, %get3A_73, %get3A_74] : memref<5x128x64xf32, #tpu.memory_space<vmem>>, vector<1x128x64xf32>
    %get3A_76 = vector.shape_cast %get3A_75 : vector<1x128x64xf32> to vector<128x64xf32>
    %dot_general3A_77 = arith.constant dense<0.000000e+00> : vector<1000x64xf32>
    %dot_general3A_78 = tpu.matmul %mul3A_71, %get3A_76, %dot_general3A_77 {dimension_numbers = #tpu.dot_dimension_numbers<[1], [0], [0], [1], [0, 0, 1, 1], [], []>, transpose_lhs_hint = false} : vector<1000x128xf32>, vector<128x64xf32>, vector<1000x64xf32> -> vector<1000x64xf32>
    %add3A_79 = arith.addf %add3A_64, %dot_general3A_78 : vector<1000x64xf32>
    %mul3A_80 = vector.broadcast %convert_element_type3A_69 : vector<1000x1xf32> to vector<1000x128xf32>
    %mul3A_81 = arith.mulf %get3A_1, %mul3A_80 : vector<1000x128xf32>
    %get3A_82 = arith.constant 2 : index
    %get3A_83 = arith.constant 0 : index
    %get3A_84 = arith.constant 0 : index
    %get3A_85 = vector.load %arg5[%get3A_82, %get3A_83, %get3A_84] : memref<5x128x64xf32, #tpu.memory_space<vmem>>, vector<1x128x64xf32>
    %get3A_86 = vector.shape_cast %get3A_85 : vector<1x128x64xf32> to vector<128x64xf32>
    %dot_general3A_87 = arith.constant dense<0.000000e+00> : vector<1000x64xf32>
    %dot_general3A_88 = tpu.matmul %mul3A_81, %get3A_86, %dot_general3A_87 {dimension_numbers = #tpu.dot_dimension_numbers<[1], [0], [0], [1], [0, 0, 1, 1], [], []>, transpose_lhs_hint = false} : vector<1000x128xf32>, vector<128x64xf32>, vector<1000x64xf32> -> vector<1000x64xf32>
    %add3A_89 = arith.addf %add3A_79, %dot_general3A_88 : vector<1000x64xf32>
    %eq3A_90 = arith.constant 3.000000e+00 : f32
    %eq3A_91 = vector.broadcast %eq3A_90 : f32 to vector<1000x1xf32>
    %eq3A_92 = arith.cmpf oeq, %min3A_17, %eq3A_91 : vector<1000x1xf32>
    %convert_element_type3A_93 = arith.extui %eq3A_92 : vector<1000x1xi1> to vector<1000x1xi32>
    %convert_element_type3A_94 = arith.sitofp %convert_element_type3A_93 : vector<1000x1xi32> to vector<1000x1xf32>
    %mul3A_95 = vector.broadcast %convert_element_type3A_94 : vector<1000x1xf32> to vector<1000x128xf32>
    %mul3A_96 = arith.mulf %add3A, %mul3A_95 : vector<1000x128xf32>
    %get3A_97 = arith.constant 3 : index
    %get3A_98 = arith.constant 0 : index
    %get3A_99 = arith.constant 0 : index
    %get3A_100 = vector.load %arg4[%get3A_97, %get3A_98, %get3A_99] : memref<5x128x64xf32, #tpu.memory_space<vmem>>, vector<1x128x64xf32>
    %get3A_101 = vector.shape_cast %get3A_100 : vector<1x128x64xf32> to vector<128x64xf32>
    %dot_general3A_102 = arith.constant dense<0.000000e+00> : vector<1000x64xf32>
    %dot_general3A_103 = tpu.matmul %mul3A_96, %get3A_101, %dot_general3A_102 {dimension_numbers = #tpu.dot_dimension_numbers<[1], [0], [0], [1], [0, 0, 1, 1], [], []>, transpose_lhs_hint = false} : vector<1000x128xf32>, vector<128x64xf32>, vector<1000x64xf32> -> vector<1000x64xf32>
    %add3A_104 = arith.addf %add3A_89, %dot_general3A_103 : vector<1000x64xf32>
    %mul3A_105 = vector.broadcast %convert_element_type3A_94 : vector<1000x1xf32> to vector<1000x128xf32>
    %mul3A_106 = arith.mulf %get3A_1, %mul3A_105 : vector<1000x128xf32>
    %get3A_107 = arith.constant 3 : index
    %get3A_108 = arith.constant 0 : index
    %get3A_109 = arith.constant 0 : index
    %get3A_110 = vector.load %arg5[%get3A_107, %get3A_108, %get3A_109] : memref<5x128x64xf32, #tpu.memory_space<vmem>>, vector<1x128x64xf32>
    %get3A_111 = vector.shape_cast %get3A_110 : vector<1x128x64xf32> to vector<128x64xf32>
    %dot_general3A_112 = arith.constant dense<0.000000e+00> : vector<1000x64xf32>
    %dot_general3A_113 = tpu.matmul %mul3A_106, %get3A_111, %dot_general3A_112 {dimension_numbers = #tpu.dot_dimension_numbers<[1], [0], [0], [1], [0, 0, 1, 1], [], []>, transpose_lhs_hint = false} : vector<1000x128xf32>, vector<128x64xf32>, vector<1000x64xf32> -> vector<1000x64xf32>
    %add3A_114 = arith.addf %add3A_104, %dot_general3A_113 : vector<1000x64xf32>
    %eq3A_115 = arith.constant 4.000000e+00 : f32
    %eq3A_116 = vector.broadcast %eq3A_115 : f32 to vector<1000x1xf32>
    %eq3A_117 = arith.cmpf oeq, %min3A_17, %eq3A_116 : vector<1000x1xf32>
    %convert_element_type3A_118 = arith.extui %eq3A_117 : vector<1000x1xi1> to vector<1000x1xi32>
    %convert_element_type3A_119 = arith.sitofp %convert_element_type3A_118 : vector<1000x1xi32> to vector<1000x1xf32>
    %mul3A_120 = vector.broadcast %convert_element_type3A_119 : vector<1000x1xf32> to vector<1000x128xf32>
    %mul3A_121 = arith.mulf %add3A, %mul3A_120 : vector<1000x128xf32>
    %get3A_122 = arith.constant 4 : index
    %get3A_123 = arith.constant 0 : index
    %get3A_124 = arith.constant 0 : index
    %get3A_125 = vector.load %arg4[%get3A_122, %get3A_123, %get3A_124] : memref<5x128x64xf32, #tpu.memory_space<vmem>>, vector<1x128x64xf32>
    %get3A_126 = vector.shape_cast %get3A_125 : vector<1x128x64xf32> to vector<128x64xf32>
    %dot_general3A_127 = arith.constant dense<0.000000e+00> : vector<1000x64xf32>
    %dot_general3A_128 = tpu.matmul %mul3A_121, %get3A_126, %dot_general3A_127 {dimension_numbers = #tpu.dot_dimension_numbers<[1], [0], [0], [1], [0, 0, 1, 1], [], []>, transpose_lhs_hint = false} : vector<1000x128xf32>, vector<128x64xf32>, vector<1000x64xf32> -> vector<1000x64xf32>
    %add3A_129 = arith.addf %add3A_114, %dot_general3A_128 : vector<1000x64xf32>
    %mul3A_130 = vector.broadcast %convert_element_type3A_119 : vector<1000x1xf32> to vector<1000x128xf32>
    %mul3A_131 = arith.mulf %get3A_1, %mul3A_130 : vector<1000x128xf32>
    %get3A_132 = arith.constant 4 : index
    %get3A_133 = arith.constant 0 : index
    %get3A_134 = arith.constant 0 : index
    %get3A_135 = vector.load %arg5[%get3A_132, %get3A_133, %get3A_134] : memref<5x128x64xf32, #tpu.memory_space<vmem>>, vector<1x128x64xf32>
    %get3A_136 = vector.shape_cast %get3A_135 : vector<1x128x64xf32> to vector<128x64xf32>
    %dot_general3A_137 = arith.constant dense<0.000000e+00> : vector<1000x64xf32>
    %dot_general3A_138 = tpu.matmul %mul3A_131, %get3A_136, %dot_general3A_137 {dimension_numbers = #tpu.dot_dimension_numbers<[1], [0], [0], [1], [0, 0, 1, 1], [], []>, transpose_lhs_hint = false} : vector<1000x128xf32>, vector<128x64xf32>, vector<1000x64xf32> -> vector<1000x64xf32>
    %add3A_139 = arith.addf %add3A_129, %dot_general3A_138 : vector<1000x64xf32>
    %max3A = arith.constant 0.000000e+00 : f32
    %max3A_140 = vector.broadcast %max3A : f32 to vector<1000x64xf32>
    %max3A_141 = arith.maximumf %add3A_139, %max3A_140 : vector<1000x64xf32>
    %reduce_max3A = arith.constant dense<0xFF800000> : vector<1000xf32>
    %reduce_max3A_142 = vector.multi_reduction <maximumf>, %max3A_141, %reduce_max3A [1] : vector<1000x64xf32> to vector<1000xf32>
    %broadcast_in_dim3A_143 = vector.shape_cast %reduce_max3A_142 : vector<1000xf32> to vector<1000x1xf32>
    %sub3A = vector.broadcast %broadcast_in_dim3A_143 : vector<1000x1xf32> to vector<1000x64xf32>
    %sub3A_144 = arith.subf %max3A_141, %sub3A : vector<1000x64xf32>
    %exp3A = math.exp %sub3A_144 : vector<1000x64xf32>
    %reduce_sum3A = arith.constant dense<0.000000e+00> : vector<1000xf32>
    %reduce_sum3A_145 = vector.multi_reduction <add>, %exp3A, %reduce_sum3A [1] : vector<1000x64xf32> to vector<1000xf32>
    %broadcast_in_dim3A_146 = vector.shape_cast %reduce_sum3A_145 : vector<1000xf32> to vector<1000x1xf32>
    %div3A = vector.broadcast %broadcast_in_dim3A_146 : vector<1000x1xf32> to vector<1000x64xf32>
    %div3A_147 = arith.divf %exp3A, %div3A : vector<1000x64xf32>
    %get3A_148 = arith.constant 0 : index
    %get3A_149 = arith.constant 0 : index
    %get3A_150 = arith.constant 0 : index
    %get3A_151 = vector.load %arg3[%get3A_148, %get3A_149, %get3A_150] : memref<1x1x1000xi32, #tpu.memory_space<vmem>>, vector<1x1x1000xi32>
    %get3A_152 = vector.shape_cast %get3A_151 : vector<1x1x1000xi32> to vector<1000xi32>
    %broadcast_in_dim3A_153 = vector.shape_cast %get3A_152 : vector<1000xi32> to vector<1000x1xi32>
    %iota3A = tpu.iota {dimensions = array<i32: 1>} : vector<1000x64xi32>
    %eq3A_154 = vector.broadcast %broadcast_in_dim3A_153 : vector<1000x1xi32> to vector<1000x64xi32>
    %eq3A_155 = arith.cmpi eq, %eq3A_154, %iota3A : vector<1000x64xi32>
    %convert_element_type3A_156 = arith.extui %eq3A_155 : vector<1000x64xi1> to vector<1000x64xi32>
    %convert_element_type3A_157 = arith.sitofp %convert_element_type3A_156 : vector<1000x64xi32> to vector<1000x64xf32>
    %dot_general3A_158 = arith.constant dense<0.000000e+00> : vector<64x64xf32>
    %dot_general3A_159 = tpu.matmul %convert_element_type3A_157, %div3A_147, %dot_general3A_158 {dimension_numbers = #tpu.dot_dimension_numbers<[0], [0], [1], [1], [0, 1, 1, 1], [], []>, transpose_lhs_hint = false} : vector<1000x64xf32>, vector<1000x64xf32>, vector<64x64xf32> -> vector<64x64xf32>
    %eq3A_160 = arith.constant 0 : i32
    %eq3A_161 = arith.cmpi eq, %arg0, %eq3A_160 : i32
    %convert_element_type3A_162 = arith.extui %eq3A_161 : i1 to i32
    %cond3A = arith.constant 0 : i32
    %cond3A_163 = arith.cmpi ne, %convert_element_type3A_162, %cond3A : i32
    scf.if %cond3A_163 {
      %broadcast_in_dim3A_170 = arith.constant 0.000000e+00 : f32
      %broadcast_in_dim3A_171 = vector.broadcast %broadcast_in_dim3A_170 : f32 to vector<64x64xf32>
      %swap3A_172 = arith.constant 0 : index
      %swap3A_173 = arith.constant 0 : index
      %swap3A_174 = vector.load %arg6[%swap3A_172, %swap3A_173] : memref<64x64xf32, #tpu.memory_space<vmem>>, vector<64x64xf32>
      tpu.vector_store %arg6[%swap3A_172, %swap3A_173], %broadcast_in_dim3A_171 {strides = array<i32>} : memref<64x64xf32, #tpu.memory_space<vmem>>, vector<64x64xf32>,
    } else {
    }
    %get3A_164 = arith.constant 0 : index
    %get3A_165 = arith.constant 0 : index
    %get3A_166 = vector.load %arg6[%get3A_164, %get3A_165] : memref<64x64xf32, #tpu.memory_space<vmem>>, vector<64x64xf32>
    %add3A_167 = arith.addf %get3A_166, %dot_general3A_159 : vector<64x64xf32>
    %swap3A = arith.constant 0 : index
    %swap3A_168 = arith.constant 0 : index
    %swap3A_169 = vector.load %arg6[%swap3A, %swap3A_168] : memref<64x64xf32, #tpu.memory_space<vmem>>, vector<64x64xf32>
    tpu.vector_store %arg6[%swap3A, %swap3A_168], %add3A_167 {strides = array<i32>} : memref<64x64xf32, #tpu.memory_space<vmem>>, vector<64x64xf32>,
    return
  }
  func.func @transform_0(%arg0: i32) -> (i32, i32) {
    %c0_i32 = arith.constant 0 : i32
    %c0_i32_0 = arith.constant 0 : i32
    return %arg0, %c0_i32 : i32, i32
  }
  func.func @transform_1(%arg0: i32) -> (i32, i32, i32) {
    %c0_i32 = arith.constant 0 : i32
    %c0_i32_0 = arith.constant 0 : i32
    %c0_i32_1 = arith.constant 0 : i32
    return %c0_i32, %arg0, %c0_i32_0 : i32, i32, i32
  }
  func.func @transform_2(%arg0: i32) -> (i32, i32, i32) {
    %c0_i32 = arith.constant 0 : i32
    %c0_i32_0 = arith.constant 0 : i32
    %c0_i32_1 = arith.constant 0 : i32
    return %arg0, %c0_i32, %c0_i32_0 : i32, i32, i32
  }
  func.func @transform_3(%arg0: i32) -> (i32, i32, i32) {
    %c0_i32 = arith.constant 0 : i32
    %c0_i32_0 = arith.constant 0 : i32
    %c0_i32_1 = arith.constant 0 : i32
    %c0_i32_2 = arith.constant 0 : i32
    return %c0_i32, %c0_i32_0, %c0_i32_1 : i32, i32, i32
  }
  func.func @transform_4(%arg0: i32) -> (i32, i32, i32) {
    %c0_i32 = arith.constant 0 : i32
    %c0_i32_0 = arith.constant 0 : i32
    %c0_i32_1 = arith.constant 0 : i32
    %c0_i32_2 = arith.constant 0 : i32
    return %c0_i32, %c0_i32_0, %c0_i32_1 : i32, i32, i32
  }
  func.func @transform_5(%arg0: i32) -> (i32, i32) {
    %c0_i32 = arith.constant 0 : i32
    %c0_i32_0 = arith.constant 0 : i32
    %c0_i32_1 = arith.constant 0 : i32
    return %c0_i32, %c0_i32_0 : i32, i32
  }
}

</mosaic_0001>

<sc_bundles>
// kernel: kernel.4.cloned.1.call-start
scs
__scs_entry_jumppad:
0x0: {  	(pc) =	sbr.rel $0x88, $3  }
0x1: {  	(tag) =	ssettag $0x0;
	lr =	simm.s32 $0x1  }
0x2: {  	[smem:$0x3F9C] =	sst lr;
	_ =	strace $0xD0000000  }
0x3: {  	_ = 	snop  }
0x4: {  	_ = 	snop  }
0x5: {  	_ = 	snop  }
0x6: {  	_ = 	snop  }
0x7: {  	_ = 	snop  }
__scs_overlays_trampoline_lowered:
0x8: {  	[smem:$0x3FAB] =	sst s0  }
0x9: {  	[smem:$0x3FAC] =	sst s1  }
0xa: {  	[smem:$0x3FAD] =	sst s2  }
0xb: {  	[smem:$0x3FAE] =	sst s3  }
0xc: {  	[smem:$0x3FAF] =	sst s4  }
0xd: {  	[smem:$0x3FB0] =	sst s5  }
0xe: {  	[smem:$0x3FB1] =	sst s6  }
0xf: {  	[smem:$0x3FB2] =	sst s7  }
0x10: {  	[smem:$0x3FB3] =	sst s8  }
0x11: {  	[smem:$0x3FB4] =	sst s9;
	s0 =	simm.s32 @!p0 $0x0  }
0x12: {  	s1 =	sld [smem:$0x3F9A];
	s0 =	simm.s32 @p0 $0x1  }
0x13: {  	[smem:$0x3FB5] =	sst s0;
	s0 =	simm.s32 @!p1 $0x0  }
0x14: {  	s2 =	sld [smem:$0x3F99];
	s0 =	simm.s32 @p1 $0x1  }
0x15: {  	[smem:$0x3FB6] =	sst s0;
	s0 =	simm.s32 @!p2 $0x0  }
0x16: {  	s3 =	sld [smem:$0x3FDB];
	s0 =	simm.s32 @p2 $0x1  }
0x17: {  	s4 =	simm.s32 $0x1BF5;
	[smem:$0x3FB8] =	sst s0  }
0x18: {  	s0 =	sld [smem:$0x3F9B];
	_ =	swait.ge [sflag:s4], $0x0  }
0x19: {  	s7 =	sld [smem:$0x3F9C]  }
0x1a: {  	s8 =	sadd.s32 $0xFFFFE003, lr  }
0x1b: {  	s9 =	sadd.s32 $0xFFFFFEF7, lr;
	s5 =	simm.s32 $0xFFFFFFFF;
	p2 =	slt.u32 s8, $0xFFFFF086  }
0x1c: {  	p1 =	slt.u32 s9, $0xF7A;
	s5 =	simm.s32 @!p2 $0x0  }
0x1d: {  	s5 =	simm.s32 @p1 $0x1;
	p0 =	seq.s32 s7, s2  }
0x1e: {  	s7 =	smul.u32 @!p0 $0xF7A, s2;
	p2 =	seq.s32 @!p0 s5, $0x0  }
0x1f: {  	s9 =	smul.u32 $0xF7A, s1;
	s8 =	simm.s32 @!p0 $0x1BF5;
	p2 =	por !p2, p0  }
0x20: {  	[sflag:s8] =	ssyncset.s32 @!p0 $0xFFFFF086;
	s6 =	sadd.s32 @!p0 s3, s7;
	s7 =	simm.s32 @!p0 $0x108  }
0x21: {  	s3 =	sadd.s32 s3, s9;
	s6 =	sadd.s32 @!p0 $0x88, s6;
	s7 =	simm.s32 @p2 $0x1082  }
0x22: {  	[simem:s7], [sflag:s8] =	dma.local @!p0 [hbm:s6], $0xF7A  }
0x23: {  	s9 =	sor.u32 $0xD0000000, s2;
	s6 =	simm.s32 $0x108;
	_ =	swait.ge @!p0 [sflag:s8], $0x0  }
0x24: {  	s3 =	sadd.s32 $0x88, s3;
	s6 =	simm.s32 @!p1 $0x1082;
	[sflag:s4] =	ssyncset.s32 $0xFFFFF086  }
0x25: {  	[simem:s6], [sflag:s4] =	dma.local [hbm:s3], $0xF7A  }
0x26: {  	[smem:$0x3F9C] =	sst s1;
	(tag) =	ssettag s2;
	_ =	strace s9  }
0x27: {  	s1 =	sld [smem:$0x3FAC]  }
0x28: {  	s2 =	sld [smem:$0x3FAD]  }
0x29: {  	s4 =	sld [smem:$0x3FAF]  }
0x2a: {  	p0 =	seq.s32 s5, $0x0;
	s5 =	sld [smem:$0x3FB0]  }
0x2b: {  	s6 =	sld [smem:$0x3FB1]  }
0x2c: {  	s7 =	sld [smem:$0x3FB2]  }
0x2d: {  	s3 =	simm.s32 $0x108;
	s8 =	sld [smem:$0x3FB3]  }
0x2e: {  	s3 =	simm.s32 @!p0 $0x1082;
	s9 =	sld [smem:$0x3FB4]  }
0x2f: {  	lr =	sadd.s32 s0, s3;
	s0 =	sld [smem:$0x3FAB]  }
0x30: {  	s3 =	sld [smem:$0x3FAE]  }
0x31: {  	[smem:$0x3FB7] =	sst s10  }
0x32: {  	s10 =	sld [smem:$0x3FB5];
	_ =	sdelay $0x3  }
0x33: {  	p0 =	seq.s32 s10, $0x1;
	s10 =	sld [smem:$0x3FB7];
	_ =	sdelay $0x3  }
0x34: {  	[smem:$0x3FB7] =	sst s10  }
0x35: {  	s10 =	sld [smem:$0x3FB6];
	_ =	sdelay $0x3  }
0x36: {  	p1 =	seq.s32 s10, $0x1;
	s10 =	sld [smem:$0x3FB7];
	_ =	sdelay $0x3  }
0x37: {  	[smem:$0x3FB7] =	sst s10  }
0x38: {  	s10 =	sld [smem:$0x3FB8]  }
0x39: {  	_ = 	snop;
	(pc) =	sbr.ind lr, $3  }
0x3a: {  	_ = 	snop  }
0x3b: {  	_ = 	snop  }
0x3c: {  	p2 =	seq.s32 s10, $0x1;
	s10 =	sld [smem:$0x3FB7]  }
0x3d: {  	_ =	shalt  }
0x3e: {  	_ =	shalt  }
0x3f: {  	_ =	shalt  }
0x40: {  	_ =	shalt  }
0x41: {  	_ =	shalt  }
0x42: {  	_ =	shalt  }
0x43: {  	_ =	shalt  }
0x44: {  	_ =	shalt  }
0x45: {  	_ =	shalt  }
0x46: {  	_ =	shalt  }
0x47: {  	_ =	shalt  }
0x48: {  	_ =	shalt  }
0x49: {  	_ =	shalt  }
0x4a: {  	_ =	shalt  }
0x4b: {  	_ =	shalt  }
0x4c: {  	_ =	shalt  }
0x4d: {  	_ =	shalt  }
0x4e: {  	_ =	shalt  }
0x4f: {  	_ =	shalt  }
0x50: {  	_ =	shalt  }
0x51: {  	_ =	shalt  }
0x52: {  	_ =	shalt  }
0x53: {  	_ =	shalt  }
0x54: {  	_ =	shalt  }
0x55: {  	_ =	shalt  }
0x56: {  	_ =	shalt  }
0x57: {  	_ =	shalt  }
0x58: {  	_ =	shalt  }
0x59: {  	_ =	shalt  }
0x5a: {  	_ =	shalt  }
0x5b: {  	_ =	shalt  }
0x5c: {  	_ =	shalt  }
0x5d: {  	_ =	shalt  }
0x5e: {  	_ =	shalt  }
0x5f: {  	_ =	shalt  }
0x60: {  	_ =	shalt  }
0x61: {  	_ =	shalt  }
0x62: {  	_ =	shalt  }
0x63: {  	_ =	shalt  }
0x64: {  	_ =	shalt  }
0x65: {  	_ =	shalt  }
0x66: {  	_ =	shalt  }
0x67: {  	_ =	shalt  }
0x68: {  	_ =	shalt  }
0x69: {  	_ =	shalt  }
0x6a: {  	_ =	shalt  }
0x6b: {  	_ =	shalt  }
0x6c: {  	_ =	shalt  }
0x6d: {  	_ =	shalt  }
0x6e: {  	_ =	shalt  }
0x6f: {  	_ =	shalt  }
0x70: {  	_ =	shalt  }
0x71: {  	_ =	shalt  }
0x72: {  	_ =	shalt  }
0x73: {  	_ =	shalt  }
0x74: {  	_ =	shalt  }
0x75: {  	_ =	shalt  }
0x76: {  	_ =	shalt  }
0x77: {  	_ =	shalt  }
0x78: {  	_ =	shalt  }
0x79: {  	_ =	shalt  }
0x7a: {  	_ =	shalt  }
0x7b: {  	_ =	shalt  }
0x7c: {  	_ =	shalt  }
0x7d: {  	_ =	shalt  }
0x7e: {  	_ =	shalt  }
0x7f: {  	_ =	shalt  }
0x80: {  	_ =	shalt  }
0x81: {  	_ =	shalt  }
0x82: {  	_ =	shalt  }
0x83: {  	_ =	shalt  }
0x84: {  	_ =	shalt  }
0x85: {  	_ =	shalt  }
0x86: {  	_ =	shalt  }
0x87: {  	_ =	shalt  }
.Lfunc_end0:
.L_simem_size_0:
called_computation_lowered:
.L_overlay_start_0:
0x88: {  	s2 =	sld [smem:$0x3FD9]  }
0x89: {  	s3 =	sld [smem:$0x3FFE];
	_ =	sdelay $0x1  }
0x8a: {  	s1 =	srdreg.scid  }
0x8b: {  	s0 =	sand.u32 $0x1, s1  }
0x8c: {  	s16 =	sshll.u32 s0, $0xA;
	s2 =	sadd.s32 s3, s2  }
0x8d: {  	s2 =	sadd.s32 s2, s16  }
0x8e: {  	[smem:$0x3FC3] =	sst s2  }
0x8f: {  	_ = 	snop  }
0x90: {  	(tm) =	ssettm $0x1  }
0x91: {  	s17 =	sld [smem:$0x3FFB];
	_ =	sdelay $0x3  }
0x92: {  	_ =	strace s17  }
0x93: {  	s2 =	sld [smem:$0x3FFC];
	_ =	sdelay $0x3  }
0x94: {  	_ =	strace s2  }
0x95: {  	s2 =	sld [smem:$0x3FFD];
	_ =	sdelay $0x3  }
0x96: {  	_ =	strace s2  }
0x97: {  	_ =	strace $0x8FFFFFFF  }
0x98: {  	s18 =	sld [smem:$0x3FDB];
	_ =	sdelay $0x1  }
0x99: {  	s19 =	simm.s32 $_scs_section_size  }
0x9a: {  	s4 =	simm.s32 $_size__tile_overlayer_lowered;
	s5 =	simm.s32 $_tile_overlayer_lowered  }
0x9b: {  	s22 =	simm.s32 $0x1BFF;
	s21 =	sshll.u32 s5, $0x1;
	s2 =	sadd.s32 s19, s18  }
0x9c: {  	s6 =	simm.s32 $0x0;
	s20 =	sshll.u32 s4, $0x1;
	s4 =	sadd.s32 s21, s2  }
0x9d: {  	[timem:s6], [sflag:s22] =	dma.local [hbm:s4], s20  }
0x9e: {  	_ =	swait.ge [sflag:s22], s20  }
0x9f: {  	s3 =	ssub.s32 $0x0, s20;
	[sflag:s22] =	ssyncset.done $0x0  }
0xa0: {  	[sflag:s22] =	ssyncadd.s32 s3;
	_ =	sdelay $0x1  }
0xa1: {  	s23 =	simm.s32 $0x1B8B  }
0xa2: {  	_ =	swait.ge [sflag:s23], $0x1  }
0xa3: {  	[sflag:s23] =	ssyncset.done $0x0  }
0xa4: {  	s25 =	simm.s32 $0x1B8E;
	s24 =	sld [smem:$0x3FFE];
	[sflag:s23] =	ssyncadd.s32 $0xFFFFFFFF  }
0xa5: {  	s26 =	simm.s32 $execute0_lowered;
	[smem:$0x3FD2] =	sst s25  }
0xa6: {  	s4 =	sshll.u32 s26, $0x1;
	_ =	strace $0x80000046;
	[dreg:$0x1] =	wrdreg $0xFFFFFFFF  }
0xa7: {  	s28 =	simm.s32 $_size_execute0_lowered;
	s2 =	sadd.s32 s2, s4;
	[dreg:$0x0] =	wrdreg $0x0  }
0xa8: {  	s4 =	sshll.u32 s28, $0x1;
	[dreg:$0x2] =	wrdreg s2  }
0xa9: {  	[dreg:$0x3] =	wrdreg s4  }
0xaa: {  	[dreg:$0x4] =	wrdreg $0xC0  }
0xab: {  	_ =	task [dreg:s6], $0x5FFFF  }
0xac: {  	[dreg:$0x1] =	wrdreg $0xFFFFFFFF  }
0xad: {  	[dreg:$0x0] =	wrdreg $0x60  }
0xae: {  	[dreg:$0x2] =	wrdreg s24  }
0xaf: {  	[dreg:$0x3] =	wrdreg $0x92C00  }
0xb0: {  	[dreg:$0x4] =	wrdreg $0x9  }
0xb1: {  	_ =	task.clear_ibuf [dreg:s6], $0x5FFFF;
	_ =	strace $0x90000046  }
0xb2: {  	s29 =	simm.s32 $0x9;
	_ =	strace $0x80000048  }
0xb3: {  	_ =	swait.ge [sflag:s29], $0x1  }
0xb4: {  	[sflag:s29] =	ssyncadd.s32 $0xFFFFFFFF  }
0xb5: {  	_ =	strace $0x90000048  }
0xb6: {  	_ =	sfence  }
0xb7: {  	s30 =	sld [smem:$0x0];
	_ =	sdelay $0x2  }
0xb8: {  	s31 =	sshll.u32 s1, $0xD;
	s1 =	sshrl.u32 s1, $0x2  }
0xb9: {  	s3 =	sand.u32 $0x4000, s31;
	s1 =	sadd.s32 s1, s30  }
0xba: {  	s0 =	sor.u32 s3, s0;
	s1 =	sshll.u32 s1, $0x11  }
0xbb: {  	s0 =	sor.u32 s1, s0  }
0xbc: {  	s0 =	sadd.s32 $0x8F2B, s0  }
0xbd: {  	[sflag:s0] =	ssyncadd.remote.s32 $0x1  }
0xbe: {  	_ =	sfence.sel $0xFFFF  }
0xbf: {  	[dreg:$0x0] =	wrdreg $0xFFFFFFFF;
	(pc) =	sbr.abs _section_cstart, $3  }
0xc0: {  	[dreg:$0x1] =	wrdreg $0xFFFFFFFF  }
0xc1: {  	_ =	task.clear_ibuf [dreg:s6], $0x2FFFF;
	_ =	strace $0x9FFFFFFF  }
0xc2: {  	(tm) =	ssettm $0x7FFFFFFF  }
0xc3: {  	_ =	shalt  }
tec
execute0_lowered:
.L_overlay_start_1:
0x0: {  	(tag) =	ssettag $0x1  }
0x1: {  	s1 =	rddreg [dreg:$0x0]  }
0x2: {  	s0 =	srdreg.scid;
	s2 =	rddreg [dreg:$0x1];
	s3 =	simm.s32 $0x0  }
0x3: {  	s8 =	stileid.u32;
	s23 =	simm.s32 $0x68;
	[smem:$0x7FF] =	sst s3  }
0x4: {  	s24 =	simm.s32 $0xD0;
	_ =	strace $0x80000047;
	[dreg:$0x5] =	wrdreg s23  }
0x5: {  	s25 =	simm.s32 $0x888;
	s18 =	simm.s32 $0x8F0;
	[dreg:$0x6] =	wrdreg s24  }
0x6: {  	s19 =	simm.s32 $0x1A0;
	s21 =	simm.s32 $0x958;
	[dreg:$0x7] =	wrdreg s25  }
0x7: {  	s29 =	simm.s32 $0xD00;
	s30 =	simm.s32 $0x5B0;
	[dreg:$0x9] =	wrdreg s18  }
0x8: {  	s31 =	simm.s32 $0xD68;
	s7 =	sand.u32 $0x1, s0;
	[dreg:$0xa] =	wrdreg s19  }
0x9: {  	s4 =	smul.u32 $0x28A0, s8;
	[dreg:$0xb] =	wrdreg s21;
	s23 =	simm.s32 $0x9C0  }
0xa: {  	s12 =	sadd.s32 $0x41200, s1;
	s25 =	simm.s32 $0x270;
	[dreg:$0xd] =	wrdreg s23  }
0xb: {  	s0 =	smul.u32 $0x28A00, s7;
	s19 =	simm.s32 $0xA90;
	[dreg:$0xe] =	wrdreg s25  }
0xc: {  	s5 =	ssub.s32 $0x2, s7;
	s21 =	simm.s32 $0xAF8;
	[dreg:$0x11] =	wrdreg s19  }
0xd: {  	s14 =	smul.u32 $0x168000, s7;
	s6 =	sshrl.u32 s5, $0x1;
	[dreg:$0x13] =	wrdreg s21  }
0xe: {  	s23 =	simm.s32 $0x3A8;
	s25 =	simm.s32 $0x410;
	s0 =	sadd.s32 s4, s0  }
0xf: {  	s4 =	smul.u32 $0x16800, s8;
	[dreg:$0x14] =	wrdreg s23;
	s0 =	sshrl.u32 s0, $0x3  }
0x10: {  	[dreg:$0x16] =	wrdreg s25;
	s15 =	sadd.s32 s0, s1;
	s0 =	ssub.s32 s5, s6  }
0x11: {  	s5 =	sadd.s32 $0x1200, s4;
	s6 =	sadd.s32 $0x2400, s4;
	s7 =	sadd.s32 $0x3600, s4  }
0x12: {  	s8 =	sadd.s32 $0x4800, s4;
	s9 =	sadd.s32 $0x5A00, s4;
	s10 =	sadd.s32 $0x6C00, s4  }
0x13: {  	s11 =	sadd.s32 $0x7E00, s4;
	s16 =	sadd.s32 s4, s14;
	s17 =	sadd.s32 $0xA00, s15  }
0x14: {  	s13 =	sadd.s32 $0x9000, s4;
	s15 =	sadd.s32 $0xAE00, s15;
	[dreg:$0x3] =	wrdreg s17  }
0x15: {  	s22 =	sadd.s32 s14, s5;
	s5 =	sadd.s32 s5, s2;
	[dreg:$0x4] =	wrdreg s15  }
0x16: {  	s26 =	sadd.s32 s14, s6;
	s6 =	sadd.s32 s6, s2;
	[smem:$0x7EA] =	sst s5  }
0x17: {  	s20 =	sadd.s32 s14, s7;
	s7 =	sadd.s32 s7, s2;
	[smem:$0x7EB] =	sst s6  }
0x18: {  	s24 =	sadd.s32 s14, s8;
	s8 =	sadd.s32 s8, s2;
	[smem:$0x7EC] =	sst s7  }
0x19: {  	s18 =	sadd.s32 s14, s9;
	s9 =	sadd.s32 s9, s2;
	[smem:$0x7ED] =	sst s8  }
0x1a: {  	s16 =	sshrl.u32 s16, $0x3;
	s0 =	smax.u32 s0, $0x1;
	[smem:$0x7EE] =	sst s9  }
0x1b: {  	s28 =	sadd.s32 $0x15600, s4;
	s16 =	sadd.s32 s12, s16;
	[smem:$0x7FC] =	sst s0  }
0x1c: {  	s19 =	sadd.s32 s14, s13;
	s17 =	simm.s32 $0x138;
	[dreg:$0x1a] =	wrdreg s16  }
0x1d: {  	s16 =	sshrl.u32 s22, $0x3;
	[dreg:$0x8] =	wrdreg s17;
	s22 =	simm.s32 $0x208  }
0x1e: {  	s15 =	sshrl.u32 s19, $0x3;
	s17 =	simm.s32 $0x2D8;
	[dreg:$0xc] =	wrdreg s22  }
0x1f: {  	s19 =	sadd.s32 $0xC600, s4;
	s15 =	sadd.s32 s12, s15;
	[dreg:$0x10] =	wrdreg s17  }
0x20: {  	s0 =	simm.s32 $0x618;
	s16 =	sadd.s32 s12, s16;
	[smem:$0x7DD] =	sst s15  }
0x21: {  	s22 =	sadd.s32 s14, s10;
	s17 =	simm.s32 $0xBC8;
	[dreg:$0x1b] =	wrdreg s16  }
0x22: {  	s10 =	sadd.s32 s10, s2;
	s16 =	sshrl.u32 s26, $0x3;
	[dreg:$0x17] =	wrdreg s17  }
0x23: {  	s5 =	simm.s32 $0xE38;
	[smem:$0x7EF] =	sst s10;
	s16 =	sadd.s32 s12, s16  }
0x24: {  	s26 =	simm.s32 $0xA28;
	[dreg:$0x1c] =	wrdreg s16;
	s16 =	sshrl.u32 s20, $0x3  }
0x25: {  	s6 =	simm.s32 $0x6E8;
	[dreg:$0xf] =	wrdreg s26;
	s16 =	sadd.s32 s12, s16  }
0x26: {  	s20 =	simm.s32 $0x340;
	[dreg:$0x1d] =	wrdreg s16;
	s16 =	sshrl.u32 s24, $0x3  }
0x27: {  	s17 =	sadd.s32 $0xB400, s4;
	[dreg:$0x12] =	wrdreg s20;
	s16 =	sadd.s32 s12, s16  }
0x28: {  	s24 =	simm.s32 $0xB60;
	[dreg:$0x1e] =	wrdreg s16;
	s16 =	sshrl.u32 s18, $0x3  }
0x29: {  	s26 =	sadd.s32 s14, s11;
	[dreg:$0x15] =	wrdreg s24;
	s16 =	sadd.s32 s12, s16  }
0x2a: {  	s18 =	simm.s32 $0x478;
	[dreg:$0x1f] =	wrdreg s16;
	s16 =	sshrl.u32 s22, $0x3  }
0x2b: {  	[dreg:$0x18] =	wrdreg s18;
	s18 =	sadd.s32 s14, s17;
	s16 =	sadd.s32 s12, s16  }
0x2c: {  	s17 =	sadd.s32 s17, s2;
	[smem:$0x7DB] =	sst s16;
	s16 =	sshrl.u32 s26, $0x3  }
0x2d: {  	s18 =	sshrl.u32 s18, $0x3;
	[smem:$0x7FD] =	sst s17;
	s16 =	sadd.s32 s12, s16  }
0x2e: {  	s21 =	sadd.s32 s12, s18;
	[smem:$0x7DC] =	sst s16;
	s16 =	sadd.s32 $0xA200, s4  }
0x2f: {  	s18 =	sadd.s32 $0xD800, s4;
	[smem:$0x7DF] =	sst s21;
	s20 =	sadd.s32 s14, s16  }
0x30: {  	s23 =	sadd.s32 s14, s18;
	s18 =	sadd.s32 s18, s2;
	s15 =	sshrl.u32 s20, $0x3  }
0x31: {  	[smem:$0x7F4] =	sst s18;
	s20 =	sadd.s32 $0xEA00, s4;
	s15 =	sadd.s32 s12, s15  }
0x32: {  	s22 =	sadd.s32 s14, s19;
	s21 =	sadd.s32 s14, s20;
	[smem:$0x7DE] =	sst s15  }
0x33: {  	s15 =	sshrl.u32 s22, $0x3;
	s21 =	sshrl.u32 s21, $0x3;
	s22 =	sadd.s32 $0xFC00, s4  }
0x34: {  	s15 =	sadd.s32 s12, s15;
	s24 =	sadd.s32 s12, s21;
	s25 =	sadd.s32 s14, s22  }
0x35: {  	s21 =	sadd.s32 $0x10E00, s4;
	[smem:$0x7E0] =	sst s15;
	s15 =	sshrl.u32 s23, $0x3  }
0x36: {  	[smem:$0x7E2] =	sst s24;
	s26 =	sadd.s32 s14, s21;
	s21 =	sadd.s32 s21, s2  }
0x37: {  	s23 =	sadd.s32 $0x12000, s4;
	s15 =	sadd.s32 s12, s15;
	[smem:$0x7F7] =	sst s21  }
0x38: {  	s24 =	sadd.s32 s14, s23;
	[smem:$0x7E1] =	sst s15;
	s15 =	sshrl.u32 s25, $0x3  }
0x39: {  	s24 =	sshrl.u32 s24, $0x3;
	s25 =	sadd.s32 $0x13200, s4;
	s15 =	sadd.s32 s12, s15  }
0x3a: {  	s24 =	sadd.s32 s12, s24;
	[smem:$0x7E3] =	sst s15;
	s15 =	sshrl.u32 s26, $0x3  }
0x3b: {  	[smem:$0x7E5] =	sst s24;
	s26 =	sadd.s32 s14, s25;
	s15 =	sadd.s32 s12, s15  }
0x3c: {  	s7 =	simm.s32 $0xEA0;
	[smem:$0x7E4] =	sst s15;
	s15 =	sshrl.u32 s26, $0x3  }
0x3d: {  	s26 =	sadd.s32 $0x14400, s4;
	s4 =	sadd.s32 s4, s2;
	s15 =	sadd.s32 s12, s15  }
0x3e: {  	s24 =	sadd.s32 s14, s26;
	s14 =	sadd.s32 s14, s28;
	[smem:$0x7E9] =	sst s4  }
0x3f: {  	[smem:$0x7E6] =	sst s15;
	s15 =	sshrl.u32 s24, $0x3;
	s24 =	simm.s32 $0xC30  }
0x40: {  	s14 =	sshrl.u32 s14, $0x3;
	s15 =	sadd.s32 s12, s15;
	[dreg:$0x19] =	wrdreg s24  }
0x41: {  	s8 =	simm.s32 $0x750;
	s12 =	sadd.s32 s12, s14;
	[smem:$0x7E7] =	sst s15  }
0x42: {  	s9 =	simm.s32 $0xF08;
	s14 =	sadd.s32 s13, s2;
	[smem:$0x7E8] =	sst s12  }
0x43: {  	s10 =	simm.s32 $0x7B8;
	s12 =	sadd.s32 s11, s2;
	[smem:$0x7F1] =	sst s14  }
0x44: {  	s18 =	simm.s32 $0x3;
	s15 =	sadd.s32 s16, s2;
	[smem:$0x7F0] =	sst s12  }
0x45: {  	s21 =	simm.s32 $0x1040;
	s16 =	sadd.s32 s19, s2;
	[smem:$0x7F2] =	sst s15  }
0x46: {  	s4 =	simm.s32 $0x680;
	s19 =	sadd.s32 s20, s2;
	[smem:$0x7F3] =	sst s16  }
0x47: {  	s24 =	sadd.s32 $0x15200, s1;
	s20 =	sadd.s32 s22, s2;
	[smem:$0x7F5] =	sst s19  }
0x48: {  	s1 =	simm.s32 $0xDD0;
	s22 =	sadd.s32 s23, s2;
	[smem:$0x7F6] =	sst s20  }
0x49: {  	s23 =	sadd.s32 s25, s2;
	s25 =	sadd.s32 s26, s2;
	[smem:$0x7F8] =	sst s22  }
0x4a: {  	s26 =	sadd.s32 s28, s2;
	s28 =	simm.s32 $0x548;
	[smem:$0x7F9] =	sst s23  }
0x4b: {  	s11 =	simm.s32 $0xF70;
	s14 =	simm.s32 $0x0;
	[smem:$0x7FA] =	sst s25  }
0x4c: {  	[smem:$0x7FB] =	sst s26;
	s19 =	simm.s32 $0x820;
	s20 =	simm.s32 $0x64  }
0x4d: {  	s22 =	simm.s32 $0x4880;
	s23 =	simm.s32 $0x1;
	s16 =	simm.s32 $0x2  }
0x4e: {  	v0 =	vimm.f32 $0.0e+00;
	s25 =	simm.s32 $0x4E0;
	s26 =	simm.s32 $0xC98;
	s12 =	simm.s32 $0xFD8  }
.LBB2_1:
0x4f: {  	[smem:$0x7DA] =	sst s14;
	s14 =	simm.s32 $0x0;
	s15 =	simm.s32 $0x240  }
.LBB2_2:
0x50: {  	p0 =	sne.s32 s15, $0x45C0;
	[tilespmem:s14+$0x8140] =	vst v0  }
0x51: {  	[tilespmem:s14+$0x80C0] =	vst v0  }
0x52: {  	[tilespmem:s14+$0x80D0] =	vst v0  }
0x53: {  	[tilespmem:s14+$0x80E0] =	vst v0  }
.Ltmp0:
0x54: {  	[tilespmem:s14+$0x80F0] =	vst v0;
	(pc) =	sbr.rel @p0 .LBB2_2-.Ltmp0, $4  }
0x55: {  	[tilespmem:s14+$0x8100] =	vst v0  }
0x56: {  	[tilespmem:s14+$0x8110] =	vst v0  }
0x57: {  	[tilespmem:s14+$0x8120] =	vst v0  }
0x58: {  	[tilespmem:s14+$0x8130] =	vst v0;
	s14 =	sshra.s32 s15, $0x2;
	s15 =	sadd.s32 $0x240, s15  }
0x59: {  	[tilespmem:s14+$0x8140] =	vst v0  }
0x5a: {  	[tilespmem:s14+$0x80C0] =	vst v0  }
0x5b: {  	[tilespmem:s14+$0x80D0] =	vst v0  }
0x5c: {  	[tilespmem:s14+$0x80E0] =	vst v0  }
0x5d: {  	[tilespmem:s14+$0x80F0] =	vst v0  }
0x5e: {  	[tilespmem:s14+$0x8100] =	vst v0  }
0x5f: {  	[tilespmem:s14+$0x8110] =	vst v0;
	s13 =	sld [smem:$0x7E9]  }
0x60: {  	[tilespmem:s14+$0x8120] =	vst v0  }
0x61: {  	[tilespmem:s14+$0x8130] =	vst v0;
	s14 =	simm.s32 $0x80C0  }
0x62: {  	[spmem:s13] =	stream.linear.scatter [tilespmem:s14], [sflag:$0x3], $0x1200, $0x38;
	[tilespmem:$0x1FAC0] =	vst v63  }
0x63: {  	_ =	swait.ge [sflag:s18], $0x1200  }
0x64: {  	s15 =	sld [smem:$0x7EA]  }
0x65: {  	[sflag:s18] =	ssyncset.done $0x0  }
0x66: {  	[sflag:s18] =	ssyncadd.s32 $0xFFFFEE00  }
0x67: {  	[spmem:s15] =	stream.linear.scatter [tilespmem:s14], [sflag:$0x3], $0x1200, $0x38;
	[tilespmem:$0x1FAC0] =	vst v63  }
0x68: {  	_ =	swait.ge [sflag:s18], $0x1200  }
0x69: {  	s15 =	sld [smem:$0x7EB]  }
0x6a: {  	[sflag:s18] =	ssyncset.done $0x0  }
0x6b: {  	[sflag:s18] =	ssyncadd.s32 $0xFFFFEE00  }
0x6c: {  	[spmem:s15] =	stream.linear.scatter [tilespmem:s14], [sflag:$0x3], $0x1200, $0x38;
	[tilespmem:$0x1FAC0] =	vst v63  }
0x6d: {  	_ =	swait.ge [sflag:s18], $0x1200  }
0x6e: {  	s15 =	sld [smem:$0x7EC]  }
0x6f: {  	[sflag:s18] =	ssyncset.done $0x0  }
0x70: {  	[sflag:s18] =	ssyncadd.s32 $0xFFFFEE00  }
0x71: {  	[spmem:s15] =	stream.linear.scatter [tilespmem:s14], [sflag:$0x3], $0x1200, $0x38;
	[tilespmem:$0x1FAC0] =	vst v63  }
0x72: {  	_ =	swait.ge [sflag:s18], $0x1200  }
0x73: {  	s15 =	sld [smem:$0x7ED]  }
0x74: {  	[sflag:s18] =	ssyncset.done $0x0  }
0x75: {  	[sflag:s18] =	ssyncadd.s32 $0xFFFFEE00  }
0x76: {  	[spmem:s15] =	stream.linear.scatter [tilespmem:s14], [sflag:$0x3], $0x1200, $0x38;
	[tilespmem:$0x1FAC0] =	vst v63  }
0x77: {  	_ =	swait.ge [sflag:s18], $0x1200  }
0x78: {  	s15 =	sld [smem:$0x7EE]  }
0x79: {  	[sflag:s18] =	ssyncset.done $0x0  }
0x7a: {  	[sflag:s18] =	ssyncadd.s32 $0xFFFFEE00  }
0x7b: {  	[spmem:s15] =	stream.linear.scatter [tilespmem:s14], [sflag:$0x3], $0x1200, $0x38;
	[tilespmem:$0x1FAC0] =	vst v63  }
0x7c: {  	_ =	swait.ge [sflag:s18], $0x1200  }
0x7d: {  	s15 =	sld [smem:$0x7EF]  }
0x7e: {  	[sflag:s18] =	ssyncset.done $0x0  }
0x7f: {  	[sflag:s18] =	ssyncadd.s32 $0xFFFFEE00  }
0x80: {  	[spmem:s15] =	stream.linear.scatter [tilespmem:s14], [sflag:$0x3], $0x1200, $0x38;
	[tilespmem:$0x1FAC0] =	vst v63  }
0x81: {  	_ =	swait.ge [sflag:s18], $0x1200  }
0x82: {  	s15 =	sld [smem:$0x7F0]  }
0x83: {  	[sflag:s18] =	ssyncset.done $0x0  }
0x84: {  	[sflag:s18] =	ssyncadd.s32 $0xFFFFEE00  }
0x85: {  	[spmem:s15] =	stream.linear.scatter [tilespmem:s14], [sflag:$0x3], $0x1200, $0x38;
	[tilespmem:$0x1FAC0] =	vst v63  }
0x86: {  	_ =	swait.ge [sflag:s18], $0x1200  }
0x87: {  	s15 =	sld [smem:$0x7F1]  }
0x88: {  	[sflag:s18] =	ssyncset.done $0x0  }
0x89: {  	[sflag:s18] =	ssyncadd.s32 $0xFFFFEE00  }
0x8a: {  	[spmem:s15] =	stream.linear.scatter [tilespmem:s14], [sflag:$0x3], $0x1200, $0x38;
	[tilespmem:$0x1FAC0] =	vst v63  }
0x8b: {  	_ =	swait.ge [sflag:s18], $0x1200  }
0x8c: {  	s15 =	sld [smem:$0x7F2]  }
0x8d: {  	[sflag:s18] =	ssyncset.done $0x0  }
0x8e: {  	[sflag:s18] =	ssyncadd.s32 $0xFFFFEE00  }
0x8f: {  	[spmem:s15] =	stream.linear.scatter [tilespmem:s14], [sflag:$0x3], $0x1200, $0x38;
	[tilespmem:$0x1FAC0] =	vst v63  }
0x90: {  	_ =	swait.ge [sflag:s18], $0x1200  }
0x91: {  	[sflag:s18] =	ssyncset.done $0x0  }
0x92: {  	[sflag:s18] =	ssyncadd.s32 $0xFFFFEE00  }
0x93: {  	[spmem:s17] =	stream.linear.scatter [tilespmem:s14], [sflag:$0x3], $0x1200, $0x38;
	[tilespmem:$0x1FAC0] =	vst v63  }
0x94: {  	_ =	swait.ge [sflag:s18], $0x1200  }
0x95: {  	s17 =	sld [smem:$0x7F3]  }
0x96: {  	[sflag:s18] =	ssyncset.done $0x0  }
0x97: {  	[sflag:s18] =	ssyncadd.s32 $0xFFFFEE00  }
0x98: {  	[spmem:s17] =	stream.linear.scatter [tilespmem:s14], [sflag:$0x3], $0x1200, $0x38;
	[tilespmem:$0x1FAC0] =	vst v63  }
0x99: {  	_ =	swait.ge [sflag:s18], $0x1200  }
0x9a: {  	s15 =	sld [smem:$0x7F4]  }
0x9b: {  	[sflag:s18] =	ssyncset.done $0x0  }
0x9c: {  	[sflag:s18] =	ssyncadd.s32 $0xFFFFEE00  }
0x9d: {  	[spmem:s15] =	stream.linear.scatter [tilespmem:s14], [sflag:$0x3], $0x1200, $0x38;
	[tilespmem:$0x1FAC0] =	vst v63  }
0x9e: {  	_ =	swait.ge [sflag:s18], $0x1200  }
0x9f: {  	s17 =	sld [smem:$0x7F5]  }
0xa0: {  	[sflag:s18] =	ssyncset.done $0x0  }
0xa1: {  	[sflag:s18] =	ssyncadd.s32 $0xFFFFEE00  }
0xa2: {  	[spmem:s17] =	stream.linear.scatter [tilespmem:s14], [sflag:$0x3], $0x1200, $0x38;
	[tilespmem:$0x1FAC0] =	vst v63  }
0xa3: {  	_ =	swait.ge [sflag:s18], $0x1200  }
0xa4: {  	s15 =	sld [smem:$0x7F6]  }
0xa5: {  	[sflag:s18] =	ssyncset.done $0x0  }
0xa6: {  	[sflag:s18] =	ssyncadd.s32 $0xFFFFEE00  }
0xa7: {  	[spmem:s15] =	stream.linear.scatter [tilespmem:s14], [sflag:$0x3], $0x1200, $0x38;
	[tilespmem:$0x1FAC0] =	vst v63  }
0xa8: {  	_ =	swait.ge [sflag:s18], $0x1200  }
0xa9: {  	s17 =	sld [smem:$0x7F7]  }
0xaa: {  	[sflag:s18] =	ssyncset.done $0x0  }
0xab: {  	[sflag:s18] =	ssyncadd.s32 $0xFFFFEE00  }
0xac: {  	[spmem:s17] =	stream.linear.scatter [tilespmem:s14], [sflag:$0x3], $0x1200, $0x38;
	[tilespmem:$0x1FAC0] =	vst v63  }
0xad: {  	_ =	swait.ge [sflag:s18], $0x1200  }
0xae: {  	s15 =	sld [smem:$0x7F8]  }
0xaf: {  	[sflag:s18] =	ssyncset.done $0x0  }
0xb0: {  	[sflag:s18] =	ssyncadd.s32 $0xFFFFEE00  }
0xb1: {  	[spmem:s15] =	stream.linear.scatter [tilespmem:s14], [sflag:$0x3], $0x1200, $0x38;
	[tilespmem:$0x1FAC0] =	vst v63  }
0xb2: {  	_ =	swait.ge [sflag:s18], $0x1200  }
0xb3: {  	s17 =	sld [smem:$0x7F9]  }
0xb4: {  	[sflag:s18] =	ssyncset.done $0x0  }
0xb5: {  	[sflag:s18] =	ssyncadd.s32 $0xFFFFEE00  }
0xb6: {  	[spmem:s17] =	stream.linear.scatter [tilespmem:s14], [sflag:$0x3], $0x1200, $0x38;
	[tilespmem:$0x1FAC0] =	vst v63  }
0xb7: {  	_ =	swait.ge [sflag:s18], $0x1200  }
0xb8: {  	s15 =	sld [smem:$0x7FA]  }
0xb9: {  	[sflag:s18] =	ssyncset.done $0x0  }
0xba: {  	[sflag:s18] =	ssyncadd.s32 $0xFFFFEE00  }
0xbb: {  	[spmem:s15] =	stream.linear.scatter [tilespmem:s14], [sflag:$0x3], $0x1200, $0x38;
	[tilespmem:$0x1FAC0] =	vst v63  }
0xbc: {  	_ =	swait.ge [sflag:s18], $0x1200  }
0xbd: {  	s17 =	sld [smem:$0x7FB]  }
0xbe: {  	[sflag:s18] =	ssyncset.done $0x0  }
0xbf: {  	[sflag:s18] =	ssyncadd.s32 $0xFFFFEE00  }
0xc0: {  	[spmem:s17] =	stream.linear.scatter [tilespmem:s14], [sflag:$0x3], $0x1200, $0x38;
	[tilespmem:$0x1FAC0] =	vst v63  }
0xc1: {  	_ =	swait.ge [sflag:s18], $0x1200  }
0xc2: {  	[sflag:s18] =	ssyncset.done $0x0  }
0xc3: {  	[sflag:s18] =	ssyncadd.s32 $0xFFFFEE00  }
0xc4: {  	[bflag:$0x0] =	sbarrier.arrive $0xFFFF  }
0xc5: {  	s15 =	rddreg [dreg:$0x4]  }
0xc6: {  	s13 =	sadd.s32 $0x0, s15  }
0xc7: {  	[tilespmem:s3], [sflag:$0x3] =	stream.linear.gather [hbm4b:s13+s3], $0x820, $0x38;
	[tilespmem:$0x1FAC0] =	vst v63  }
0xc8: {  	_ =	swait.ge [sflag:s18], $0x820  }
0xc9: {  	s17 =	rddreg [dreg:$0x3];
	[sflag:s18] =	ssyncset.done $0x0  }
0xca: {  	[sflag:s18] =	ssyncadd.s32 $0xFFFFF7E0;
	s13 =	sadd.s32 $0x0, s17  }
0xcb: {  	[tilespmem:s19], [sflag:$0x3] =	stream.linear.gather [hbm4b:s13+s3], $0x820, $0x38;
	[tilespmem:$0x1FAC0] =	vst v63  }
0xcc: {  	_ =	swait.ge [sflag:s18], $0x820  }
0xcd: {  	[sflag:s18] =	ssyncset.done $0x0  }
0xce: {  	[sflag:s18] =	ssyncadd.s32 $0xFFFFF7E0  }
0xcf: {  	[tilespmem:s21], [sflag:$0x1] =	stream.indirect.gather [hbm4b:s24+s20], $0x90, s3, s20, $0xb8;
	[tilespmem:$0x1FAC0] =	vst v63  }
0xd0: {  	s14 =	rddreg [dreg:$0x5]  }
0xd1: {  	[tilespmem:s22], [sflag:$0x2] =	stream.indirect.gather [hbm4b:s24+s20], $0x90, s14, s20, $0xb8;
	[tilespmem:$0x1FAC0] =	vst v63  }
0xd2: {  	_ =	swait.ge [sflag:s23], $0x3840  }
0xd3: {  	[sflag:s23] =	ssyncset.done $0x0  }
0xd4: {  	[sflag:s23] =	ssyncadd.s32 $0xFFFFC7C0  }
0xd5: {  	[spmem:s2] =	stream.indirect.scatter.add.f32 [tilespmem:s21], [sflag:$0x3], $0x90, s19, s20, $0xb8;
	[tilespmem:$0x1FAC0] =	vst v63  }
0xd6: {  	_ =	swait.ge [sflag:s18], $0x3840  }
0xd7: {  	[sflag:s18] =	ssyncset.done $0x0  }
0xd8: {  	s15 =	rddreg [dreg:$0x6];
	[sflag:s18] =	ssyncadd.s32 $0xFFFFC7C0  }
0xd9: {  	[tilespmem:s21], [sflag:$0x1] =	stream.indirect.gather [hbm4b:s24+s20], $0x90, s15, s20, $0xb8;
	[tilespmem:$0x1FAC0] =	vst v63  }
0xda: {  	_ =	swait.ge [sflag:s16], $0x3840  }
0xdb: {  	[sflag:s16] =	ssyncset.done $0x0  }
0xdc: {  	s17 =	rddreg [dreg:$0x7];
	[sflag:s16] =	ssyncadd.s32 $0xFFFFC7C0  }
0xdd: {  	[spmem:s2] =	stream.indirect.scatter.add.f32 [tilespmem:s22], [sflag:$0x3], $0x90, s17, s20, $0xb8;
	[tilespmem:$0x1FAC0] =	vst v63  }
0xde: {  	_ =	swait.ge [sflag:s18], $0x3840  }
0xdf: {  	[sflag:s18] =	ssyncset.done $0x0  }
0xe0: {  	s14 =	rddreg [dreg:$0x8];
	[sflag:s18] =	ssyncadd.s32 $0xFFFFC7C0  }
0xe1: {  	[tilespmem:s22], [sflag:$0x2] =	stream.indirect.gather [hbm4b:s24+s20], $0x90, s14, s20, $0xb8;
	[tilespmem:$0x1FAC0] =	vst v63  }
0xe2: {  	_ =	swait.ge [sflag:s23], $0x3840  }
0xe3: {  	[sflag:s23] =	ssyncset.done $0x0  }
0xe4: {  	s15 =	rddreg [dreg:$0x9];
	[sflag:s23] =	ssyncadd.s32 $0xFFFFC7C0  }
0xe5: {  	[spmem:s2] =	stream.indirect.scatter.add.f32 [tilespmem:s21], [sflag:$0x3], $0x90, s15, s20, $0xb8;
	[tilespmem:$0x1FAC0] =	vst v63  }
0xe6: {  	_ =	swait.ge [sflag:s18], $0x3840  }
0xe7: {  	[sflag:s18] =	ssyncset.done $0x0  }
0xe8: {  	s17 =	rddreg [dreg:$0xa];
	[sflag:s18] =	ssyncadd.s32 $0xFFFFC7C0  }
0xe9: {  	[tilespmem:s21], [sflag:$0x1] =	stream.indirect.gather [hbm4b:s24+s20], $0x90, s17, s20, $0xb8;
	[tilespmem:$0x1FAC0] =	vst v63  }
0xea: {  	_ =	swait.ge [sflag:s16], $0x3840  }
0xeb: {  	[sflag:s16] =	ssyncset.done $0x0  }
0xec: {  	s14 =	rddreg [dreg:$0xb];
	[sflag:s16] =	ssyncadd.s32 $0xFFFFC7C0  }
0xed: {  	[spmem:s2] =	stream.indirect.scatter.add.f32 [tilespmem:s22], [sflag:$0x3], $0x90, s14, s20, $0xb8;
	[tilespmem:$0x1FAC0] =	vst v63  }
0xee: {  	_ =	swait.ge [sflag:s18], $0x3840  }
0xef: {  	[sflag:s18] =	ssyncset.done $0x0  }
0xf0: {  	s15 =	rddreg [dreg:$0xc];
	[sflag:s18] =	ssyncadd.s32 $0xFFFFC7C0  }
0xf1: {  	[tilespmem:s22], [sflag:$0x2] =	stream.indirect.gather [hbm4b:s24+s20], $0x90, s15, s20, $0xb8;
	[tilespmem:$0x1FAC0] =	vst v63  }
0xf2: {  	_ =	swait.ge [sflag:s23], $0x3840  }
0xf3: {  	[sflag:s23] =	ssyncset.done $0x0  }
0xf4: {  	s17 =	rddreg [dreg:$0xd];
	[sflag:s23] =	ssyncadd.s32 $0xFFFFC7C0  }
0xf5: {  	[spmem:s2] =	stream.indirect.scatter.add.f32 [tilespmem:s21], [sflag:$0x3], $0x90, s17, s20, $0xb8;
	[tilespmem:$0x1FAC0] =	vst v63  }
0xf6: {  	_ =	swait.ge [sflag:s18], $0x3840  }
0xf7: {  	[sflag:s18] =	ssyncset.done $0x0  }
0xf8: {  	s14 =	rddreg [dreg:$0xe];
	[sflag:s18] =	ssyncadd.s32 $0xFFFFC7C0  }
0xf9: {  	[tilespmem:s21], [sflag:$0x1] =	stream.indirect.gather [hbm4b:s24+s20], $0x90, s14, s20, $0xb8;
	[tilespmem:$0x1FAC0] =	vst v63  }
0xfa: {  	_ =	swait.ge [sflag:s16], $0x3840  }
0xfb: {  	[sflag:s16] =	ssyncset.done $0x0  }
0xfc: {  	s15 =	rddreg [dreg:$0xf];
	[sflag:s16] =	ssyncadd.s32 $0xFFFFC7C0  }
0xfd: {  	[spmem:s2] =	stream.indirect.scatter.add.f32 [tilespmem:s22], [sflag:$0x3], $0x90, s15, s20, $0xb8;
	[tilespmem:$0x1FAC0] =	vst v63  }
0xfe: {  	_ =	swait.ge [sflag:s18], $0x3840  }
0xff: {  	[sflag:s18] =	ssyncset.done $0x0  }
0x100: {  	s17 =	rddreg [dreg:$0x10];
	[sflag:s18] =	ssyncadd.s32 $0xFFFFC7C0  }
0x101: {  	[tilespmem:s22], [sflag:$0x2] =	stream.indirect.gather [hbm4b:s24+s20], $0x90, s17, s20, $0xb8;
	[tilespmem:$0x1FAC0] =	vst v63  }
0x102: {  	_ =	swait.ge [sflag:s23], $0x3840  }
0x103: {  	[sflag:s23] =	ssyncset.done $0x0  }
0x104: {  	s14 =	rddreg [dreg:$0x11];
	[sflag:s23] =	ssyncadd.s32 $0xFFFFC7C0  }
0x105: {  	[spmem:s2] =	stream.indirect.scatter.add.f32 [tilespmem:s21], [sflag:$0x3], $0x90, s14, s20, $0xb8;
	[tilespmem:$0x1FAC0] =	vst v63  }
0x106: {  	_ =	swait.ge [sflag:s18], $0x3840  }
0x107: {  	[sflag:s18] =	ssyncset.done $0x0  }
0x108: {  	s15 =	rddreg [dreg:$0x12];
	[sflag:s18] =	ssyncadd.s32 $0xFFFFC7C0  }
0x109: {  	[tilespmem:s21], [sflag:$0x1] =	stream.indirect.gather [hbm4b:s24+s20], $0x90, s15, s20, $0xb8;
	[tilespmem:$0x1FAC0] =	vst v63  }
0x10a: {  	_ =	swait.ge [sflag:s16], $0x3840  }
0x10b: {  	[sflag:s16] =	ssyncset.done $0x0  }
0x10c: {  	s17 =	rddreg [dreg:$0x13];
	[sflag:s16] =	ssyncadd.s32 $0xFFFFC7C0  }
0x10d: {  	[spmem:s2] =	stream.indirect.scatter.add.f32 [tilespmem:s22], [sflag:$0x3], $0x90, s17, s20, $0xb8;
	[tilespmem:$0x1FAC0] =	vst v63  }
0x10e: {  	_ =	swait.ge [sflag:s18], $0x3840  }
0x10f: {  	[sflag:s18] =	ssyncset.done $0x0  }
0x110: {  	s14 =	rddreg [dreg:$0x14];
	[sflag:s18] =	ssyncadd.s32 $0xFFFFC7C0  }
0x111: {  	[tilespmem:s22], [sflag:$0x2] =	stream.indirect.gather [hbm4b:s24+s20], $0x90, s14, s20, $0xb8;
	[tilespmem:$0x1FAC0] =	vst v63  }
0x112: {  	_ =	swait.ge [sflag:s23], $0x3840  }
0x113: {  	[sflag:s23] =	ssyncset.done $0x0  }
0x114: {  	s15 =	rddreg [dreg:$0x15];
	[sflag:s23] =	ssyncadd.s32 $0xFFFFC7C0  }
0x115: {  	[spmem:s2] =	stream.indirect.scatter.add.f32 [tilespmem:s21], [sflag:$0x3], $0x90, s15, s20, $0xb8;
	[tilespmem:$0x1FAC0] =	vst v63  }
0x116: {  	_ =	swait.ge [sflag:s18], $0x3840  }
0x117: {  	[sflag:s18] =	ssyncset.done $0x0  }
0x118: {  	s17 =	rddreg [dreg:$0x16];
	[sflag:s18] =	ssyncadd.s32 $0xFFFFC7C0  }
0x119: {  	[tilespmem:s21], [sflag:$0x1] =	stream.indirect.gather [hbm4b:s24+s20], $0x90, s17, s20, $0xb8;
	[tilespmem:$0x1FAC0] =	vst v63  }
0x11a: {  	_ =	swait.ge [sflag:s16], $0x3840  }
0x11b: {  	[sflag:s16] =	ssyncset.done $0x0  }
0x11c: {  	s14 =	rddreg [dreg:$0x17];
	[sflag:s16] =	ssyncadd.s32 $0xFFFFC7C0  }
0x11d: {  	[spmem:s2] =	stream.indirect.scatter.add.f32 [tilespmem:s22], [sflag:$0x3], $0x90, s14, s20, $0xb8;
	[tilespmem:$0x1FAC0] =	vst v63  }
0x11e: {  	_ =	swait.ge [sflag:s18], $0x3840  }
0x11f: {  	[sflag:s18] =	ssyncset.done $0x0  }
0x120: {  	s15 =	rddreg [dreg:$0x18];
	[sflag:s18] =	ssyncadd.s32 $0xFFFFC7C0  }
0x121: {  	[tilespmem:s22], [sflag:$0x2] =	stream.indirect.gather [hbm4b:s24+s20], $0x90, s15, s20, $0xb8;
	[tilespmem:$0x1FAC0] =	vst v63  }
0x122: {  	_ =	swait.ge [sflag:s23], $0x3840  }
0x123: {  	[sflag:s23] =	ssyncset.done $0x0  }
0x124: {  	s17 =	rddreg [dreg:$0x19];
	[sflag:s23] =	ssyncadd.s32 $0xFFFFC7C0  }
0x125: {  	[spmem:s2] =	stream.indirect.scatter.add.f32 [tilespmem:s21], [sflag:$0x3], $0x90, s17, s20, $0xb8;
	[tilespmem:$0x1FAC0] =	vst v63  }
0x126: {  	_ =	swait.ge [sflag:s18], $0x3840  }
0x127: {  	[sflag:s18] =	ssyncset.done $0x0  }
0x128: {  	[sflag:s18] =	ssyncadd.s32 $0xFFFFC7C0  }
0x129: {  	[tilespmem:s21], [sflag:$0x1] =	stream.indirect.gather [hbm4b:s24+s20], $0x90, s25, s20, $0xb8;
	[tilespmem:$0x1FAC0] =	vst v63  }
0x12a: {  	_ =	swait.ge [sflag:s16], $0x3840  }
0x12b: {  	[sflag:s16] =	ssyncset.done $0x0  }
0x12c: {  	[sflag:s16] =	ssyncadd.s32 $0xFFFFC7C0  }
0x12d: {  	[spmem:s2] =	stream.indirect.scatter.add.f32 [tilespmem:s22], [sflag:$0x3], $0x90, s26, s20, $0xb8;
	[tilespmem:$0x1FAC0] =	vst v63  }
0x12e: {  	_ =	swait.ge [sflag:s18], $0x3840  }
0x12f: {  	[sflag:s18] =	ssyncset.done $0x0  }
0x130: {  	[sflag:s18] =	ssyncadd.s32 $0xFFFFC7C0  }
0x131: {  	[tilespmem:s22], [sflag:$0x2] =	stream.indirect.gather [hbm4b:s24+s20], $0x90, s28, s20, $0xb8;
	[tilespmem:$0x1FAC0] =	vst v63  }
0x132: {  	_ =	swait.ge [sflag:s23], $0x3840  }
0x133: {  	[sflag:s23] =	ssyncset.done $0x0  }
0x134: {  	[sflag:s23] =	ssyncadd.s32 $0xFFFFC7C0  }
0x135: {  	[spmem:s2] =	stream.indirect.scatter.add.f32 [tilespmem:s21], [sflag:$0x3], $0x90, s29, s20, $0xb8;
	[tilespmem:$0x1FAC0] =	vst v63  }
0x136: {  	_ =	swait.ge [sflag:s18], $0x3840  }
0x137: {  	[sflag:s18] =	ssyncset.done $0x0  }
0x138: {  	[sflag:s18] =	ssyncadd.s32 $0xFFFFC7C0  }
0x139: {  	[tilespmem:s21], [sflag:$0x1] =	stream.indirect.gather [hbm4b:s24+s20], $0x90, s30, s20, $0xb8;
	[tilespmem:$0x1FAC0] =	vst v63  }
0x13a: {  	_ =	swait.ge [sflag:s16], $0x3840  }
0x13b: {  	[sflag:s16] =	ssyncset.done $0x0  }
0x13c: {  	[sflag:s16] =	ssyncadd.s32 $0xFFFFC7C0  }
0x13d: {  	[spmem:s2] =	stream.indirect.scatter.add.f32 [tilespmem:s22], [sflag:$0x3], $0x90, s31, s20, $0xb8;
	[tilespmem:$0x1FAC0] =	vst v63  }
0x13e: {  	_ =	swait.ge [sflag:s18], $0x3840  }
0x13f: {  	[sflag:s18] =	ssyncset.done $0x0  }
0x140: {  	[sflag:s18] =	ssyncadd.s32 $0xFFFFC7C0  }
0x141: {  	[tilespmem:s22], [sflag:$0x2] =	stream.indirect.gather [hbm4b:s24+s20], $0x90, s0, s20, $0xb8;
	[tilespmem:$0x1FAC0] =	vst v63  }
0x142: {  	_ =	swait.ge [sflag:s23], $0x3840  }
0x143: {  	[sflag:s23] =	ssyncset.done $0x0  }
0x144: {  	[sflag:s23] =	ssyncadd.s32 $0xFFFFC7C0  }
0x145: {  	[spmem:s2] =	stream.indirect.scatter.add.f32 [tilespmem:s21], [sflag:$0x3], $0x90, s1, s20, $0xb8;
	[tilespmem:$0x1FAC0] =	vst v63  }
0x146: {  	_ =	swait.ge [sflag:s18], $0x3840  }
0x147: {  	[sflag:s18] =	ssyncset.done $0x0  }
0x148: {  	[sflag:s18] =	ssyncadd.s32 $0xFFFFC7C0  }
0x149: {  	[tilespmem:s21], [sflag:$0x1] =	stream.indirect.gather [hbm4b:s24+s20], $0x90, s4, s20, $0xb8;
	[tilespmem:$0x1FAC0] =	vst v63  }
0x14a: {  	_ =	swait.ge [sflag:s16], $0x3840  }
0x14b: {  	[sflag:s16] =	ssyncset.done $0x0  }
0x14c: {  	[sflag:s16] =	ssyncadd.s32 $0xFFFFC7C0  }
0x14d: {  	[spmem:s2] =	stream.indirect.scatter.add.f32 [tilespmem:s22], [sflag:$0x3], $0x90, s5, s20, $0xb8;
	[tilespmem:$0x1FAC0] =	vst v63  }
0x14e: {  	_ =	swait.ge [sflag:s18], $0x3840  }
0x14f: {  	[sflag:s18] =	ssyncset.done $0x0  }
0x150: {  	[sflag:s18] =	ssyncadd.s32 $0xFFFFC7C0  }
0x151: {  	[tilespmem:s22], [sflag:$0x2] =	stream.indirect.gather [hbm4b:s24+s20], $0x90, s6, s20, $0xb8;
	[tilespmem:$0x1FAC0] =	vst v63  }
0x152: {  	_ =	swait.ge [sflag:s23], $0x3840  }
0x153: {  	[sflag:s23] =	ssyncset.done $0x0  }
0x154: {  	[sflag:s23] =	ssyncadd.s32 $0xFFFFC7C0  }
0x155: {  	[spmem:s2] =	stream.indirect.scatter.add.f32 [tilespmem:s21], [sflag:$0x3], $0x90, s7, s20, $0xb8;
	[tilespmem:$0x1FAC0] =	vst v63  }
0x156: {  	_ =	swait.ge [sflag:s18], $0x3840  }
0x157: {  	[sflag:s18] =	ssyncset.done $0x0  }
0x158: {  	[sflag:s18] =	ssyncadd.s32 $0xFFFFC7C0  }
0x159: {  	[tilespmem:s21], [sflag:$0x1] =	stream.indirect.gather [hbm4b:s24+s20], $0x90, s8, s20, $0xb8;
	[tilespmem:$0x1FAC0] =	vst v63  }
0x15a: {  	_ =	swait.ge [sflag:s16], $0x3840  }
0x15b: {  	[sflag:s16] =	ssyncset.done $0x0  }
0x15c: {  	[sflag:s16] =	ssyncadd.s32 $0xFFFFC7C0  }
0x15d: {  	[spmem:s2] =	stream.indirect.scatter.add.f32 [tilespmem:s22], [sflag:$0x3], $0x90, s9, s20, $0xb8;
	[tilespmem:$0x1FAC0] =	vst v63  }
0x15e: {  	_ =	swait.ge [sflag:s18], $0x3840  }
0x15f: {  	[sflag:s18] =	ssyncset.done $0x0  }
0x160: {  	[sflag:s18] =	ssyncadd.s32 $0xFFFFC7C0  }
0x161: {  	[tilespmem:s22], [sflag:$0x2] =	stream.indirect.gather [hbm4b:s24+s20], $0x90, s10, s20, $0xb8;
	[tilespmem:$0x1FAC0] =	vst v63  }
0x162: {  	_ =	swait.ge [sflag:s23], $0x3840  }
0x163: {  	[sflag:s23] =	ssyncset.done $0x0  }
0x164: {  	[sflag:s23] =	ssyncadd.s32 $0xFFFFC7C0  }
0x165: {  	[spmem:s2] =	stream.indirect.scatter.add.f32 [tilespmem:s21], [sflag:$0x3], $0x90, s11, s20, $0xb8;
	[tilespmem:$0x1FAC0] =	vst v63  }
0x166: {  	_ =	swait.ge [sflag:s18], $0x3840  }
0x167: {  	[sflag:s18] =	ssyncset.done $0x0  }
0x168: {  	[sflag:s18] =	ssyncadd.s32 $0xFFFFC7C0  }
0x169: {  	_ =	swait.ge [sflag:s16], $0x3840  }
0x16a: {  	[sflag:s16] =	ssyncset.done $0x0  }
0x16b: {  	[sflag:s16] =	ssyncadd.s32 $0xFFFFC7C0  }
0x16c: {  	[spmem:s2] =	stream.indirect.scatter.add.f32 [tilespmem:s22], [sflag:$0x3], $0x90, s12, s20, $0xb8;
	[tilespmem:$0x1FAC0] =	vst v63  }
0x16d: {  	s14 =	simm.s32 $0x104;
	_ =	swait.ge [sflag:s18], $0x3840  }
0x16e: {  	s15 =	simm.s32 $0x208;
	s13 =	rddreg [dreg:$0x4];
	[sflag:s18] =	ssyncset.done $0x0  }
.LBB2_4:
0x16f: {  	[sflag:s18] =	ssyncadd.s32 $0xFFFFC7C0;
	s13 =	sadd.s32 s14, s13  }
0x170: {  	[tilespmem:s3], [sflag:$0x3] =	stream.linear.gather [hbm4b:s13+s3], $0x820, $0x38;
	[tilespmem:$0x1FAC0] =	vst v63  }
0x171: {  	_ =	swait.ge [sflag:s18], $0x820  }
0x172: {  	s13 =	rddreg [dreg:$0x3];
	[sflag:s18] =	ssyncset.done $0x0  }
0x173: {  	[sflag:s18] =	ssyncadd.s32 $0xFFFFF7E0;
	s13 =	sadd.s32 s14, s13  }
0x174: {  	[tilespmem:s19], [sflag:$0x3] =	stream.linear.gather [hbm4b:s13+s3], $0x820, $0x38;
	[tilespmem:$0x1FAC0] =	vst v63  }
0x175: {  	_ =	swait.ge [sflag:s18], $0x820  }
0x176: {  	[sflag:s18] =	ssyncset.done $0x0  }
0x177: {  	s17 =	smov.u32 s15;
	[sflag:s18] =	ssyncadd.s32 $0xFFFFF7E0  }
0x178: {  	[tilespmem:s21], [sflag:$0x1] =	stream.indirect.gather [hbm4b:s24+s20], $0x90, s3, s20, $0xb8;
	[tilespmem:$0x1FAC0] =	vst v63  }
0x179: {  	s14 =	smov.u32 s17;
	s17 =	rddreg [dreg:$0x5]  }
0x17a: {  	[tilespmem:s22], [sflag:$0x2] =	stream.indirect.gather [hbm4b:s24+s20], $0x90, s17, s20, $0xb8;
	[tilespmem:$0x1FAC0] =	vst v63  }
0x17b: {  	_ =	swait.ge [sflag:s23], $0x3840  }
0x17c: {  	[sflag:s23] =	ssyncset.done $0x0  }
0x17d: {  	[sflag:s23] =	ssyncadd.s32 $0xFFFFC7C0  }
0x17e: {  	[spmem:s2] =	stream.indirect.scatter.add.f32 [tilespmem:s21], [sflag:$0x3], $0x90, s19, s20, $0xb8;
	[tilespmem:$0x1FAC0] =	vst v63  }
0x17f: {  	_ =	swait.ge [sflag:s18], $0x3840  }
0x180: {  	[sflag:s18] =	ssyncset.done $0x0  }
0x181: {  	s17 =	rddreg [dreg:$0x6];
	[sflag:s18] =	ssyncadd.s32 $0xFFFFC7C0  }
0x182: {  	[tilespmem:s21], [sflag:$0x1] =	stream.indirect.gather [hbm4b:s24+s20], $0x90, s17, s20, $0xb8;
	[tilespmem:$0x1FAC0] =	vst v63  }
0x183: {  	_ =	swait.ge [sflag:s16], $0x3840  }
0x184: {  	[sflag:s16] =	ssyncset.done $0x0  }
0x185: {  	s17 =	rddreg [dreg:$0x7];
	[sflag:s16] =	ssyncadd.s32 $0xFFFFC7C0  }
0x186: {  	[spmem:s2] =	stream.indirect.scatter.add.f32 [tilespmem:s22], [sflag:$0x3], $0x90, s17, s20, $0xb8;
	[tilespmem:$0x1FAC0] =	vst v63  }
0x187: {  	_ =	swait.ge [sflag:s18], $0x3840  }
0x188: {  	[sflag:s18] =	ssyncset.done $0x0  }
0x189: {  	s17 =	rddreg [dreg:$0x8];
	[sflag:s18] =	ssyncadd.s32 $0xFFFFC7C0  }
0x18a: {  	[tilespmem:s22], [sflag:$0x2] =	stream.indirect.gather [hbm4b:s24+s20], $0x90, s17, s20, $0xb8;
	[tilespmem:$0x1FAC0] =	vst v63  }
0x18b: {  	_ =	swait.ge [sflag:s23], $0x3840  }
0x18c: {  	[sflag:s23] =	ssyncset.done $0x0  }
0x18d: {  	s17 =	rddreg [dreg:$0x9];
	[sflag:s23] =	ssyncadd.s32 $0xFFFFC7C0  }
0x18e: {  	[spmem:s2] =	stream.indirect.scatter.add.f32 [tilespmem:s21], [sflag:$0x3], $0x90, s17, s20, $0xb8;
	[tilespmem:$0x1FAC0] =	vst v63  }
0x18f: {  	_ =	swait.ge [sflag:s18], $0x3840  }
0x190: {  	[sflag:s18] =	ssyncset.done $0x0  }
0x191: {  	s17 =	rddreg [dreg:$0xa];
	[sflag:s18] =	ssyncadd.s32 $0xFFFFC7C0  }
0x192: {  	[tilespmem:s21], [sflag:$0x1] =	stream.indirect.gather [hbm4b:s24+s20], $0x90, s17, s20, $0xb8;
	[tilespmem:$0x1FAC0] =	vst v63  }
0x193: {  	_ =	swait.ge [sflag:s16], $0x3840  }
0x194: {  	[sflag:s16] =	ssyncset.done $0x0  }
0x195: {  	s17 =	rddreg [dreg:$0xb];
	[sflag:s16] =	ssyncadd.s32 $0xFFFFC7C0  }
0x196: {  	[spmem:s2] =	stream.indirect.scatter.add.f32 [tilespmem:s22], [sflag:$0x3], $0x90, s17, s20, $0xb8;
	[tilespmem:$0x1FAC0] =	vst v63  }
0x197: {  	_ =	swait.ge [sflag:s18], $0x3840  }
0x198: {  	[sflag:s18] =	ssyncset.done $0x0  }
0x199: {  	s17 =	rddreg [dreg:$0xc];
	[sflag:s18] =	ssyncadd.s32 $0xFFFFC7C0  }
0x19a: {  	[tilespmem:s22], [sflag:$0x2] =	stream.indirect.gather [hbm4b:s24+s20], $0x90, s17, s20, $0xb8;
	[tilespmem:$0x1FAC0] =	vst v63  }
0x19b: {  	_ =	swait.ge [sflag:s23], $0x3840  }
0x19c: {  	[sflag:s23] =	ssyncset.done $0x0  }
0x19d: {  	s17 =	rddreg [dreg:$0xd];
	[sflag:s23] =	ssyncadd.s32 $0xFFFFC7C0  }
0x19e: {  	[spmem:s2] =	stream.indirect.scatter.add.f32 [tilespmem:s21], [sflag:$0x3], $0x90, s17, s20, $0xb8;
	[tilespmem:$0x1FAC0] =	vst v63  }
0x19f: {  	_ =	swait.ge [sflag:s18], $0x3840  }
0x1a0: {  	[sflag:s18] =	ssyncset.done $0x0  }
0x1a1: {  	s17 =	rddreg [dreg:$0xe];
	[sflag:s18] =	ssyncadd.s32 $0xFFFFC7C0  }
0x1a2: {  	[tilespmem:s21], [sflag:$0x1] =	stream.indirect.gather [hbm4b:s24+s20], $0x90, s17, s20, $0xb8;
	[tilespmem:$0x1FAC0] =	vst v63  }
0x1a3: {  	_ =	swait.ge [sflag:s16], $0x3840  }
0x1a4: {  	[sflag:s16] =	ssyncset.done $0x0  }
0x1a5: {  	s17 =	rddreg [dreg:$0xf];
	[sflag:s16] =	ssyncadd.s32 $0xFFFFC7C0  }
0x1a6: {  	[spmem:s2] =	stream.indirect.scatter.add.f32 [tilespmem:s22], [sflag:$0x3], $0x90, s17, s20, $0xb8;
	[tilespmem:$0x1FAC0] =	vst v63  }
0x1a7: {  	_ =	swait.ge [sflag:s18], $0x3840  }
0x1a8: {  	[sflag:s18] =	ssyncset.done $0x0  }
0x1a9: {  	s17 =	rddreg [dreg:$0x10];
	[sflag:s18] =	ssyncadd.s32 $0xFFFFC7C0  }
0x1aa: {  	[tilespmem:s22], [sflag:$0x2] =	stream.indirect.gather [hbm4b:s24+s20], $0x90, s17, s20, $0xb8;
	[tilespmem:$0x1FAC0] =	vst v63  }
0x1ab: {  	_ =	swait.ge [sflag:s23], $0x3840  }
0x1ac: {  	[sflag:s23] =	ssyncset.done $0x0  }
0x1ad: {  	s17 =	rddreg [dreg:$0x11];
	[sflag:s23] =	ssyncadd.s32 $0xFFFFC7C0  }
0x1ae: {  	[spmem:s2] =	stream.indirect.scatter.add.f32 [tilespmem:s21], [sflag:$0x3], $0x90, s17, s20, $0xb8;
	[tilespmem:$0x1FAC0] =	vst v63  }
0x1af: {  	_ =	swait.ge [sflag:s18], $0x3840  }
0x1b0: {  	[sflag:s18] =	ssyncset.done $0x0  }
0x1b1: {  	s17 =	rddreg [dreg:$0x12];
	[sflag:s18] =	ssyncadd.s32 $0xFFFFC7C0  }
0x1b2: {  	[tilespmem:s21], [sflag:$0x1] =	stream.indirect.gather [hbm4b:s24+s20], $0x90, s17, s20, $0xb8;
	[tilespmem:$0x1FAC0] =	vst v63  }
0x1b3: {  	_ =	swait.ge [sflag:s16], $0x3840  }
0x1b4: {  	[sflag:s16] =	ssyncset.done $0x0  }
0x1b5: {  	s17 =	rddreg [dreg:$0x13];
	[sflag:s16] =	ssyncadd.s32 $0xFFFFC7C0  }
0x1b6: {  	[spmem:s2] =	stream.indirect.scatter.add.f32 [tilespmem:s22], [sflag:$0x3], $0x90, s17, s20, $0xb8;
	[tilespmem:$0x1FAC0] =	vst v63  }
0x1b7: {  	_ =	swait.ge [sflag:s18], $0x3840  }
0x1b8: {  	[sflag:s18] =	ssyncset.done $0x0  }
0x1b9: {  	s17 =	rddreg [dreg:$0x14];
	[sflag:s18] =	ssyncadd.s32 $0xFFFFC7C0  }
0x1ba: {  	[tilespmem:s22], [sflag:$0x2] =	stream.indirect.gather [hbm4b:s24+s20], $0x90, s17, s20, $0xb8;
	[tilespmem:$0x1FAC0] =	vst v63  }
0x1bb: {  	_ =	swait.ge [sflag:s23], $0x3840  }
0x1bc: {  	[sflag:s23] =	ssyncset.done $0x0  }
0x1bd: {  	s17 =	rddreg [dreg:$0x15];
	[sflag:s23] =	ssyncadd.s32 $0xFFFFC7C0  }
0x1be: {  	[spmem:s2] =	stream.indirect.scatter.add.f32 [tilespmem:s21], [sflag:$0x3], $0x90, s17, s20, $0xb8;
	[tilespmem:$0x1FAC0] =	vst v63  }
0x1bf: {  	_ =	swait.ge [sflag:s18], $0x3840  }
0x1c0: {  	[sflag:s18] =	ssyncset.done $0x0  }
0x1c1: {  	s17 =	rddreg [dreg:$0x16];
	[sflag:s18] =	ssyncadd.s32 $0xFFFFC7C0  }
0x1c2: {  	[tilespmem:s21], [sflag:$0x1] =	stream.indirect.gather [hbm4b:s24+s20], $0x90, s17, s20, $0xb8;
	[tilespmem:$0x1FAC0] =	vst v63  }
0x1c3: {  	_ =	swait.ge [sflag:s16], $0x3840  }
0x1c4: {  	[sflag:s16] =	ssyncset.done $0x0  }
0x1c5: {  	s17 =	rddreg [dreg:$0x17];
	[sflag:s16] =	ssyncadd.s32 $0xFFFFC7C0  }
0x1c6: {  	[spmem:s2] =	stream.indirect.scatter.add.f32 [tilespmem:s22], [sflag:$0x3], $0x90, s17, s20, $0xb8;
	[tilespmem:$0x1FAC0] =	vst v63  }
0x1c7: {  	_ =	swait.ge [sflag:s18], $0x3840  }
0x1c8: {  	[sflag:s18] =	ssyncset.done $0x0  }
0x1c9: {  	s17 =	rddreg [dreg:$0x18];
	[sflag:s18] =	ssyncadd.s32 $0xFFFFC7C0  }
0x1ca: {  	[tilespmem:s22], [sflag:$0x2] =	stream.indirect.gather [hbm4b:s24+s20], $0x90, s17, s20, $0xb8;
	[tilespmem:$0x1FAC0] =	vst v63  }
0x1cb: {  	_ =	swait.ge [sflag:s23], $0x3840  }
0x1cc: {  	[sflag:s23] =	ssyncset.done $0x0  }
0x1cd: {  	s17 =	rddreg [dreg:$0x19];
	[sflag:s23] =	ssyncadd.s32 $0xFFFFC7C0  }
0x1ce: {  	[spmem:s2] =	stream.indirect.scatter.add.f32 [tilespmem:s21], [sflag:$0x3], $0x90, s17, s20, $0xb8;
	[tilespmem:$0x1FAC0] =	vst v63  }
0x1cf: {  	_ =	swait.ge [sflag:s18], $0x3840  }
0x1d0: {  	[sflag:s18] =	ssyncset.done $0x0  }
0x1d1: {  	[sflag:s18] =	ssyncadd.s32 $0xFFFFC7C0  }
0x1d2: {  	[tilespmem:s21], [sflag:$0x1] =	stream.indirect.gather [hbm4b:s24+s20], $0x90, s25, s20, $0xb8;
	[tilespmem:$0x1FAC0] =	vst v63  }
0x1d3: {  	_ =	swait.ge [sflag:s16], $0x3840  }
0x1d4: {  	[sflag:s16] =	ssyncset.done $0x0  }
0x1d5: {  	[sflag:s16] =	ssyncadd.s32 $0xFFFFC7C0  }
0x1d6: {  	[spmem:s2] =	stream.indirect.scatter.add.f32 [tilespmem:s22], [sflag:$0x3], $0x90, s26, s20, $0xb8;
	[tilespmem:$0x1FAC0] =	vst v63  }
0x1d7: {  	_ =	swait.ge [sflag:s18], $0x3840  }
0x1d8: {  	[sflag:s18] =	ssyncset.done $0x0  }
0x1d9: {  	[sflag:s18] =	ssyncadd.s32 $0xFFFFC7C0  }
0x1da: {  	[tilespmem:s22], [sflag:$0x2] =	stream.indirect.gather [hbm4b:s24+s20], $0x90, s28, s20, $0xb8;
	[tilespmem:$0x1FAC0] =	vst v63  }
0x1db: {  	_ =	swait.ge [sflag:s23], $0x3840  }
0x1dc: {  	[sflag:s23] =	ssyncset.done $0x0  }
0x1dd: {  	[sflag:s23] =	ssyncadd.s32 $0xFFFFC7C0  }
0x1de: {  	[spmem:s2] =	stream.indirect.scatter.add.f32 [tilespmem:s21], [sflag:$0x3], $0x90, s29, s20, $0xb8;
	[tilespmem:$0x1FAC0] =	vst v63  }
0x1df: {  	_ =	swait.ge [sflag:s18], $0x3840  }
0x1e0: {  	[sflag:s18] =	ssyncset.done $0x0  }
0x1e1: {  	[sflag:s18] =	ssyncadd.s32 $0xFFFFC7C0  }
0x1e2: {  	[tilespmem:s21], [sflag:$0x1] =	stream.indirect.gather [hbm4b:s24+s20], $0x90, s30, s20, $0xb8;
	[tilespmem:$0x1FAC0] =	vst v63  }
0x1e3: {  	_ =	swait.ge [sflag:s16], $0x3840  }
0x1e4: {  	[sflag:s16] =	ssyncset.done $0x0  }
0x1e5: {  	[sflag:s16] =	ssyncadd.s32 $0xFFFFC7C0  }
0x1e6: {  	[spmem:s2] =	stream.indirect.scatter.add.f32 [tilespmem:s22], [sflag:$0x3], $0x90, s31, s20, $0xb8;
	[tilespmem:$0x1FAC0] =	vst v63  }
0x1e7: {  	_ =	swait.ge [sflag:s18], $0x3840  }
0x1e8: {  	[sflag:s18] =	ssyncset.done $0x0  }
0x1e9: {  	[sflag:s18] =	ssyncadd.s32 $0xFFFFC7C0  }
0x1ea: {  	[tilespmem:s22], [sflag:$0x2] =	stream.indirect.gather [hbm4b:s24+s20], $0x90, s0, s20, $0xb8;
	[tilespmem:$0x1FAC0] =	vst v63  }
0x1eb: {  	_ =	swait.ge [sflag:s23], $0x3840  }
0x1ec: {  	[sflag:s23] =	ssyncset.done $0x0  }
0x1ed: {  	[sflag:s23] =	ssyncadd.s32 $0xFFFFC7C0  }
0x1ee: {  	[spmem:s2] =	stream.indirect.scatter.add.f32 [tilespmem:s21], [sflag:$0x3], $0x90, s1, s20, $0xb8;
	[tilespmem:$0x1FAC0] =	vst v63  }
0x1ef: {  	_ =	swait.ge [sflag:s18], $0x3840  }
0x1f0: {  	[sflag:s18] =	ssyncset.done $0x0  }
0x1f1: {  	[sflag:s18] =	ssyncadd.s32 $0xFFFFC7C0  }
0x1f2: {  	[tilespmem:s21], [sflag:$0x1] =	stream.indirect.gather [hbm4b:s24+s20], $0x90, s4, s20, $0xb8;
	[tilespmem:$0x1FAC0] =	vst v63  }
0x1f3: {  	_ =	swait.ge [sflag:s16], $0x3840  }
0x1f4: {  	[sflag:s16] =	ssyncset.done $0x0  }
0x1f5: {  	[sflag:s16] =	ssyncadd.s32 $0xFFFFC7C0  }
0x1f6: {  	[spmem:s2] =	stream.indirect.scatter.add.f32 [tilespmem:s22], [sflag:$0x3], $0x90, s5, s20, $0xb8;
	[tilespmem:$0x1FAC0] =	vst v63  }
0x1f7: {  	_ =	swait.ge [sflag:s18], $0x3840  }
0x1f8: {  	[sflag:s18] =	ssyncset.done $0x0  }
0x1f9: {  	[sflag:s18] =	ssyncadd.s32 $0xFFFFC7C0  }
0x1fa: {  	[tilespmem:s22], [sflag:$0x2] =	stream.indirect.gather [hbm4b:s24+s20], $0x90, s6, s20, $0xb8;
	[tilespmem:$0x1FAC0] =	vst v63  }
0x1fb: {  	_ =	swait.ge [sflag:s23], $0x3840  }
0x1fc: {  	[sflag:s23] =	ssyncset.done $0x0  }
0x1fd: {  	[sflag:s23] =	ssyncadd.s32 $0xFFFFC7C0  }
0x1fe: {  	[spmem:s2] =	stream.indirect.scatter.add.f32 [tilespmem:s21], [sflag:$0x3], $0x90, s7, s20, $0xb8;
	[tilespmem:$0x1FAC0] =	vst v63  }
0x1ff: {  	_ =	swait.ge [sflag:s18], $0x3840  }
0x200: {  	[sflag:s18] =	ssyncset.done $0x0  }
0x201: {  	[sflag:s18] =	ssyncadd.s32 $0xFFFFC7C0  }
0x202: {  	[tilespmem:s21], [sflag:$0x1] =	stream.indirect.gather [hbm4b:s24+s20], $0x90, s8, s20, $0xb8;
	[tilespmem:$0x1FAC0] =	vst v63  }
0x203: {  	_ =	swait.ge [sflag:s16], $0x3840  }
0x204: {  	[sflag:s16] =	ssyncset.done $0x0  }
0x205: {  	[sflag:s16] =	ssyncadd.s32 $0xFFFFC7C0  }
0x206: {  	[spmem:s2] =	stream.indirect.scatter.add.f32 [tilespmem:s22], [sflag:$0x3], $0x90, s9, s20, $0xb8;
	[tilespmem:$0x1FAC0] =	vst v63  }
0x207: {  	_ =	swait.ge [sflag:s18], $0x3840  }
0x208: {  	[sflag:s18] =	ssyncset.done $0x0  }
0x209: {  	[sflag:s18] =	ssyncadd.s32 $0xFFFFC7C0  }
0x20a: {  	[tilespmem:s22], [sflag:$0x2] =	stream.indirect.gather [hbm4b:s24+s20], $0x90, s10, s20, $0xb8;
	[tilespmem:$0x1FAC0] =	vst v63  }
0x20b: {  	_ =	swait.ge [sflag:s23], $0x3840  }
0x20c: {  	[sflag:s23] =	ssyncset.done $0x0  }
0x20d: {  	[sflag:s23] =	ssyncadd.s32 $0xFFFFC7C0  }
0x20e: {  	[spmem:s2] =	stream.indirect.scatter.add.f32 [tilespmem:s21], [sflag:$0x3], $0x90, s11, s20, $0xb8;
	[tilespmem:$0x1FAC0] =	vst v63  }
0x20f: {  	_ =	swait.ge [sflag:s18], $0x3840  }
0x210: {  	[sflag:s18] =	ssyncset.done $0x0  }
0x211: {  	[sflag:s18] =	ssyncadd.s32 $0xFFFFC7C0  }
0x212: {  	p0 =	sne.s32 s15, $0x410;
	_ =	swait.ge [sflag:s16], $0x3840  }
.Ltmp1:
0x213: {  	[sflag:s16] =	ssyncset.done $0x0;
	(pc) =	sbr.rel @p0 .LBB2_4-.Ltmp1, $4  }
0x214: {  	[sflag:s16] =	ssyncadd.s32 $0xFFFFC7C0  }
0x215: {  	[spmem:s2] =	stream.indirect.scatter.add.f32 [tilespmem:s22], [sflag:$0x3], $0x90, s12, s20, $0xb8;
	[tilespmem:$0x1FAC0] =	vst v63  }
0x216: {  	_ =	swait.ge [sflag:s18], $0x3840  }
0x217: {  	s15 =	sadd.s32 $0x104, s15;
	s13 =	rddreg [dreg:$0x4];
	[sflag:s18] =	ssyncset.done $0x0  }
0x218: {  	[sflag:s18] =	ssyncadd.s32 $0xFFFFC7C0;
	s13 =	sadd.s32 s14, s13  }
0x219: {  	[tilespmem:s3], [sflag:$0x3] =	stream.linear.gather [hbm4b:s13+s3], $0x820, $0x38;
	[tilespmem:$0x1FAC0] =	vst v63  }
0x21a: {  	_ =	swait.ge [sflag:s18], $0x820  }
0x21b: {  	s17 =	rddreg [dreg:$0x3];
	[sflag:s18] =	ssyncset.done $0x0  }
0x21c: {  	s13 =	sadd.s32 s14, s17;
	[sflag:s18] =	ssyncadd.s32 $0xFFFFF7E0  }
0x21d: {  	[tilespmem:s19], [sflag:$0x3] =	stream.linear.gather [hbm4b:s13+s3], $0x820, $0x38;
	[tilespmem:$0x1FAC0] =	vst v63  }
0x21e: {  	_ =	swait.ge [sflag:s18], $0x820  }
0x21f: {  	[sflag:s18] =	ssyncset.done $0x0  }
0x220: {  	[sflag:s18] =	ssyncadd.s32 $0xFFFFF7E0  }
0x221: {  	[tilespmem:s21], [sflag:$0x1] =	stream.indirect.gather [hbm4b:s24+s20], $0x90, s3, s20, $0xb8;
	[tilespmem:$0x1FAC0] =	vst v63  }
0x222: {  	s15 =	rddreg [dreg:$0x5]  }
0x223: {  	[tilespmem:s22], [sflag:$0x2] =	stream.indirect.gather [hbm4b:s24+s20], $0x90, s15, s20, $0xb8;
	[tilespmem:$0x1FAC0] =	vst v63  }
0x224: {  	_ =	swait.ge [sflag:s23], $0x3840  }
0x225: {  	[sflag:s23] =	ssyncset.done $0x0  }
0x226: {  	[sflag:s23] =	ssyncadd.s32 $0xFFFFC7C0  }
0x227: {  	[spmem:s2] =	stream.indirect.scatter.add.f32 [tilespmem:s21], [sflag:$0x3], $0x90, s19, s20, $0xb8;
	[tilespmem:$0x1FAC0] =	vst v63  }
0x228: {  	_ =	swait.ge [sflag:s18], $0x3840  }
0x229: {  	[sflag:s18] =	ssyncset.done $0x0  }
0x22a: {  	s17 =	rddreg [dreg:$0x6];
	[sflag:s18] =	ssyncadd.s32 $0xFFFFC7C0  }
0x22b: {  	[tilespmem:s21], [sflag:$0x1] =	stream.indirect.gather [hbm4b:s24+s20], $0x90, s17, s20, $0xb8;
	[tilespmem:$0x1FAC0] =	vst v63  }
0x22c: {  	_ =	swait.ge [sflag:s16], $0x3840  }
0x22d: {  	[sflag:s16] =	ssyncset.done $0x0  }
0x22e: {  	s14 =	rddreg [dreg:$0x7];
	[sflag:s16] =	ssyncadd.s32 $0xFFFFC7C0  }
0x22f: {  	[spmem:s2] =	stream.indirect.scatter.add.f32 [tilespmem:s22], [sflag:$0x3], $0x90, s14, s20, $0xb8;
	[tilespmem:$0x1FAC0] =	vst v63  }
0x230: {  	_ =	swait.ge [sflag:s18], $0x3840  }
0x231: {  	[sflag:s18] =	ssyncset.done $0x0  }
0x232: {  	s15 =	rddreg [dreg:$0x8];
	[sflag:s18] =	ssyncadd.s32 $0xFFFFC7C0  }
0x233: {  	[tilespmem:s22], [sflag:$0x2] =	stream.indirect.gather [hbm4b:s24+s20], $0x90, s15, s20, $0xb8;
	[tilespmem:$0x1FAC0] =	vst v63  }
0x234: {  	_ =	swait.ge [sflag:s23], $0x3840  }
0x235: {  	[sflag:s23] =	ssyncset.done $0x0  }
0x236: {  	s17 =	rddreg [dreg:$0x9];
	[sflag:s23] =	ssyncadd.s32 $0xFFFFC7C0  }
0x237: {  	[spmem:s2] =	stream.indirect.scatter.add.f32 [tilespmem:s21], [sflag:$0x3], $0x90, s17, s20, $0xb8;
	[tilespmem:$0x1FAC0] =	vst v63  }
0x238: {  	_ =	swait.ge [sflag:s18], $0x3840  }
0x239: {  	[sflag:s18] =	ssyncset.done $0x0  }
0x23a: {  	s14 =	rddreg [dreg:$0xa];
	[sflag:s18] =	ssyncadd.s32 $0xFFFFC7C0  }
0x23b: {  	[tilespmem:s21], [sflag:$0x1] =	stream.indirect.gather [hbm4b:s24+s20], $0x90, s14, s20, $0xb8;
	[tilespmem:$0x1FAC0] =	vst v63  }
0x23c: {  	_ =	swait.ge [sflag:s16], $0x3840  }
0x23d: {  	[sflag:s16] =	ssyncset.done $0x0  }
0x23e: {  	s15 =	rddreg [dreg:$0xb];
	[sflag:s16] =	ssyncadd.s32 $0xFFFFC7C0  }
0x23f: {  	[spmem:s2] =	stream.indirect.scatter.add.f32 [tilespmem:s22], [sflag:$0x3], $0x90, s15, s20, $0xb8;
	[tilespmem:$0x1FAC0] =	vst v63  }
0x240: {  	_ =	swait.ge [sflag:s18], $0x3840  }
0x241: {  	[sflag:s18] =	ssyncset.done $0x0  }
0x242: {  	s17 =	rddreg [dreg:$0xc];
	[sflag:s18] =	ssyncadd.s32 $0xFFFFC7C0  }
0x243: {  	[tilespmem:s22], [sflag:$0x2] =	stream.indirect.gather [hbm4b:s24+s20], $0x90, s17, s20, $0xb8;
	[tilespmem:$0x1FAC0] =	vst v63  }
0x244: {  	_ =	swait.ge [sflag:s23], $0x3840  }
0x245: {  	[sflag:s23] =	ssyncset.done $0x0  }
0x246: {  	s14 =	rddreg [dreg:$0xd];
	[sflag:s23] =	ssyncadd.s32 $0xFFFFC7C0  }
0x247: {  	[spmem:s2] =	stream.indirect.scatter.add.f32 [tilespmem:s21], [sflag:$0x3], $0x90, s14, s20, $0xb8;
	[tilespmem:$0x1FAC0] =	vst v63  }
0x248: {  	_ =	swait.ge [sflag:s18], $0x3840  }
0x249: {  	[sflag:s18] =	ssyncset.done $0x0  }
0x24a: {  	s15 =	rddreg [dreg:$0xe];
	[sflag:s18] =	ssyncadd.s32 $0xFFFFC7C0  }
0x24b: {  	[tilespmem:s21], [sflag:$0x1] =	stream.indirect.gather [hbm4b:s24+s20], $0x90, s15, s20, $0xb8;
	[tilespmem:$0x1FAC0] =	vst v63  }
0x24c: {  	_ =	swait.ge [sflag:s16], $0x3840  }
0x24d: {  	[sflag:s16] =	ssyncset.done $0x0  }
0x24e: {  	s17 =	rddreg [dreg:$0xf];
	[sflag:s16] =	ssyncadd.s32 $0xFFFFC7C0  }
0x24f: {  	[spmem:s2] =	stream.indirect.scatter.add.f32 [tilespmem:s22], [sflag:$0x3], $0x90, s17, s20, $0xb8;
	[tilespmem:$0x1FAC0] =	vst v63  }
0x250: {  	_ =	swait.ge [sflag:s18], $0x3840  }
0x251: {  	[sflag:s18] =	ssyncset.done $0x0  }
0x252: {  	s14 =	rddreg [dreg:$0x10];
	[sflag:s18] =	ssyncadd.s32 $0xFFFFC7C0  }
0x253: {  	[tilespmem:s22], [sflag:$0x2] =	stream.indirect.gather [hbm4b:s24+s20], $0x90, s14, s20, $0xb8;
	[tilespmem:$0x1FAC0] =	vst v63  }
0x254: {  	_ =	swait.ge [sflag:s23], $0x3840  }
0x255: {  	[sflag:s23] =	ssyncset.done $0x0  }
0x256: {  	s15 =	rddreg [dreg:$0x11];
	[sflag:s23] =	ssyncadd.s32 $0xFFFFC7C0  }
0x257: {  	[spmem:s2] =	stream.indirect.scatter.add.f32 [tilespmem:s21], [sflag:$0x3], $0x90, s15, s20, $0xb8;
	[tilespmem:$0x1FAC0] =	vst v63  }
0x258: {  	_ =	swait.ge [sflag:s18], $0x3840  }
0x259: {  	[sflag:s18] =	ssyncset.done $0x0  }
0x25a: {  	s17 =	rddreg [dreg:$0x12];
	[sflag:s18] =	ssyncadd.s32 $0xFFFFC7C0  }
0x25b: {  	[tilespmem:s21], [sflag:$0x1] =	stream.indirect.gather [hbm4b:s24+s20], $0x90, s17, s20, $0xb8;
	[tilespmem:$0x1FAC0] =	vst v63  }
0x25c: {  	_ =	swait.ge [sflag:s16], $0x3840  }
0x25d: {  	[sflag:s16] =	ssyncset.done $0x0  }
0x25e: {  	s14 =	rddreg [dreg:$0x13];
	[sflag:s16] =	ssyncadd.s32 $0xFFFFC7C0  }
0x25f: {  	[spmem:s2] =	stream.indirect.scatter.add.f32 [tilespmem:s22], [sflag:$0x3], $0x90, s14, s20, $0xb8;
	[tilespmem:$0x1FAC0] =	vst v63  }
0x260: {  	_ =	swait.ge [sflag:s18], $0x3840  }
0x261: {  	[sflag:s18] =	ssyncset.done $0x0  }
0x262: {  	s15 =	rddreg [dreg:$0x14];
	[sflag:s18] =	ssyncadd.s32 $0xFFFFC7C0  }
0x263: {  	[tilespmem:s22], [sflag:$0x2] =	stream.indirect.gather [hbm4b:s24+s20], $0x90, s15, s20, $0xb8;
	[tilespmem:$0x1FAC0] =	vst v63  }
0x264: {  	_ =	swait.ge [sflag:s23], $0x3840  }
0x265: {  	[sflag:s23] =	ssyncset.done $0x0  }
0x266: {  	s17 =	rddreg [dreg:$0x15];
	[sflag:s23] =	ssyncadd.s32 $0xFFFFC7C0  }
0x267: {  	[spmem:s2] =	stream.indirect.scatter.add.f32 [tilespmem:s21], [sflag:$0x3], $0x90, s17, s20, $0xb8;
	[tilespmem:$0x1FAC0] =	vst v63  }
0x268: {  	_ =	swait.ge [sflag:s18], $0x3840  }
0x269: {  	[sflag:s18] =	ssyncset.done $0x0  }
0x26a: {  	s14 =	rddreg [dreg:$0x16];
	[sflag:s18] =	ssyncadd.s32 $0xFFFFC7C0  }
0x26b: {  	[tilespmem:s21], [sflag:$0x1] =	stream.indirect.gather [hbm4b:s24+s20], $0x90, s14, s20, $0xb8;
	[tilespmem:$0x1FAC0] =	vst v63  }
0x26c: {  	_ =	swait.ge [sflag:s16], $0x3840  }
0x26d: {  	[sflag:s16] =	ssyncset.done $0x0  }
0x26e: {  	s15 =	rddreg [dreg:$0x17];
	[sflag:s16] =	ssyncadd.s32 $0xFFFFC7C0  }
0x26f: {  	[spmem:s2] =	stream.indirect.scatter.add.f32 [tilespmem:s22], [sflag:$0x3], $0x90, s15, s20, $0xb8;
	[tilespmem:$0x1FAC0] =	vst v63  }
0x270: {  	_ =	swait.ge [sflag:s18], $0x3840  }
0x271: {  	[sflag:s18] =	ssyncset.done $0x0  }
0x272: {  	s17 =	rddreg [dreg:$0x18];
	[sflag:s18] =	ssyncadd.s32 $0xFFFFC7C0  }
0x273: {  	[tilespmem:s22], [sflag:$0x2] =	stream.indirect.gather [hbm4b:s24+s20], $0x90, s17, s20, $0xb8;
	[tilespmem:$0x1FAC0] =	vst v63  }
0x274: {  	_ =	swait.ge [sflag:s23], $0x3840  }
0x275: {  	[sflag:s23] =	ssyncset.done $0x0  }
0x276: {  	s14 =	rddreg [dreg:$0x19];
	[sflag:s23] =	ssyncadd.s32 $0xFFFFC7C0  }
0x277: {  	[spmem:s2] =	stream.indirect.scatter.add.f32 [tilespmem:s21], [sflag:$0x3], $0x90, s14, s20, $0xb8;
	[tilespmem:$0x1FAC0] =	vst v63  }
0x278: {  	_ =	swait.ge [sflag:s18], $0x3840  }
0x279: {  	[sflag:s18] =	ssyncset.done $0x0  }
0x27a: {  	[sflag:s18] =	ssyncadd.s32 $0xFFFFC7C0  }
0x27b: {  	[tilespmem:s21], [sflag:$0x1] =	stream.indirect.gather [hbm4b:s24+s20], $0x90, s25, s20, $0xb8;
	[tilespmem:$0x1FAC0] =	vst v63  }
0x27c: {  	_ =	swait.ge [sflag:s16], $0x3840  }
0x27d: {  	[sflag:s16] =	ssyncset.done $0x0  }
0x27e: {  	[sflag:s16] =	ssyncadd.s32 $0xFFFFC7C0  }
0x27f: {  	[spmem:s2] =	stream.indirect.scatter.add.f32 [tilespmem:s22], [sflag:$0x3], $0x90, s26, s20, $0xb8;
	[tilespmem:$0x1FAC0] =	vst v63  }
0x280: {  	_ =	swait.ge [sflag:s18], $0x3840  }
0x281: {  	[sflag:s18] =	ssyncset.done $0x0  }
0x282: {  	[sflag:s18] =	ssyncadd.s32 $0xFFFFC7C0  }
0x283: {  	[tilespmem:s22], [sflag:$0x2] =	stream.indirect.gather [hbm4b:s24+s20], $0x90, s28, s20, $0xb8;
	[tilespmem:$0x1FAC0] =	vst v63  }
0x284: {  	_ =	swait.ge [sflag:s23], $0x3840  }
0x285: {  	[sflag:s23] =	ssyncset.done $0x0  }
0x286: {  	[sflag:s23] =	ssyncadd.s32 $0xFFFFC7C0  }
0x287: {  	[spmem:s2] =	stream.indirect.scatter.add.f32 [tilespmem:s21], [sflag:$0x3], $0x90, s29, s20, $0xb8;
	[tilespmem:$0x1FAC0] =	vst v63  }
0x288: {  	_ =	swait.ge [sflag:s18], $0x3840  }
0x289: {  	[sflag:s18] =	ssyncset.done $0x0  }
0x28a: {  	[sflag:s18] =	ssyncadd.s32 $0xFFFFC7C0  }
0x28b: {  	[tilespmem:s21], [sflag:$0x1] =	stream.indirect.gather [hbm4b:s24+s20], $0x90, s30, s20, $0xb8;
	[tilespmem:$0x1FAC0] =	vst v63  }
0x28c: {  	_ =	swait.ge [sflag:s16], $0x3840  }
0x28d: {  	[sflag:s16] =	ssyncset.done $0x0  }
0x28e: {  	[sflag:s16] =	ssyncadd.s32 $0xFFFFC7C0  }
0x28f: {  	[spmem:s2] =	stream.indirect.scatter.add.f32 [tilespmem:s22], [sflag:$0x3], $0x90, s31, s20, $0xb8;
	[tilespmem:$0x1FAC0] =	vst v63  }
0x290: {  	_ =	swait.ge [sflag:s18], $0x3840  }
0x291: {  	[sflag:s18] =	ssyncset.done $0x0  }
0x292: {  	[sflag:s18] =	ssyncadd.s32 $0xFFFFC7C0  }
0x293: {  	[tilespmem:s22], [sflag:$0x2] =	stream.indirect.gather [hbm4b:s24+s20], $0x90, s0, s20, $0xb8;
	[tilespmem:$0x1FAC0] =	vst v63  }
0x294: {  	_ =	swait.ge [sflag:s23], $0x3840  }
0x295: {  	[sflag:s23] =	ssyncset.done $0x0  }
0x296: {  	[sflag:s23] =	ssyncadd.s32 $0xFFFFC7C0  }
0x297: {  	[spmem:s2] =	stream.indirect.scatter.add.f32 [tilespmem:s21], [sflag:$0x3], $0x90, s1, s20, $0xb8;
	[tilespmem:$0x1FAC0] =	vst v63  }
0x298: {  	_ =	swait.ge [sflag:s18], $0x3840  }
0x299: {  	[sflag:s18] =	ssyncset.done $0x0  }
0x29a: {  	[sflag:s18] =	ssyncadd.s32 $0xFFFFC7C0  }
0x29b: {  	[tilespmem:s21], [sflag:$0x1] =	stream.indirect.gather [hbm4b:s24+s20], $0x90, s4, s20, $0xb8;
	[tilespmem:$0x1FAC0] =	vst v63  }
0x29c: {  	_ =	swait.ge [sflag:s16], $0x3840  }
0x29d: {  	[sflag:s16] =	ssyncset.done $0x0  }
0x29e: {  	[sflag:s16] =	ssyncadd.s32 $0xFFFFC7C0  }
0x29f: {  	[spmem:s2] =	stream.indirect.scatter.add.f32 [tilespmem:s22], [sflag:$0x3], $0x90, s5, s20, $0xb8;
	[tilespmem:$0x1FAC0] =	vst v63  }
0x2a0: {  	_ =	swait.ge [sflag:s18], $0x3840  }
0x2a1: {  	[sflag:s18] =	ssyncset.done $0x0  }
0x2a2: {  	[sflag:s18] =	ssyncadd.s32 $0xFFFFC7C0  }
0x2a3: {  	[tilespmem:s22], [sflag:$0x2] =	stream.indirect.gather [hbm4b:s24+s20], $0x90, s6, s20, $0xb8;
	[tilespmem:$0x1FAC0] =	vst v63  }
0x2a4: {  	_ =	swait.ge [sflag:s23], $0x3840  }
0x2a5: {  	[sflag:s23] =	ssyncset.done $0x0  }
0x2a6: {  	[sflag:s23] =	ssyncadd.s32 $0xFFFFC7C0  }
0x2a7: {  	[spmem:s2] =	stream.indirect.scatter.add.f32 [tilespmem:s21], [sflag:$0x3], $0x90, s7, s20, $0xb8;
	[tilespmem:$0x1FAC0] =	vst v63  }
0x2a8: {  	_ =	swait.ge [sflag:s18], $0x3840  }
0x2a9: {  	[sflag:s18] =	ssyncset.done $0x0  }
0x2aa: {  	[sflag:s18] =	ssyncadd.s32 $0xFFFFC7C0  }
0x2ab: {  	[tilespmem:s21], [sflag:$0x1] =	stream.indirect.gather [hbm4b:s24+s20], $0x90, s8, s20, $0xb8;
	[tilespmem:$0x1FAC0] =	vst v63  }
0x2ac: {  	_ =	swait.ge [sflag:s16], $0x3840  }
0x2ad: {  	[sflag:s16] =	ssyncset.done $0x0  }
0x2ae: {  	[sflag:s16] =	ssyncadd.s32 $0xFFFFC7C0  }
0x2af: {  	[spmem:s2] =	stream.indirect.scatter.add.f32 [tilespmem:s22], [sflag:$0x3], $0x90, s9, s20, $0xb8;
	[tilespmem:$0x1FAC0] =	vst v63  }
0x2b0: {  	_ =	swait.ge [sflag:s18], $0x3840  }
0x2b1: {  	[sflag:s18] =	ssyncset.done $0x0  }
0x2b2: {  	[sflag:s18] =	ssyncadd.s32 $0xFFFFC7C0  }
0x2b3: {  	[tilespmem:s22], [sflag:$0x2] =	stream.indirect.gather [hbm4b:s24+s20], $0x90, s10, s20, $0xb8;
	[tilespmem:$0x1FAC0] =	vst v63  }
0x2b4: {  	_ =	swait.ge [sflag:s23], $0x3840  }
0x2b5: {  	[sflag:s23] =	ssyncset.done $0x0  }
0x2b6: {  	[sflag:s23] =	ssyncadd.s32 $0xFFFFC7C0  }
0x2b7: {  	[spmem:s2] =	stream.indirect.scatter.add.f32 [tilespmem:s21], [sflag:$0x3], $0x90, s11, s20, $0xb8;
	[tilespmem:$0x1FAC0] =	vst v63  }
0x2b8: {  	_ =	swait.ge [sflag:s18], $0x3840  }
0x2b9: {  	[sflag:s18] =	ssyncset.done $0x0  }
0x2ba: {  	[sflag:s18] =	ssyncadd.s32 $0xFFFFC7C0  }
0x2bb: {  	_ =	swait.ge [sflag:s16], $0x3840  }
0x2bc: {  	[sflag:s16] =	ssyncset.done $0x0  }
0x2bd: {  	[sflag:s16] =	ssyncadd.s32 $0xFFFFC7C0  }
0x2be: {  	[spmem:s2] =	stream.indirect.scatter.add.f32 [tilespmem:s22], [sflag:$0x3], $0x90, s12, s20, $0xb8;
	[tilespmem:$0x1FAC0] =	vst v63  }
0x2bf: {  	_ =	swait.ge [sflag:s18], $0x3840  }
0x2c0: {  	[sflag:s18] =	ssyncset.done $0x0  }
0x2c1: {  	[sflag:s18] =	ssyncadd.s32 $0xFFFFC7C0  }
0x2c2: {  	[bflag:$0x0] =	sbarrier.arrive $0xFFFF  }
0x2c3: {  	s15 =	sld [smem:$0x7E9];
	_ =	sdelay $0x1  }
0x2c4: {  	s14 =	simm.s32 $0x80C0  }
0x2c5: {  	[tilespmem:s14], [sflag:$0x3] =	stream.linear.gather [spmem:s15], $0x1200, $0x38;
	[tilespmem:$0x1FAC0] =	vst v63  }
0x2c6: {  	_ =	swait.ge [sflag:s18], $0x1200  }
0x2c7: {  	[sflag:s18] =	ssyncset.done $0x0  }
0x2c8: {  	s17 =	rddreg [dreg:$0x1a];
	[sflag:s18] =	ssyncadd.s32 $0xFFFFEE00  }
0x2c9: {  	[hbm4b:s17+s3] =	stream.linear.scatter [tilespmem:s14], [sflag:$0x3], $0x1200, $0x38;
	[tilespmem:$0x1FAC0] =	vst v63  }
0x2ca: {  	_ =	swait.ge [sflag:s18], $0x1200  }
0x2cb: {  	s15 =	sld [smem:$0x7EA]  }
0x2cc: {  	[sflag:s18] =	ssyncset.done $0x0  }
0x2cd: {  	[sflag:s18] =	ssyncadd.s32 $0xFFFFEE00  }
0x2ce: {  	[tilespmem:s14], [sflag:$0x3] =	stream.linear.gather [spmem:s15], $0x1200, $0x38;
	[tilespmem:$0x1FAC0] =	vst v63  }
0x2cf: {  	_ =	swait.ge [sflag:s18], $0x1200  }
0x2d0: {  	[sflag:s18] =	ssyncset.done $0x0  }
0x2d1: {  	s17 =	rddreg [dreg:$0x1b];
	[sflag:s18] =	ssyncadd.s32 $0xFFFFEE00  }
0x2d2: {  	[hbm4b:s17+s3] =	stream.linear.scatter [tilespmem:s14], [sflag:$0x3], $0x1200, $0x38;
	[tilespmem:$0x1FAC0] =	vst v63  }
0x2d3: {  	_ =	swait.ge [sflag:s18], $0x1200  }
0x2d4: {  	s15 =	sld [smem:$0x7EB]  }
0x2d5: {  	[sflag:s18] =	ssyncset.done $0x0  }
0x2d6: {  	[sflag:s18] =	ssyncadd.s32 $0xFFFFEE00  }
0x2d7: {  	[tilespmem:s14], [sflag:$0x3] =	stream.linear.gather [spmem:s15], $0x1200, $0x38;
	[tilespmem:$0x1FAC0] =	vst v63  }
0x2d8: {  	_ =	swait.ge [sflag:s18], $0x1200  }
0x2d9: {  	[sflag:s18] =	ssyncset.done $0x0  }
0x2da: {  	s17 =	rddreg [dreg:$0x1c];
	[sflag:s18] =	ssyncadd.s32 $0xFFFFEE00  }
0x2db: {  	[hbm4b:s17+s3] =	stream.linear.scatter [tilespmem:s14], [sflag:$0x3], $0x1200, $0x38;
	[tilespmem:$0x1FAC0] =	vst v63  }
0x2dc: {  	_ =	swait.ge [sflag:s18], $0x1200  }
0x2dd: {  	s15 =	sld [smem:$0x7EC]  }
0x2de: {  	[sflag:s18] =	ssyncset.done $0x0  }
0x2df: {  	[sflag:s18] =	ssyncadd.s32 $0xFFFFEE00  }
0x2e0: {  	[tilespmem:s14], [sflag:$0x3] =	stream.linear.gather [spmem:s15], $0x1200, $0x38;
	[tilespmem:$0x1FAC0] =	vst v63  }
0x2e1: {  	_ =	swait.ge [sflag:s18], $0x1200  }
0x2e2: {  	[sflag:s18] =	ssyncset.done $0x0  }
0x2e3: {  	s17 =	rddreg [dreg:$0x1d];
	[sflag:s18] =	ssyncadd.s32 $0xFFFFEE00  }
0x2e4: {  	[hbm4b:s17+s3] =	stream.linear.scatter [tilespmem:s14], [sflag:$0x3], $0x1200, $0x38;
	[tilespmem:$0x1FAC0] =	vst v63  }
0x2e5: {  	_ =	swait.ge [sflag:s18], $0x1200  }
0x2e6: {  	s15 =	sld [smem:$0x7ED]  }
0x2e7: {  	[sflag:s18] =	ssyncset.done $0x0  }
0x2e8: {  	[sflag:s18] =	ssyncadd.s32 $0xFFFFEE00  }
0x2e9: {  	[tilespmem:s14], [sflag:$0x3] =	stream.linear.gather [spmem:s15], $0x1200, $0x38;
	[tilespmem:$0x1FAC0] =	vst v63  }
0x2ea: {  	_ =	swait.ge [sflag:s18], $0x1200  }
0x2eb: {  	[sflag:s18] =	ssyncset.done $0x0  }
0x2ec: {  	s17 =	rddreg [dreg:$0x1e];
	[sflag:s18] =	ssyncadd.s32 $0xFFFFEE00  }
0x2ed: {  	[hbm4b:s17+s3] =	stream.linear.scatter [tilespmem:s14], [sflag:$0x3], $0x1200, $0x38;
	[tilespmem:$0x1FAC0] =	vst v63  }
0x2ee: {  	_ =	swait.ge [sflag:s18], $0x1200  }
0x2ef: {  	s15 =	sld [smem:$0x7EE]  }
0x2f0: {  	[sflag:s18] =	ssyncset.done $0x0  }
0x2f1: {  	[sflag:s18] =	ssyncadd.s32 $0xFFFFEE00  }
0x2f2: {  	[tilespmem:s14], [sflag:$0x3] =	stream.linear.gather [spmem:s15], $0x1200, $0x38;
	[tilespmem:$0x1FAC0] =	vst v63  }
0x2f3: {  	_ =	swait.ge [sflag:s18], $0x1200  }
0x2f4: {  	[sflag:s18] =	ssyncset.done $0x0  }
0x2f5: {  	s17 =	rddreg [dreg:$0x1f];
	[sflag:s18] =	ssyncadd.s32 $0xFFFFEE00  }
0x2f6: {  	[hbm4b:s17+s3] =	stream.linear.scatter [tilespmem:s14], [sflag:$0x3], $0x1200, $0x38;
	[tilespmem:$0x1FAC0] =	vst v63  }
0x2f7: {  	_ =	swait.ge [sflag:s18], $0x1200  }
0x2f8: {  	s15 =	sld [smem:$0x7EF]  }
0x2f9: {  	[sflag:s18] =	ssyncset.done $0x0  }
0x2fa: {  	[sflag:s18] =	ssyncadd.s32 $0xFFFFEE00  }
0x2fb: {  	[tilespmem:s14], [sflag:$0x3] =	stream.linear.gather [spmem:s15], $0x1200, $0x38;
	[tilespmem:$0x1FAC0] =	vst v63  }
0x2fc: {  	_ =	swait.ge [sflag:s18], $0x1200  }
0x2fd: {  	s17 =	sld [smem:$0x7DB]  }
0x2fe: {  	[sflag:s18] =	ssyncset.done $0x0  }
0x2ff: {  	[sflag:s18] =	ssyncadd.s32 $0xFFFFEE00  }
0x300: {  	[hbm4b:s17+s3] =	stream.linear.scatter [tilespmem:s14], [sflag:$0x3], $0x1200, $0x38;
	[tilespmem:$0x1FAC0] =	vst v63  }
0x301: {  	_ =	swait.ge [sflag:s18], $0x1200  }
0x302: {  	s15 =	sld [smem:$0x7F0]  }
0x303: {  	[sflag:s18] =	ssyncset.done $0x0  }
0x304: {  	[sflag:s18] =	ssyncadd.s32 $0xFFFFEE00  }
0x305: {  	[tilespmem:s14], [sflag:$0x3] =	stream.linear.gather [spmem:s15], $0x1200, $0x38;
	[tilespmem:$0x1FAC0] =	vst v63  }
0x306: {  	_ =	swait.ge [sflag:s18], $0x1200  }
0x307: {  	s17 =	sld [smem:$0x7DC]  }
0x308: {  	[sflag:s18] =	ssyncset.done $0x0  }
0x309: {  	[sflag:s18] =	ssyncadd.s32 $0xFFFFEE00  }
0x30a: {  	[hbm4b:s17+s3] =	stream.linear.scatter [tilespmem:s14], [sflag:$0x3], $0x1200, $0x38;
	[tilespmem:$0x1FAC0] =	vst v63  }
0x30b: {  	_ =	swait.ge [sflag:s18], $0x1200  }
0x30c: {  	s15 =	sld [smem:$0x7F1]  }
0x30d: {  	[sflag:s18] =	ssyncset.done $0x0  }
0x30e: {  	[sflag:s18] =	ssyncadd.s32 $0xFFFFEE00  }
0x30f: {  	[tilespmem:s14], [sflag:$0x3] =	stream.linear.gather [spmem:s15], $0x1200, $0x38;
	[tilespmem:$0x1FAC0] =	vst v63  }
0x310: {  	_ =	swait.ge [sflag:s18], $0x1200  }
0x311: {  	s17 =	sld [smem:$0x7DD]  }
0x312: {  	[sflag:s18] =	ssyncset.done $0x0  }
0x313: {  	[sflag:s18] =	ssyncadd.s32 $0xFFFFEE00  }
0x314: {  	[hbm4b:s17+s3] =	stream.linear.scatter [tilespmem:s14], [sflag:$0x3], $0x1200, $0x38;
	[tilespmem:$0x1FAC0] =	vst v63  }
0x315: {  	_ =	swait.ge [sflag:s18], $0x1200  }
0x316: {  	s15 =	sld [smem:$0x7F2]  }
0x317: {  	[sflag:s18] =	ssyncset.done $0x0  }
0x318: {  	[sflag:s18] =	ssyncadd.s32 $0xFFFFEE00  }
0x319: {  	[tilespmem:s14], [sflag:$0x3] =	stream.linear.gather [spmem:s15], $0x1200, $0x38;
	[tilespmem:$0x1FAC0] =	vst v63  }
0x31a: {  	_ =	swait.ge [sflag:s18], $0x1200  }
0x31b: {  	s17 =	sld [smem:$0x7DE]  }
0x31c: {  	[sflag:s18] =	ssyncset.done $0x0  }
0x31d: {  	[sflag:s18] =	ssyncadd.s32 $0xFFFFEE00  }
0x31e: {  	[hbm4b:s17+s3] =	stream.linear.scatter [tilespmem:s14], [sflag:$0x3], $0x1200, $0x38;
	[tilespmem:$0x1FAC0] =	vst v63  }
0x31f: {  	_ =	swait.ge [sflag:s18], $0x1200  }
0x320: {  	s17 =	sld [smem:$0x7FD]  }
0x321: {  	[sflag:s18] =	ssyncset.done $0x0  }
0x322: {  	[sflag:s18] =	ssyncadd.s32 $0xFFFFEE00  }
0x323: {  	[tilespmem:s14], [sflag:$0x3] =	stream.linear.gather [spmem:s17], $0x1200, $0x38;
	[tilespmem:$0x1FAC0] =	vst v63  }
0x324: {  	_ =	swait.ge [sflag:s18], $0x1200  }
0x325: {  	s15 =	sld [smem:$0x7DF]  }
0x326: {  	[sflag:s18] =	ssyncset.done $0x0  }
0x327: {  	[sflag:s18] =	ssyncadd.s32 $0xFFFFEE00  }
0x328: {  	[hbm4b:s15+s3] =	stream.linear.scatter [tilespmem:s14], [sflag:$0x3], $0x1200, $0x38;
	[tilespmem:$0x1FAC0] =	vst v63  }
0x329: {  	_ =	swait.ge [sflag:s18], $0x1200  }
0x32a: {  	s15 =	sld [smem:$0x7F3]  }
0x32b: {  	[sflag:s18] =	ssyncset.done $0x0  }
0x32c: {  	[sflag:s18] =	ssyncadd.s32 $0xFFFFEE00  }
0x32d: {  	[tilespmem:s14], [sflag:$0x3] =	stream.linear.gather [spmem:s15], $0x1200, $0x38;
	[tilespmem:$0x1FAC0] =	vst v63  }
0x32e: {  	_ =	swait.ge [sflag:s18], $0x1200  }
0x32f: {  	s15 =	sld [smem:$0x7E0]  }
0x330: {  	[sflag:s18] =	ssyncset.done $0x0  }
0x331: {  	[sflag:s18] =	ssyncadd.s32 $0xFFFFEE00  }
0x332: {  	[hbm4b:s15+s3] =	stream.linear.scatter [tilespmem:s14], [sflag:$0x3], $0x1200, $0x38;
	[tilespmem:$0x1FAC0] =	vst v63  }
0x333: {  	_ =	swait.ge [sflag:s18], $0x1200  }
0x334: {  	s15 =	sld [smem:$0x7F4]  }
0x335: {  	[sflag:s18] =	ssyncset.done $0x0  }
0x336: {  	[sflag:s18] =	ssyncadd.s32 $0xFFFFEE00  }
0x337: {  	[tilespmem:s14], [sflag:$0x3] =	stream.linear.gather [spmem:s15], $0x1200, $0x38;
	[tilespmem:$0x1FAC0] =	vst v63  }
0x338: {  	_ =	swait.ge [sflag:s18], $0x1200  }
0x339: {  	s15 =	sld [smem:$0x7E1]  }
0x33a: {  	[sflag:s18] =	ssyncset.done $0x0  }
0x33b: {  	[sflag:s18] =	ssyncadd.s32 $0xFFFFEE00  }
0x33c: {  	[hbm4b:s15+s3] =	stream.linear.scatter [tilespmem:s14], [sflag:$0x3], $0x1200, $0x38;
	[tilespmem:$0x1FAC0] =	vst v63  }
0x33d: {  	_ =	swait.ge [sflag:s18], $0x1200  }
0x33e: {  	s15 =	sld [smem:$0x7F5]  }
0x33f: {  	[sflag:s18] =	ssyncset.done $0x0  }
0x340: {  	[sflag:s18] =	ssyncadd.s32 $0xFFFFEE00  }
0x341: {  	[tilespmem:s14], [sflag:$0x3] =	stream.linear.gather [spmem:s15], $0x1200, $0x38;
	[tilespmem:$0x1FAC0] =	vst v63  }
0x342: {  	_ =	swait.ge [sflag:s18], $0x1200  }
0x343: {  	s15 =	sld [smem:$0x7E2]  }
0x344: {  	[sflag:s18] =	ssyncset.done $0x0  }
0x345: {  	[sflag:s18] =	ssyncadd.s32 $0xFFFFEE00  }
0x346: {  	[hbm4b:s15+s3] =	stream.linear.scatter [tilespmem:s14], [sflag:$0x3], $0x1200, $0x38;
	[tilespmem:$0x1FAC0] =	vst v63  }
0x347: {  	_ =	swait.ge [sflag:s18], $0x1200  }
0x348: {  	s15 =	sld [smem:$0x7F6]  }
0x349: {  	[sflag:s18] =	ssyncset.done $0x0  }
0x34a: {  	[sflag:s18] =	ssyncadd.s32 $0xFFFFEE00  }
0x34b: {  	[tilespmem:s14], [sflag:$0x3] =	stream.linear.gather [spmem:s15], $0x1200, $0x38;
	[tilespmem:$0x1FAC0] =	vst v63  }
0x34c: {  	_ =	swait.ge [sflag:s18], $0x1200  }
0x34d: {  	s15 =	sld [smem:$0x7E3]  }
0x34e: {  	[sflag:s18] =	ssyncset.done $0x0  }
0x34f: {  	[sflag:s18] =	ssyncadd.s32 $0xFFFFEE00  }
0x350: {  	[hbm4b:s15+s3] =	stream.linear.scatter [tilespmem:s14], [sflag:$0x3], $0x1200, $0x38;
	[tilespmem:$0x1FAC0] =	vst v63  }
0x351: {  	_ =	swait.ge [sflag:s18], $0x1200  }
0x352: {  	s15 =	sld [smem:$0x7F7]  }
0x353: {  	[sflag:s18] =	ssyncset.done $0x0  }
0x354: {  	[sflag:s18] =	ssyncadd.s32 $0xFFFFEE00  }
0x355: {  	[tilespmem:s14], [sflag:$0x3] =	stream.linear.gather [spmem:s15], $0x1200, $0x38;
	[tilespmem:$0x1FAC0] =	vst v63  }
0x356: {  	_ =	swait.ge [sflag:s18], $0x1200  }
0x357: {  	s15 =	sld [smem:$0x7E4]  }
0x358: {  	[sflag:s18] =	ssyncset.done $0x0  }
0x359: {  	[sflag:s18] =	ssyncadd.s32 $0xFFFFEE00  }
0x35a: {  	[hbm4b:s15+s3] =	stream.linear.scatter [tilespmem:s14], [sflag:$0x3], $0x1200, $0x38;
	[tilespmem:$0x1FAC0] =	vst v63  }
0x35b: {  	_ =	swait.ge [sflag:s18], $0x1200  }
0x35c: {  	s15 =	sld [smem:$0x7F8]  }
0x35d: {  	[sflag:s18] =	ssyncset.done $0x0  }
0x35e: {  	[sflag:s18] =	ssyncadd.s32 $0xFFFFEE00  }
0x35f: {  	[tilespmem:s14], [sflag:$0x3] =	stream.linear.gather [spmem:s15], $0x1200, $0x38;
	[tilespmem:$0x1FAC0] =	vst v63  }
0x360: {  	_ =	swait.ge [sflag:s18], $0x1200  }
0x361: {  	s15 =	sld [smem:$0x7E5]  }
0x362: {  	[sflag:s18] =	ssyncset.done $0x0  }
0x363: {  	[sflag:s18] =	ssyncadd.s32 $0xFFFFEE00  }
0x364: {  	[hbm4b:s15+s3] =	stream.linear.scatter [tilespmem:s14], [sflag:$0x3], $0x1200, $0x38;
	[tilespmem:$0x1FAC0] =	vst v63  }
0x365: {  	_ =	swait.ge [sflag:s18], $0x1200  }
0x366: {  	s15 =	sld [smem:$0x7F9]  }
0x367: {  	[sflag:s18] =	ssyncset.done $0x0  }
0x368: {  	[sflag:s18] =	ssyncadd.s32 $0xFFFFEE00  }
0x369: {  	[tilespmem:s14], [sflag:$0x3] =	stream.linear.gather [spmem:s15], $0x1200, $0x38;
	[tilespmem:$0x1FAC0] =	vst v63  }
0x36a: {  	_ =	swait.ge [sflag:s18], $0x1200  }
0x36b: {  	s15 =	sld [smem:$0x7E6]  }
0x36c: {  	[sflag:s18] =	ssyncset.done $0x0  }
0x36d: {  	[sflag:s18] =	ssyncadd.s32 $0xFFFFEE00  }
0x36e: {  	[hbm4b:s15+s3] =	stream.linear.scatter [tilespmem:s14], [sflag:$0x3], $0x1200, $0x38;
	[tilespmem:$0x1FAC0] =	vst v63  }
0x36f: {  	_ =	swait.ge [sflag:s18], $0x1200  }
0x370: {  	s15 =	sld [smem:$0x7FA]  }
0x371: {  	[sflag:s18] =	ssyncset.done $0x0  }
0x372: {  	[sflag:s18] =	ssyncadd.s32 $0xFFFFEE00  }
0x373: {  	[tilespmem:s14], [sflag:$0x3] =	stream.linear.gather [spmem:s15], $0x1200, $0x38;
	[tilespmem:$0x1FAC0] =	vst v63  }
0x374: {  	_ =	swait.ge [sflag:s18], $0x1200  }
0x375: {  	s15 =	sld [smem:$0x7E7]  }
0x376: {  	[sflag:s18] =	ssyncset.done $0x0  }
0x377: {  	[sflag:s18] =	ssyncadd.s32 $0xFFFFEE00  }
0x378: {  	[hbm4b:s15+s3] =	stream.linear.scatter [tilespmem:s14], [sflag:$0x3], $0x1200, $0x38;
	[tilespmem:$0x1FAC0] =	vst v63  }
0x379: {  	_ =	swait.ge [sflag:s18], $0x1200  }
0x37a: {  	s15 =	sld [smem:$0x7FB]  }
0x37b: {  	[sflag:s18] =	ssyncset.done $0x0  }
0x37c: {  	[sflag:s18] =	ssyncadd.s32 $0xFFFFEE00  }
0x37d: {  	[tilespmem:s14], [sflag:$0x3] =	stream.linear.gather [spmem:s15], $0x1200, $0x38;
	[tilespmem:$0x1FAC0] =	vst v63  }
0x37e: {  	_ =	swait.ge [sflag:s18], $0x1200  }
0x37f: {  	s15 =	sld [smem:$0x7E8]  }
0x380: {  	[sflag:s18] =	ssyncset.done $0x0  }
0x381: {  	[sflag:s18] =	ssyncadd.s32 $0xFFFFEE00  }
0x382: {  	[hbm4b:s15+s3] =	stream.linear.scatter [tilespmem:s14], [sflag:$0x3], $0x1200, $0x38;
	[tilespmem:$0x1FAC0] =	vst v63  }
0x383: {  	_ =	swait.ge [sflag:s18], $0x1200  }
0x384: {  	s13 =	sld [smem:$0x7DA]  }
0x385: {  	s15 =	sld [smem:$0x7FC];
	_ =	sdelay $0x1  }
0x386: {  	s14 =	sadd.s32 $0x1, s13  }
0x387: {  	p0 =	sne.s32 s14, s15  }
.Ltmp2:
0x388: {  	_ = 	snop;
	(pc) =	sbr.rel @p0 .LBB2_1-.Ltmp2, $3  }
0x389: {  	_ =	sdelay $0x1  }
0x38a: {  	[sflag:s18] =	ssyncset.done $0x0  }
0x38b: {  	[sflag:s18] =	ssyncadd.s32 $0xFFFFEE00  }
0x38c: {  	_ =	sfence.sel $0x180000  }
0x38d: {  	[bflag:$0x0] =	sbarrier.arrive $0xFFFF  }
0x38e: {  	_ =	strace $0x90000047  }
0x38f: {  	s0 =	stileid.u32;
	[bflag:$0x2] =	sbarrier.arrive $0xFFFF  }
0x390: {  	p0 =	sne.s32 s0, $0x0;
	s0 =	rddreg [dreg:$0x2]  }
0x391: {  	s0 =	sadd.s32 @!p0 $0x100000, s0  }
0x392: {  	[sflag:s0] =	ssyncadd.tile.s32 @!p0 $0x1;
	_ =	shalt  }
.Lfunc_end2:
_tile_overlayer_lowered:
.L_overlay_start_2:
0x393: {  	(tag) =	ssettag $0x2  }
0x394: {  	s0 =	rddreg [dreg:$0x0];
	s2 =	stileid.u32  }
0x395: {  	s1 =	rddreg [dreg:$0x1];
	p0 =	sne.s32 s2, $0x0  }
0x396: {  	s3 =	rddreg [dreg:$0x2];
	[bflag:$0x3] =	sbarrier.arrive $0xFFFF;
	s2 =	simm.s32 @!p0 $0x1C03  }
0x397: {  	[timem:s3], [sflag:s2] =	dma.local @!p0 [hbm:s0], s1  }
0x398: {  	s0 =	simm.s32 @!p0 $0x3  }
0x399: {  	_ =	swait.ge @!p0 [sflag:s0], s1  }
0x39a: {  	s1 =	ssub.s32 @!p0 $0x0, s1;
	[sflag:s0] =	ssyncset.done @!p0 $0x0  }
0x39b: {  	[sflag:s0] =	ssyncadd.s32 @!p0 s1  }
0x39c: {  	[bflag:$0x3] =	sbarrier.arrive $0xFFFF  }
0x39d: {  	_ =	shalt  }

</sc_bundles>
